<compile_context>
chip_gen: v7x
topology: tpu7x:2x2x1
jax: 0.10.2.dev20260603
libtpu: 0.0.44.dev20260713+nightly
codegen_flags: <defaults>
</compile_context>

<pallas_src>
import functools

import jax
import jax.numpy as jnp
from jax import lax
from jax.experimental import pallas as pl
from jax.experimental.pallas import tpu as pltpu
from jax.experimental.pallas import tpu_sc as plsc

B = 16384
D = 32
NC = 2
NS = 16
NW = NC * NS
BPW = B // NW
CHUNK = 128
NCHUNK = BPW // CHUNK
V = 1000000

UB = 2048
RGRID = -(-V // UB)
SUP = UB // 4
VSUP = RGRID * SUP

TC_BLK = 2048
TC_GRID = B // TC_BLK


def _relayout_body(src_ref, dst_ref):
    x = src_ref[...]
    xt = x.T
    dst_ref[...] = jnp.concatenate(
        [xt[k * SUP:(k + 1) * SUP] for k in range(4)], axis=1)


def _relayout(table_t):
    return pl.pallas_call(
        _relayout_body,
        grid=(RGRID,),
        in_specs=[pl.BlockSpec((D, UB), lambda i: (0, i))],
        out_specs=pl.BlockSpec((SUP, 128), lambda i: (i, 0)),
        out_shape=jax.ShapeDtypeStruct((VSUP, 128), jnp.float32),
    )(table_t)


def _gather_body(user_hbm, item_hbm, theta_hbm, a_hbm, b_hbm,
                 th_out, av_out, bv_out,
                 uidx, iidx, su, thv, avv, bv, thc, sem):
    wid = lax.axis_index("s") * NC + lax.axis_index("c")
    base = wid * BPW

    pltpu.sync_copy(user_hbm.at[wid], uidx)
    pltpu.sync_copy(item_hbm.at[wid], iidx)

    for j in range(NCHUNK):
        for k in range(CHUNK // 16):
            sl = pl.ds(k * 16, 16)
            u = uidx[j, sl]
            w = lax.shift_right_logical(u, 11)
            su[j, sl] = w * SUP + (u & (SUP - 1))

    acopies = []
    for j in range(NCHUNK):
        sl = pl.ds(j * CHUNK, CHUNK)
        acopies.append(pltpu.async_copy(a_hbm.at[iidx.at[j]],
                                        avv.at[sl], sem))
        acopies.append(pltpu.async_copy(b_hbm.at[iidx.at[j]],
                                        bv.at[sl], sem))

    for h in range(2):
        copies = []
        for jj in range(2):
            j = 2 * h + jj
            copies.append(pltpu.async_copy(theta_hbm.at[su.at[j]],
                                           thv.at[pl.ds(jj * CHUNK, CHUNK)],
                                           sem))
        for c in copies:
            c.wait()

        def _extract(g, _):
            uvec = uidx[2 * h + g // 8, pl.ds((g % 8) * 16, 16)]
            for rr in range(16):
                r = g * 16 + rr
                uoff = (uvec[rr] & (UB - 1)) // SUP * D
                thc[pl.ds(r * D, 16)] = thv[r, pl.ds(uoff, 16)]
                thc[pl.ds(r * D + 16, 16)] = thv[r, pl.ds(uoff + 16, 16)]
            return 0

        lax.fori_loop(0, 16, _extract, 0)
        pltpu.sync_copy(thc, th_out.at[pl.ds((base + h * 256) * D, 256 * D)])

    for c in acopies:
        c.wait()
    pltpu.sync_copy(avv, av_out.at[pl.ds(base, BPW)])
    pltpu.sync_copy(bv, bv_out.at[pl.ds(base, BPW)])


def _compute_body(th_ref, av_ref, bv_ref, out_ref):
    t = th_ref[...]
    a = av_ref[...]
    b = bv_ref[...]
    sa = jax.nn.sigmoid(a)
    s = jnp.sum(sa * t, axis=-1)
    out_ref[...] = jax.nn.sigmoid(s.reshape(b.shape) - b)


@jax.jit
def _mirt(user, item, theta_w, a_w, b_flat):
    theta_r = _relayout(theta_w.T)

    mesh = plsc.VectorSubcoreMesh(core_axis_name="c", subcore_axis_name="s",
                                  num_cores=NC, num_subcores=NS)
    gather = functools.partial(
        pl.kernel,
        out_type=(
            jax.ShapeDtypeStruct((B * D,), jnp.float32),
            jax.ShapeDtypeStruct((B, D), jnp.float32),
            jax.ShapeDtypeStruct((B,), jnp.float32),
        ),
        mesh=mesh,
        compiler_params=pltpu.CompilerParams(use_tc_tiling_on_sc=False),
        scratch_types=[
            pltpu.VMEM((NCHUNK, CHUNK), jnp.int32),
            pltpu.VMEM((NCHUNK, CHUNK), jnp.int32),
            pltpu.VMEM((NCHUNK, CHUNK), jnp.int32),
            pltpu.VMEM((256, 128), jnp.float32),
            pltpu.VMEM((BPW, D), jnp.float32),
            pltpu.VMEM((BPW,), jnp.float32),
            pltpu.VMEM((256 * D,), jnp.float32),
            pltpu.SemaphoreType.DMA,
        ],
    )(_gather_body)
    th, av, bv = gather(user.reshape(NW, NCHUNK, CHUNK),
                        item.reshape(NW, NCHUNK, CHUNK),
                        theta_r, a_w, b_flat)

    out = pl.pallas_call(
        _compute_body,
        grid=(TC_GRID,),
        in_specs=[
            pl.BlockSpec((TC_BLK, D), lambda i: (i, 0)),
            pl.BlockSpec((TC_BLK, D), lambda i: (i, 0)),
            pl.BlockSpec((8, TC_BLK // 8), lambda i: (i, 0)),
        ],
        out_specs=pl.BlockSpec((8, TC_BLK // 8), lambda i: (i, 0)),
        out_shape=jax.ShapeDtypeStruct((TC_GRID * 8, TC_BLK // 8), jnp.float32),
    )(th.reshape(B, D), av, bv.reshape(TC_GRID * 8, TC_BLK // 8))
    return out.reshape(B)


def kernel(user, item, theta_w, a_w, b_w):
    return _mirt(user, item, theta_w, a_w, b_w.reshape(-1))

# --- scband reference (transcript-rebuilt; emitter-appended) ---
"""Pipeline reference for scband-mirtnet-69793218560002 (READ-ONLY COPY).

The authoritative reference and input builder live on the scoring server;
editing this copy changes nothing except your own understanding.
"""

import jax, jax.numpy as jnp
import numpy as np

USER_NUM = 1000000
ITEM_NUM = 1000000
LATENT_DIM = 32
BATCH = 16384


def setup_inputs(seed: int = 0) -> dict:
    key = jax.random.key(seed)
    k1, k2, k3, k4, k5 = jax.random.split(key, 5)
    user = jax.random.randint(k1, (BATCH,), 0, USER_NUM, dtype=jnp.int64) if jax.config.jax_enable_x64 else jax.random.randint(k1, (BATCH,), 0, USER_NUM, dtype=jnp.int32)
    item = jax.random.randint(k2, (BATCH,), 0, ITEM_NUM, dtype=jnp.int64) if jax.config.jax_enable_x64 else jax.random.randint(k2, (BATCH,), 0, ITEM_NUM, dtype=jnp.int32)
    theta_w = jax.random.normal(k3, (USER_NUM, LATENT_DIM), dtype=jnp.float32)
    a_w = jax.random.normal(k4, (ITEM_NUM, LATENT_DIM), dtype=jnp.float32)
    b_w = jax.random.normal(k5, (ITEM_NUM, 1), dtype=jnp.float32)
    return {"user": user, "item": item, "theta_w": theta_w, "a_w": a_w, "b_w": b_w}


def reference(user, item, theta_w, a_w, b_w):
    # theta = squeeze(Embedding(user), -1): squeeze is a no-op for latent_dim > 1
    theta = jnp.take(theta_w, user, axis=0)
    # a = sigmoid(squeeze(Embedding(item), -1))
    a = jax.nn.sigmoid(jnp.take(a_w, item, axis=0))
    # b = squeeze(Embedding(item), -1) with embedding dim 1 -> [B]
    b = jnp.squeeze(jnp.take(b_w, item, axis=0), axis=-1)
    # irt2pl: 1 / (1 + exp(-sum(a * theta, -1) + b))
    return 1.0 / (1.0 + jnp.exp(-jnp.sum(a * theta, axis=-1) + b))

if __name__ == "__main__":
    import jax
    _d = setup_inputs()
    print(jax.jit(kernel)(*tuple(_d.values())))

</pallas_src>

<mosaic_0001>
#map = affine_map<(d0, d1) -> (0, 0, 0)>
#map1 = affine_map<(d0, d1) -> (0, 0)>
#map2 = affine_map<(d0, d1) -> (0)>
module attributes {stable_mosaic.version = 14 : i64} {
  func.func @_gather_body(%arg0: i32, %arg1: i32, %arg2: memref<32x4x128xi32, #tpu.memory_space<hbm>>, %arg3: memref<32x4x128xi32, #tpu.memory_space<hbm>>, %arg4: memref<250368x128xf32, #tpu.memory_space<hbm>>, %arg5: memref<1000000x32xf32, #tpu.memory_space<hbm>>, %arg6: memref<1000000xf32, #tpu.memory_space<hbm>>, %arg7: memref<524288xf32, #tpu.memory_space<hbm>>, %arg8: memref<16384x32xf32, #tpu.memory_space<hbm>>, %arg9: memref<16384xf32, #tpu.memory_space<hbm>>, %arg10: memref<4x128xi32, #tpu.memory_space<vmem>>, %arg11: memref<4x128xi32, #tpu.memory_space<vmem>>, %arg12: memref<4x128xi32, #tpu.memory_space<vmem>>, %arg13: memref<256x128xf32, #tpu.memory_space<vmem>>, %arg14: memref<512x32xf32, #tpu.memory_space<vmem>>, %arg15: memref<512xf32, #tpu.memory_space<vmem>>, %arg16: memref<8192xf32, #tpu.memory_space<vmem>>, %arg17: memref<!tpu.dma_semaphore, #tpu.memory_space<semaphore_mem>>) attributes {dimension_semantics = [#tpu.dimension_semantics<core_parallel>, #tpu.dimension_semantics<subcore_parallel>], iteration_bounds = array<i64: 2, 16>, scalar_prefetch = 0 : i64, scratch_operands = 8 : i64, tpu.core_type = #tpu.core_type<sc_vector_subcore>, window_params = [{transform_indices = #map}, {transform_indices = #map}, {transform_indices = #map1}, {transform_indices = #map1}, {transform_indices = #map2}, {transform_indices = #map2}, {transform_indices = #map1}, {transform_indices = #map2}]} {
    %mul3A = arith.constant 2 : i32
    %mul3A_0 = arith.muli %arg1, %mul3A : i32
    %add3A = arith.addi %mul3A_0, %arg0 : i32
    %mul3A_1 = arith.constant 512 : i32
    %mul3A_2 = arith.muli %add3A, %mul3A_1 : i32
    "tpu.region"() ({
      %run_scoped3A = tpu.sem_alloc : memref<!tpu.dma_semaphore, #tpu.memory_space<semaphore_mem>>
      %dma_start3A_914 = arith.constant 0 : i32
      %dma_start3A_915 = arith.constant 0 : i32
      %dma_start3A_916 = tpu.memref_slice %arg2[%add3A, %dma_start3A_914, %dma_start3A_915] : memref<32x4x128xi32, #tpu.memory_space<hbm>> -> memref<1x4x128xi32, #tpu.memory_space<hbm>>
      %dma_start3A_917 = tpu.memref_squeeze %dma_start3A_916 : memref<1x4x128xi32, #tpu.memory_space<hbm>> -> memref<4x128xi32, #tpu.memory_space<hbm>>
      %dma_start3A_918 = arith.constant 0 : i32
      %dma_start3A_919 = arith.constant 0 : i32
      %dma_start3A_920 = tpu.memref_slice %arg2[%add3A, %dma_start3A_918, %dma_start3A_919] : memref<32x4x128xi32, #tpu.memory_space<hbm>> -> memref<1x4x128xi32, #tpu.memory_space<hbm>>
      %dma_start3A_921 = tpu.memref_squeeze %dma_start3A_920 : memref<1x4x128xi32, #tpu.memory_space<hbm>> -> memref<4x128xi32, #tpu.memory_space<hbm>>
      tpu.enqueue_dma source(%dma_start3A_921 : memref<4x128xi32, #tpu.memory_space<hbm>>) target(%arg10 : memref<4x128xi32, #tpu.memory_space<vmem>>) target_semaphore(%run_scoped3A : memref<!tpu.dma_semaphore, #tpu.memory_space<semaphore_mem>>)
      %dma_wait3A_922 = arith.constant 0 : i32
      %dma_wait3A_923 = arith.constant 0 : i32
      %dma_wait3A_924 = tpu.memref_slice %arg2[%add3A, %dma_wait3A_922, %dma_wait3A_923] : memref<32x4x128xi32, #tpu.memory_space<hbm>> -> memref<1x4x128xi32, #tpu.memory_space<hbm>>
      %dma_wait3A_925 = tpu.memref_squeeze %dma_wait3A_924 : memref<1x4x128xi32, #tpu.memory_space<hbm>> -> memref<4x128xi32, #tpu.memory_space<hbm>>
      %dma_wait3A_926 = arith.constant 0 : i32
      %dma_wait3A_927 = arith.constant 0 : i32
      %dma_wait3A_928 = tpu.memref_slice %arg2[%add3A, %dma_wait3A_926, %dma_wait3A_927] : memref<32x4x128xi32, #tpu.memory_space<hbm>> -> memref<1x4x128xi32, #tpu.memory_space<hbm>>
      %dma_wait3A_929 = tpu.memref_squeeze %dma_wait3A_928 : memref<1x4x128xi32, #tpu.memory_space<hbm>> -> memref<4x128xi32, #tpu.memory_space<hbm>>
      tpu.wait_dma2 semaphore(%run_scoped3A : memref<!tpu.dma_semaphore, #tpu.memory_space<semaphore_mem>>) src(%dma_wait3A_929 : memref<4x128xi32, #tpu.memory_space<hbm>>) dst(%arg10 : memref<4x128xi32, #tpu.memory_space<vmem>>)
      tpu.yield
    }) : () -> ()
    "tpu.region"() ({
      %run_scoped3A = tpu.sem_alloc : memref<!tpu.dma_semaphore, #tpu.memory_space<semaphore_mem>>
      %dma_start3A_914 = arith.constant 0 : i32
      %dma_start3A_915 = arith.constant 0 : i32
      %dma_start3A_916 = tpu.memref_slice %arg3[%add3A, %dma_start3A_914, %dma_start3A_915] : memref<32x4x128xi32, #tpu.memory_space<hbm>> -> memref<1x4x128xi32, #tpu.memory_space<hbm>>
      %dma_start3A_917 = tpu.memref_squeeze %dma_start3A_916 : memref<1x4x128xi32, #tpu.memory_space<hbm>> -> memref<4x128xi32, #tpu.memory_space<hbm>>
      %dma_start3A_918 = arith.constant 0 : i32
      %dma_start3A_919 = arith.constant 0 : i32
      %dma_start3A_920 = tpu.memref_slice %arg3[%add3A, %dma_start3A_918, %dma_start3A_919] : memref<32x4x128xi32, #tpu.memory_space<hbm>> -> memref<1x4x128xi32, #tpu.memory_space<hbm>>
      %dma_start3A_921 = tpu.memref_squeeze %dma_start3A_920 : memref<1x4x128xi32, #tpu.memory_space<hbm>> -> memref<4x128xi32, #tpu.memory_space<hbm>>
      tpu.enqueue_dma source(%dma_start3A_921 : memref<4x128xi32, #tpu.memory_space<hbm>>) target(%arg11 : memref<4x128xi32, #tpu.memory_space<vmem>>) target_semaphore(%run_scoped3A : memref<!tpu.dma_semaphore, #tpu.memory_space<semaphore_mem>>)
      %dma_wait3A_922 = arith.constant 0 : i32
      %dma_wait3A_923 = arith.constant 0 : i32
      %dma_wait3A_924 = tpu.memref_slice %arg3[%add3A, %dma_wait3A_922, %dma_wait3A_923] : memref<32x4x128xi32, #tpu.memory_space<hbm>> -> memref<1x4x128xi32, #tpu.memory_space<hbm>>
      %dma_wait3A_925 = tpu.memref_squeeze %dma_wait3A_924 : memref<1x4x128xi32, #tpu.memory_space<hbm>> -> memref<4x128xi32, #tpu.memory_space<hbm>>
      %dma_wait3A_926 = arith.constant 0 : i32
      %dma_wait3A_927 = arith.constant 0 : i32
      %dma_wait3A_928 = tpu.memref_slice %arg3[%add3A, %dma_wait3A_926, %dma_wait3A_927] : memref<32x4x128xi32, #tpu.memory_space<hbm>> -> memref<1x4x128xi32, #tpu.memory_space<hbm>>
      %dma_wait3A_929 = tpu.memref_squeeze %dma_wait3A_928 : memref<1x4x128xi32, #tpu.memory_space<hbm>> -> memref<4x128xi32, #tpu.memory_space<hbm>>
      tpu.wait_dma2 semaphore(%run_scoped3A : memref<!tpu.dma_semaphore, #tpu.memory_space<semaphore_mem>>) src(%dma_wait3A_929 : memref<4x128xi32, #tpu.memory_space<hbm>>) dst(%arg11 : memref<4x128xi32, #tpu.memory_space<vmem>>)
      tpu.yield
    }) : () -> ()
    %get3A = arith.constant 0 : i32
    %get3A_3 = arith.index_cast %get3A : i32 to index
    %get3A_4 = arith.constant 0 : index
    %get3A_5 = tpu.vector_load %arg10[%get3A_3, %get3A_4] {strides = array<i32>} : memref<4x128xi32, #tpu.memory_space<vmem>>, vector<1x16xi32>,
    %get3A_6 = vector.shape_cast %get3A_5 : vector<1x16xi32> to vector<16xi32>
    %shift_right_logical3A = arith.constant 11 : i32
    %shift_right_logical3A_7 = vector.broadcast %shift_right_logical3A : i32 to vector<16xi32>
    %shift_right_logical3A_8 = arith.shrui %get3A_6, %shift_right_logical3A_7 : vector<16xi32>
    %mul3A_9 = arith.constant 512 : i32
    %mul3A_10 = vector.broadcast %mul3A_9 : i32 to vector<16xi32>
    %mul3A_11 = arith.muli %shift_right_logical3A_8, %mul3A_10 : vector<16xi32>
    %and3A = arith.constant 511 : i32
    %and3A_12 = vector.broadcast %and3A : i32 to vector<16xi32>
    %and3A_13 = arith.andi %get3A_6, %and3A_12 : vector<16xi32>
    %add3A_14 = arith.addi %mul3A_11, %and3A_13 : vector<16xi32>
    %swap3A = arith.constant 0 : i32
    %swap3A_15 = arith.index_cast %swap3A : i32 to index
    %swap3A_16 = arith.constant 0 : index
    %swap3A_17 = tpu.vector_load %arg12[%swap3A_15, %swap3A_16] {strides = array<i32>} : memref<4x128xi32, #tpu.memory_space<vmem>>, vector<1x16xi32>,
    %swap3A_18 = vector.shape_cast %swap3A_17 : vector<1x16xi32> to vector<16xi32>
    %swap3A_19 = vector.shape_cast %add3A_14 : vector<16xi32> to vector<1x16xi32>
    tpu.vector_store %arg12[%swap3A_15, %swap3A_16], %swap3A_19 {strides = array<i32>} : memref<4x128xi32, #tpu.memory_space<vmem>>, vector<1x16xi32>,
    %get3A_20 = arith.constant 0 : i32
    %get3A_21 = arith.index_cast %get3A_20 : i32 to index
    %get3A_22 = arith.constant 16 : index
    %get3A_23 = tpu.vector_load %arg10[%get3A_21, %get3A_22] {strides = array<i32>} : memref<4x128xi32, #tpu.memory_space<vmem>>, vector<1x16xi32>,
    %get3A_24 = vector.shape_cast %get3A_23 : vector<1x16xi32> to vector<16xi32>
    %shift_right_logical3A_25 = arith.constant 11 : i32
    %shift_right_logical3A_26 = vector.broadcast %shift_right_logical3A_25 : i32 to vector<16xi32>
    %shift_right_logical3A_27 = arith.shrui %get3A_24, %shift_right_logical3A_26 : vector<16xi32>
    %mul3A_28 = arith.constant 512 : i32
    %mul3A_29 = vector.broadcast %mul3A_28 : i32 to vector<16xi32>
    %mul3A_30 = arith.muli %shift_right_logical3A_27, %mul3A_29 : vector<16xi32>
    %and3A_31 = arith.constant 511 : i32
    %and3A_32 = vector.broadcast %and3A_31 : i32 to vector<16xi32>
    %and3A_33 = arith.andi %get3A_24, %and3A_32 : vector<16xi32>
    %add3A_34 = arith.addi %mul3A_30, %and3A_33 : vector<16xi32>
    %swap3A_35 = arith.constant 0 : i32
    %swap3A_36 = arith.index_cast %swap3A_35 : i32 to index
    %swap3A_37 = arith.constant 16 : index
    %swap3A_38 = tpu.vector_load %arg12[%swap3A_36, %swap3A_37] {strides = array<i32>} : memref<4x128xi32, #tpu.memory_space<vmem>>, vector<1x16xi32>,
    %swap3A_39 = vector.shape_cast %swap3A_38 : vector<1x16xi32> to vector<16xi32>
    %swap3A_40 = vector.shape_cast %add3A_34 : vector<16xi32> to vector<1x16xi32>
    tpu.vector_store %arg12[%swap3A_36, %swap3A_37], %swap3A_40 {strides = array<i32>} : memref<4x128xi32, #tpu.memory_space<vmem>>, vector<1x16xi32>,
    %get3A_41 = arith.constant 0 : i32
    %get3A_42 = arith.index_cast %get3A_41 : i32 to index
    %get3A_43 = arith.constant 32 : index
    %get3A_44 = tpu.vector_load %arg10[%get3A_42, %get3A_43] {strides = array<i32>} : memref<4x128xi32, #tpu.memory_space<vmem>>, vector<1x16xi32>,
    %get3A_45 = vector.shape_cast %get3A_44 : vector<1x16xi32> to vector<16xi32>
    %shift_right_logical3A_46 = arith.constant 11 : i32
    %shift_right_logical3A_47 = vector.broadcast %shift_right_logical3A_46 : i32 to vector<16xi32>
    %shift_right_logical3A_48 = arith.shrui %get3A_45, %shift_right_logical3A_47 : vector<16xi32>
    %mul3A_49 = arith.constant 512 : i32
    %mul3A_50 = vector.broadcast %mul3A_49 : i32 to vector<16xi32>
    %mul3A_51 = arith.muli %shift_right_logical3A_48, %mul3A_50 : vector<16xi32>
    %and3A_52 = arith.constant 511 : i32
    %and3A_53 = vector.broadcast %and3A_52 : i32 to vector<16xi32>
    %and3A_54 = arith.andi %get3A_45, %and3A_53 : vector<16xi32>
    %add3A_55 = arith.addi %mul3A_51, %and3A_54 : vector<16xi32>
    %swap3A_56 = arith.constant 0 : i32
    %swap3A_57 = arith.index_cast %swap3A_56 : i32 to index
    %swap3A_58 = arith.constant 32 : index
    %swap3A_59 = tpu.vector_load %arg12[%swap3A_57, %swap3A_58] {strides = array<i32>} : memref<4x128xi32, #tpu.memory_space<vmem>>, vector<1x16xi32>,
    %swap3A_60 = vector.shape_cast %swap3A_59 : vector<1x16xi32> to vector<16xi32>
    %swap3A_61 = vector.shape_cast %add3A_55 : vector<16xi32> to vector<1x16xi32>
    tpu.vector_store %arg12[%swap3A_57, %swap3A_58], %swap3A_61 {strides = array<i32>} : memref<4x128xi32, #tpu.memory_space<vmem>>, vector<1x16xi32>,
    %get3A_62 = arith.constant 0 : i32
    %get3A_63 = arith.index_cast %get3A_62 : i32 to index
    %get3A_64 = arith.constant 48 : index
    %get3A_65 = tpu.vector_load %arg10[%get3A_63, %get3A_64] {strides = array<i32>} : memref<4x128xi32, #tpu.memory_space<vmem>>, vector<1x16xi32>,
    %get3A_66 = vector.shape_cast %get3A_65 : vector<1x16xi32> to vector<16xi32>
    %shift_right_logical3A_67 = arith.constant 11 : i32
    %shift_right_logical3A_68 = vector.broadcast %shift_right_logical3A_67 : i32 to vector<16xi32>
    %shift_right_logical3A_69 = arith.shrui %get3A_66, %shift_right_logical3A_68 : vector<16xi32>
    %mul3A_70 = arith.constant 512 : i32
    %mul3A_71 = vector.broadcast %mul3A_70 : i32 to vector<16xi32>
    %mul3A_72 = arith.muli %shift_right_logical3A_69, %mul3A_71 : vector<16xi32>
    %and3A_73 = arith.constant 511 : i32
    %and3A_74 = vector.broadcast %and3A_73 : i32 to vector<16xi32>
    %and3A_75 = arith.andi %get3A_66, %and3A_74 : vector<16xi32>
    %add3A_76 = arith.addi %mul3A_72, %and3A_75 : vector<16xi32>
    %swap3A_77 = arith.constant 0 : i32
    %swap3A_78 = arith.index_cast %swap3A_77 : i32 to index
    %swap3A_79 = arith.constant 48 : index
    %swap3A_80 = tpu.vector_load %arg12[%swap3A_78, %swap3A_79] {strides = array<i32>} : memref<4x128xi32, #tpu.memory_space<vmem>>, vector<1x16xi32>,
    %swap3A_81 = vector.shape_cast %swap3A_80 : vector<1x16xi32> to vector<16xi32>
    %swap3A_82 = vector.shape_cast %add3A_76 : vector<16xi32> to vector<1x16xi32>
    tpu.vector_store %arg12[%swap3A_78, %swap3A_79], %swap3A_82 {strides = array<i32>} : memref<4x128xi32, #tpu.memory_space<vmem>>, vector<1x16xi32>,
    %get3A_83 = arith.constant 0 : i32
    %get3A_84 = arith.index_cast %get3A_83 : i32 to index
    %get3A_85 = arith.constant 64 : index
    %get3A_86 = tpu.vector_load %arg10[%get3A_84, %get3A_85] {strides = array<i32>} : memref<4x128xi32, #tpu.memory_space<vmem>>, vector<1x16xi32>,
    %get3A_87 = vector.shape_cast %get3A_86 : vector<1x16xi32> to vector<16xi32>
    %shift_right_logical3A_88 = arith.constant 11 : i32
    %shift_right_logical3A_89 = vector.broadcast %shift_right_logical3A_88 : i32 to vector<16xi32>
    %shift_right_logical3A_90 = arith.shrui %get3A_87, %shift_right_logical3A_89 : vector<16xi32>
    %mul3A_91 = arith.constant 512 : i32
    %mul3A_92 = vector.broadcast %mul3A_91 : i32 to vector<16xi32>
    %mul3A_93 = arith.muli %shift_right_logical3A_90, %mul3A_92 : vector<16xi32>
    %and3A_94 = arith.constant 511 : i32
    %and3A_95 = vector.broadcast %and3A_94 : i32 to vector<16xi32>
    %and3A_96 = arith.andi %get3A_87, %and3A_95 : vector<16xi32>
    %add3A_97 = arith.addi %mul3A_93, %and3A_96 : vector<16xi32>
    %swap3A_98 = arith.constant 0 : i32
    %swap3A_99 = arith.index_cast %swap3A_98 : i32 to index
    %swap3A_100 = arith.constant 64 : index
    %swap3A_101 = tpu.vector_load %arg12[%swap3A_99, %swap3A_100] {strides = array<i32>} : memref<4x128xi32, #tpu.memory_space<vmem>>, vector<1x16xi32>,
    %swap3A_102 = vector.shape_cast %swap3A_101 : vector<1x16xi32> to vector<16xi32>
    %swap3A_103 = vector.shape_cast %add3A_97 : vector<16xi32> to vector<1x16xi32>
    tpu.vector_store %arg12[%swap3A_99, %swap3A_100], %swap3A_103 {strides = array<i32>} : memref<4x128xi32, #tpu.memory_space<vmem>>, vector<1x16xi32>,
    %get3A_104 = arith.constant 0 : i32
    %get3A_105 = arith.index_cast %get3A_104 : i32 to index
    %get3A_106 = arith.constant 80 : index
    %get3A_107 = tpu.vector_load %arg10[%get3A_105, %get3A_106] {strides = array<i32>} : memref<4x128xi32, #tpu.memory_space<vmem>>, vector<1x16xi32>,
    %get3A_108 = vector.shape_cast %get3A_107 : vector<1x16xi32> to vector<16xi32>
    %shift_right_logical3A_109 = arith.constant 11 : i32
    %shift_right_logical3A_110 = vector.broadcast %shift_right_logical3A_109 : i32 to vector<16xi32>
    %shift_right_logical3A_111 = arith.shrui %get3A_108, %shift_right_logical3A_110 : vector<16xi32>
    %mul3A_112 = arith.constant 512 : i32
    %mul3A_113 = vector.broadcast %mul3A_112 : i32 to vector<16xi32>
    %mul3A_114 = arith.muli %shift_right_logical3A_111, %mul3A_113 : vector<16xi32>
    %and3A_115 = arith.constant 511 : i32
    %and3A_116 = vector.broadcast %and3A_115 : i32 to vector<16xi32>
    %and3A_117 = arith.andi %get3A_108, %and3A_116 : vector<16xi32>
    %add3A_118 = arith.addi %mul3A_114, %and3A_117 : vector<16xi32>
    %swap3A_119 = arith.constant 0 : i32
    %swap3A_120 = arith.index_cast %swap3A_119 : i32 to index
    %swap3A_121 = arith.constant 80 : index
    %swap3A_122 = tpu.vector_load %arg12[%swap3A_120, %swap3A_121] {strides = array<i32>} : memref<4x128xi32, #tpu.memory_space<vmem>>, vector<1x16xi32>,
    %swap3A_123 = vector.shape_cast %swap3A_122 : vector<1x16xi32> to vector<16xi32>
    %swap3A_124 = vector.shape_cast %add3A_118 : vector<16xi32> to vector<1x16xi32>
    tpu.vector_store %arg12[%swap3A_120, %swap3A_121], %swap3A_124 {strides = array<i32>} : memref<4x128xi32, #tpu.memory_space<vmem>>, vector<1x16xi32>,
    %get3A_125 = arith.constant 0 : i32
    %get3A_126 = arith.index_cast %get3A_125 : i32 to index
    %get3A_127 = arith.constant 96 : index
    %get3A_128 = tpu.vector_load %arg10[%get3A_126, %get3A_127] {strides = array<i32>} : memref<4x128xi32, #tpu.memory_space<vmem>>, vector<1x16xi32>,
    %get3A_129 = vector.shape_cast %get3A_128 : vector<1x16xi32> to vector<16xi32>
    %shift_right_logical3A_130 = arith.constant 11 : i32
    %shift_right_logical3A_131 = vector.broadcast %shift_right_logical3A_130 : i32 to vector<16xi32>
    %shift_right_logical3A_132 = arith.shrui %get3A_129, %shift_right_logical3A_131 : vector<16xi32>
    %mul3A_133 = arith.constant 512 : i32
    %mul3A_134 = vector.broadcast %mul3A_133 : i32 to vector<16xi32>
    %mul3A_135 = arith.muli %shift_right_logical3A_132, %mul3A_134 : vector<16xi32>
    %and3A_136 = arith.constant 511 : i32
    %and3A_137 = vector.broadcast %and3A_136 : i32 to vector<16xi32>
    %and3A_138 = arith.andi %get3A_129, %and3A_137 : vector<16xi32>
    %add3A_139 = arith.addi %mul3A_135, %and3A_138 : vector<16xi32>
    %swap3A_140 = arith.constant 0 : i32
    %swap3A_141 = arith.index_cast %swap3A_140 : i32 to index
    %swap3A_142 = arith.constant 96 : index
    %swap3A_143 = tpu.vector_load %arg12[%swap3A_141, %swap3A_142] {strides = array<i32>} : memref<4x128xi32, #tpu.memory_space<vmem>>, vector<1x16xi32>,
    %swap3A_144 = vector.shape_cast %swap3A_143 : vector<1x16xi32> to vector<16xi32>
    %swap3A_145 = vector.shape_cast %add3A_139 : vector<16xi32> to vector<1x16xi32>
    tpu.vector_store %arg12[%swap3A_141, %swap3A_142], %swap3A_145 {strides = array<i32>} : memref<4x128xi32, #tpu.memory_space<vmem>>, vector<1x16xi32>,
    %get3A_146 = arith.constant 0 : i32
    %get3A_147 = arith.index_cast %get3A_146 : i32 to index
    %get3A_148 = arith.constant 112 : index
    %get3A_149 = tpu.vector_load %arg10[%get3A_147, %get3A_148] {strides = array<i32>} : memref<4x128xi32, #tpu.memory_space<vmem>>, vector<1x16xi32>,
    %get3A_150 = vector.shape_cast %get3A_149 : vector<1x16xi32> to vector<16xi32>
    %shift_right_logical3A_151 = arith.constant 11 : i32
    %shift_right_logical3A_152 = vector.broadcast %shift_right_logical3A_151 : i32 to vector<16xi32>
    %shift_right_logical3A_153 = arith.shrui %get3A_150, %shift_right_logical3A_152 : vector<16xi32>
    %mul3A_154 = arith.constant 512 : i32
    %mul3A_155 = vector.broadcast %mul3A_154 : i32 to vector<16xi32>
    %mul3A_156 = arith.muli %shift_right_logical3A_153, %mul3A_155 : vector<16xi32>
    %and3A_157 = arith.constant 511 : i32
    %and3A_158 = vector.broadcast %and3A_157 : i32 to vector<16xi32>
    %and3A_159 = arith.andi %get3A_150, %and3A_158 : vector<16xi32>
    %add3A_160 = arith.addi %mul3A_156, %and3A_159 : vector<16xi32>
    %swap3A_161 = arith.constant 0 : i32
    %swap3A_162 = arith.index_cast %swap3A_161 : i32 to index
    %swap3A_163 = arith.constant 112 : index
    %swap3A_164 = tpu.vector_load %arg12[%swap3A_162, %swap3A_163] {strides = array<i32>} : memref<4x128xi32, #tpu.memory_space<vmem>>, vector<1x16xi32>,
    %swap3A_165 = vector.shape_cast %swap3A_164 : vector<1x16xi32> to vector<16xi32>
    %swap3A_166 = vector.shape_cast %add3A_160 : vector<16xi32> to vector<1x16xi32>
    tpu.vector_store %arg12[%swap3A_162, %swap3A_163], %swap3A_166 {strides = array<i32>} : memref<4x128xi32, #tpu.memory_space<vmem>>, vector<1x16xi32>,
    %get3A_167 = arith.constant 1 : i32
    %get3A_168 = arith.index_cast %get3A_167 : i32 to index
    %get3A_169 = arith.constant 0 : index
    %get3A_170 = tpu.vector_load %arg10[%get3A_168, %get3A_169] {strides = array<i32>} : memref<4x128xi32, #tpu.memory_space<vmem>>, vector<1x16xi32>,
    %get3A_171 = vector.shape_cast %get3A_170 : vector<1x16xi32> to vector<16xi32>
    %shift_right_logical3A_172 = arith.constant 11 : i32
    %shift_right_logical3A_173 = vector.broadcast %shift_right_logical3A_172 : i32 to vector<16xi32>
    %shift_right_logical3A_174 = arith.shrui %get3A_171, %shift_right_logical3A_173 : vector<16xi32>
    %mul3A_175 = arith.constant 512 : i32
    %mul3A_176 = vector.broadcast %mul3A_175 : i32 to vector<16xi32>
    %mul3A_177 = arith.muli %shift_right_logical3A_174, %mul3A_176 : vector<16xi32>
    %and3A_178 = arith.constant 511 : i32
    %and3A_179 = vector.broadcast %and3A_178 : i32 to vector<16xi32>
    %and3A_180 = arith.andi %get3A_171, %and3A_179 : vector<16xi32>
    %add3A_181 = arith.addi %mul3A_177, %and3A_180 : vector<16xi32>
    %swap3A_182 = arith.constant 1 : i32
    %swap3A_183 = arith.index_cast %swap3A_182 : i32 to index
    %swap3A_184 = arith.constant 0 : index
    %swap3A_185 = tpu.vector_load %arg12[%swap3A_183, %swap3A_184] {strides = array<i32>} : memref<4x128xi32, #tpu.memory_space<vmem>>, vector<1x16xi32>,
    %swap3A_186 = vector.shape_cast %swap3A_185 : vector<1x16xi32> to vector<16xi32>
    %swap3A_187 = vector.shape_cast %add3A_181 : vector<16xi32> to vector<1x16xi32>
    tpu.vector_store %arg12[%swap3A_183, %swap3A_184], %swap3A_187 {strides = array<i32>} : memref<4x128xi32, #tpu.memory_space<vmem>>, vector<1x16xi32>,
    %get3A_188 = arith.constant 1 : i32
    %get3A_189 = arith.index_cast %get3A_188 : i32 to index
    %get3A_190 = arith.constant 16 : index
    %get3A_191 = tpu.vector_load %arg10[%get3A_189, %get3A_190] {strides = array<i32>} : memref<4x128xi32, #tpu.memory_space<vmem>>, vector<1x16xi32>,
    %get3A_192 = vector.shape_cast %get3A_191 : vector<1x16xi32> to vector<16xi32>
    %shift_right_logical3A_193 = arith.constant 11 : i32
    %shift_right_logical3A_194 = vector.broadcast %shift_right_logical3A_193 : i32 to vector<16xi32>
    %shift_right_logical3A_195 = arith.shrui %get3A_192, %shift_right_logical3A_194 : vector<16xi32>
    %mul3A_196 = arith.constant 512 : i32
    %mul3A_197 = vector.broadcast %mul3A_196 : i32 to vector<16xi32>
    %mul3A_198 = arith.muli %shift_right_logical3A_195, %mul3A_197 : vector<16xi32>
    %and3A_199 = arith.constant 511 : i32
    %and3A_200 = vector.broadcast %and3A_199 : i32 to vector<16xi32>
    %and3A_201 = arith.andi %get3A_192, %and3A_200 : vector<16xi32>
    %add3A_202 = arith.addi %mul3A_198, %and3A_201 : vector<16xi32>
    %swap3A_203 = arith.constant 1 : i32
    %swap3A_204 = arith.index_cast %swap3A_203 : i32 to index
    %swap3A_205 = arith.constant 16 : index
    %swap3A_206 = tpu.vector_load %arg12[%swap3A_204, %swap3A_205] {strides = array<i32>} : memref<4x128xi32, #tpu.memory_space<vmem>>, vector<1x16xi32>,
    %swap3A_207 = vector.shape_cast %swap3A_206 : vector<1x16xi32> to vector<16xi32>
    %swap3A_208 = vector.shape_cast %add3A_202 : vector<16xi32> to vector<1x16xi32>
    tpu.vector_store %arg12[%swap3A_204, %swap3A_205], %swap3A_208 {strides = array<i32>} : memref<4x128xi32, #tpu.memory_space<vmem>>, vector<1x16xi32>,
    %get3A_209 = arith.constant 1 : i32
    %get3A_210 = arith.index_cast %get3A_209 : i32 to index
    %get3A_211 = arith.constant 32 : index
    %get3A_212 = tpu.vector_load %arg10[%get3A_210, %get3A_211] {strides = array<i32>} : memref<4x128xi32, #tpu.memory_space<vmem>>, vector<1x16xi32>,
    %get3A_213 = vector.shape_cast %get3A_212 : vector<1x16xi32> to vector<16xi32>
    %shift_right_logical3A_214 = arith.constant 11 : i32
    %shift_right_logical3A_215 = vector.broadcast %shift_right_logical3A_214 : i32 to vector<16xi32>
    %shift_right_logical3A_216 = arith.shrui %get3A_213, %shift_right_logical3A_215 : vector<16xi32>
    %mul3A_217 = arith.constant 512 : i32
    %mul3A_218 = vector.broadcast %mul3A_217 : i32 to vector<16xi32>
    %mul3A_219 = arith.muli %shift_right_logical3A_216, %mul3A_218 : vector<16xi32>
    %and3A_220 = arith.constant 511 : i32
    %and3A_221 = vector.broadcast %and3A_220 : i32 to vector<16xi32>
    %and3A_222 = arith.andi %get3A_213, %and3A_221 : vector<16xi32>
    %add3A_223 = arith.addi %mul3A_219, %and3A_222 : vector<16xi32>
    %swap3A_224 = arith.constant 1 : i32
    %swap3A_225 = arith.index_cast %swap3A_224 : i32 to index
    %swap3A_226 = arith.constant 32 : index
    %swap3A_227 = tpu.vector_load %arg12[%swap3A_225, %swap3A_226] {strides = array<i32>} : memref<4x128xi32, #tpu.memory_space<vmem>>, vector<1x16xi32>,
    %swap3A_228 = vector.shape_cast %swap3A_227 : vector<1x16xi32> to vector<16xi32>
    %swap3A_229 = vector.shape_cast %add3A_223 : vector<16xi32> to vector<1x16xi32>
    tpu.vector_store %arg12[%swap3A_225, %swap3A_226], %swap3A_229 {strides = array<i32>} : memref<4x128xi32, #tpu.memory_space<vmem>>, vector<1x16xi32>,
    %get3A_230 = arith.constant 1 : i32
    %get3A_231 = arith.index_cast %get3A_230 : i32 to index
    %get3A_232 = arith.constant 48 : index
    %get3A_233 = tpu.vector_load %arg10[%get3A_231, %get3A_232] {strides = array<i32>} : memref<4x128xi32, #tpu.memory_space<vmem>>, vector<1x16xi32>,
    %get3A_234 = vector.shape_cast %get3A_233 : vector<1x16xi32> to vector<16xi32>
    %shift_right_logical3A_235 = arith.constant 11 : i32
    %shift_right_logical3A_236 = vector.broadcast %shift_right_logical3A_235 : i32 to vector<16xi32>
    %shift_right_logical3A_237 = arith.shrui %get3A_234, %shift_right_logical3A_236 : vector<16xi32>
    %mul3A_238 = arith.constant 512 : i32
    %mul3A_239 = vector.broadcast %mul3A_238 : i32 to vector<16xi32>
    %mul3A_240 = arith.muli %shift_right_logical3A_237, %mul3A_239 : vector<16xi32>
    %and3A_241 = arith.constant 511 : i32
    %and3A_242 = vector.broadcast %and3A_241 : i32 to vector<16xi32>
    %and3A_243 = arith.andi %get3A_234, %and3A_242 : vector<16xi32>
    %add3A_244 = arith.addi %mul3A_240, %and3A_243 : vector<16xi32>
    %swap3A_245 = arith.constant 1 : i32
    %swap3A_246 = arith.index_cast %swap3A_245 : i32 to index
    %swap3A_247 = arith.constant 48 : index
    %swap3A_248 = tpu.vector_load %arg12[%swap3A_246, %swap3A_247] {strides = array<i32>} : memref<4x128xi32, #tpu.memory_space<vmem>>, vector<1x16xi32>,
    %swap3A_249 = vector.shape_cast %swap3A_248 : vector<1x16xi32> to vector<16xi32>
    %swap3A_250 = vector.shape_cast %add3A_244 : vector<16xi32> to vector<1x16xi32>
    tpu.vector_store %arg12[%swap3A_246, %swap3A_247], %swap3A_250 {strides = array<i32>} : memref<4x128xi32, #tpu.memory_space<vmem>>, vector<1x16xi32>,
    %get3A_251 = arith.constant 1 : i32
    %get3A_252 = arith.index_cast %get3A_251 : i32 to index
    %get3A_253 = arith.constant 64 : index
    %get3A_254 = tpu.vector_load %arg10[%get3A_252, %get3A_253] {strides = array<i32>} : memref<4x128xi32, #tpu.memory_space<vmem>>, vector<1x16xi32>,
    %get3A_255 = vector.shape_cast %get3A_254 : vector<1x16xi32> to vector<16xi32>
    %shift_right_logical3A_256 = arith.constant 11 : i32
    %shift_right_logical3A_257 = vector.broadcast %shift_right_logical3A_256 : i32 to vector<16xi32>
    %shift_right_logical3A_258 = arith.shrui %get3A_255, %shift_right_logical3A_257 : vector<16xi32>
    %mul3A_259 = arith.constant 512 : i32
    %mul3A_260 = vector.broadcast %mul3A_259 : i32 to vector<16xi32>
    %mul3A_261 = arith.muli %shift_right_logical3A_258, %mul3A_260 : vector<16xi32>
    %and3A_262 = arith.constant 511 : i32
    %and3A_263 = vector.broadcast %and3A_262 : i32 to vector<16xi32>
    %and3A_264 = arith.andi %get3A_255, %and3A_263 : vector<16xi32>
    %add3A_265 = arith.addi %mul3A_261, %and3A_264 : vector<16xi32>
    %swap3A_266 = arith.constant 1 : i32
    %swap3A_267 = arith.index_cast %swap3A_266 : i32 to index
    %swap3A_268 = arith.constant 64 : index
    %swap3A_269 = tpu.vector_load %arg12[%swap3A_267, %swap3A_268] {strides = array<i32>} : memref<4x128xi32, #tpu.memory_space<vmem>>, vector<1x16xi32>,
    %swap3A_270 = vector.shape_cast %swap3A_269 : vector<1x16xi32> to vector<16xi32>
    %swap3A_271 = vector.shape_cast %add3A_265 : vector<16xi32> to vector<1x16xi32>
    tpu.vector_store %arg12[%swap3A_267, %swap3A_268], %swap3A_271 {strides = array<i32>} : memref<4x128xi32, #tpu.memory_space<vmem>>, vector<1x16xi32>,
    %get3A_272 = arith.constant 1 : i32
    %get3A_273 = arith.index_cast %get3A_272 : i32 to index
    %get3A_274 = arith.constant 80 : index
    %get3A_275 = tpu.vector_load %arg10[%get3A_273, %get3A_274] {strides = array<i32>} : memref<4x128xi32, #tpu.memory_space<vmem>>, vector<1x16xi32>,
    %get3A_276 = vector.shape_cast %get3A_275 : vector<1x16xi32> to vector<16xi32>
    %shift_right_logical3A_277 = arith.constant 11 : i32
    %shift_right_logical3A_278 = vector.broadcast %shift_right_logical3A_277 : i32 to vector<16xi32>
    %shift_right_logical3A_279 = arith.shrui %get3A_276, %shift_right_logical3A_278 : vector<16xi32>
    %mul3A_280 = arith.constant 512 : i32
    %mul3A_281 = vector.broadcast %mul3A_280 : i32 to vector<16xi32>
    %mul3A_282 = arith.muli %shift_right_logical3A_279, %mul3A_281 : vector<16xi32>
    %and3A_283 = arith.constant 511 : i32
    %and3A_284 = vector.broadcast %and3A_283 : i32 to vector<16xi32>
    %and3A_285 = arith.andi %get3A_276, %and3A_284 : vector<16xi32>
    %add3A_286 = arith.addi %mul3A_282, %and3A_285 : vector<16xi32>
    %swap3A_287 = arith.constant 1 : i32
    %swap3A_288 = arith.index_cast %swap3A_287 : i32 to index
    %swap3A_289 = arith.constant 80 : index
    %swap3A_290 = tpu.vector_load %arg12[%swap3A_288, %swap3A_289] {strides = array<i32>} : memref<4x128xi32, #tpu.memory_space<vmem>>, vector<1x16xi32>,
    %swap3A_291 = vector.shape_cast %swap3A_290 : vector<1x16xi32> to vector<16xi32>
    %swap3A_292 = vector.shape_cast %add3A_286 : vector<16xi32> to vector<1x16xi32>
    tpu.vector_store %arg12[%swap3A_288, %swap3A_289], %swap3A_292 {strides = array<i32>} : memref<4x128xi32, #tpu.memory_space<vmem>>, vector<1x16xi32>,
    %get3A_293 = arith.constant 1 : i32
    %get3A_294 = arith.index_cast %get3A_293 : i32 to index
    %get3A_295 = arith.constant 96 : index
    %get3A_296 = tpu.vector_load %arg10[%get3A_294, %get3A_295] {strides = array<i32>} : memref<4x128xi32, #tpu.memory_space<vmem>>, vector<1x16xi32>,
    %get3A_297 = vector.shape_cast %get3A_296 : vector<1x16xi32> to vector<16xi32>
    %shift_right_logical3A_298 = arith.constant 11 : i32
    %shift_right_logical3A_299 = vector.broadcast %shift_right_logical3A_298 : i32 to vector<16xi32>
    %shift_right_logical3A_300 = arith.shrui %get3A_297, %shift_right_logical3A_299 : vector<16xi32>
    %mul3A_301 = arith.constant 512 : i32
    %mul3A_302 = vector.broadcast %mul3A_301 : i32 to vector<16xi32>
    %mul3A_303 = arith.muli %shift_right_logical3A_300, %mul3A_302 : vector<16xi32>
    %and3A_304 = arith.constant 511 : i32
    %and3A_305 = vector.broadcast %and3A_304 : i32 to vector<16xi32>
    %and3A_306 = arith.andi %get3A_297, %and3A_305 : vector<16xi32>
    %add3A_307 = arith.addi %mul3A_303, %and3A_306 : vector<16xi32>
    %swap3A_308 = arith.constant 1 : i32
    %swap3A_309 = arith.index_cast %swap3A_308 : i32 to index
    %swap3A_310 = arith.constant 96 : index
    %swap3A_311 = tpu.vector_load %arg12[%swap3A_309, %swap3A_310] {strides = array<i32>} : memref<4x128xi32, #tpu.memory_space<vmem>>, vector<1x16xi32>,
    %swap3A_312 = vector.shape_cast %swap3A_311 : vector<1x16xi32> to vector<16xi32>
    %swap3A_313 = vector.shape_cast %add3A_307 : vector<16xi32> to vector<1x16xi32>
    tpu.vector_store %arg12[%swap3A_309, %swap3A_310], %swap3A_313 {strides = array<i32>} : memref<4x128xi32, #tpu.memory_space<vmem>>, vector<1x16xi32>,
    %get3A_314 = arith.constant 1 : i32
    %get3A_315 = arith.index_cast %get3A_314 : i32 to index
    %get3A_316 = arith.constant 112 : index
    %get3A_317 = tpu.vector_load %arg10[%get3A_315, %get3A_316] {strides = array<i32>} : memref<4x128xi32, #tpu.memory_space<vmem>>, vector<1x16xi32>,
    %get3A_318 = vector.shape_cast %get3A_317 : vector<1x16xi32> to vector<16xi32>
    %shift_right_logical3A_319 = arith.constant 11 : i32
    %shift_right_logical3A_320 = vector.broadcast %shift_right_logical3A_319 : i32 to vector<16xi32>
    %shift_right_logical3A_321 = arith.shrui %get3A_318, %shift_right_logical3A_320 : vector<16xi32>
    %mul3A_322 = arith.constant 512 : i32
    %mul3A_323 = vector.broadcast %mul3A_322 : i32 to vector<16xi32>
    %mul3A_324 = arith.muli %shift_right_logical3A_321, %mul3A_323 : vector<16xi32>
    %and3A_325 = arith.constant 511 : i32
    %and3A_326 = vector.broadcast %and3A_325 : i32 to vector<16xi32>
    %and3A_327 = arith.andi %get3A_318, %and3A_326 : vector<16xi32>
    %add3A_328 = arith.addi %mul3A_324, %and3A_327 : vector<16xi32>
    %swap3A_329 = arith.constant 1 : i32
    %swap3A_330 = arith.index_cast %swap3A_329 : i32 to index
    %swap3A_331 = arith.constant 112 : index
    %swap3A_332 = tpu.vector_load %arg12[%swap3A_330, %swap3A_331] {strides = array<i32>} : memref<4x128xi32, #tpu.memory_space<vmem>>, vector<1x16xi32>,
    %swap3A_333 = vector.shape_cast %swap3A_332 : vector<1x16xi32> to vector<16xi32>
    %swap3A_334 = vector.shape_cast %add3A_328 : vector<16xi32> to vector<1x16xi32>
    tpu.vector_store %arg12[%swap3A_330, %swap3A_331], %swap3A_334 {strides = array<i32>} : memref<4x128xi32, #tpu.memory_space<vmem>>, vector<1x16xi32>,
    %get3A_335 = arith.constant 2 : i32
    %get3A_336 = arith.index_cast %get3A_335 : i32 to index
    %get3A_337 = arith.constant 0 : index
    %get3A_338 = tpu.vector_load %arg10[%get3A_336, %get3A_337] {strides = array<i32>} : memref<4x128xi32, #tpu.memory_space<vmem>>, vector<1x16xi32>,
    %get3A_339 = vector.shape_cast %get3A_338 : vector<1x16xi32> to vector<16xi32>
    %shift_right_logical3A_340 = arith.constant 11 : i32
    %shift_right_logical3A_341 = vector.broadcast %shift_right_logical3A_340 : i32 to vector<16xi32>
    %shift_right_logical3A_342 = arith.shrui %get3A_339, %shift_right_logical3A_341 : vector<16xi32>
    %mul3A_343 = arith.constant 512 : i32
    %mul3A_344 = vector.broadcast %mul3A_343 : i32 to vector<16xi32>
    %mul3A_345 = arith.muli %shift_right_logical3A_342, %mul3A_344 : vector<16xi32>
    %and3A_346 = arith.constant 511 : i32
    %and3A_347 = vector.broadcast %and3A_346 : i32 to vector<16xi32>
    %and3A_348 = arith.andi %get3A_339, %and3A_347 : vector<16xi32>
    %add3A_349 = arith.addi %mul3A_345, %and3A_348 : vector<16xi32>
    %swap3A_350 = arith.constant 2 : i32
    %swap3A_351 = arith.index_cast %swap3A_350 : i32 to index
    %swap3A_352 = arith.constant 0 : index
    %swap3A_353 = tpu.vector_load %arg12[%swap3A_351, %swap3A_352] {strides = array<i32>} : memref<4x128xi32, #tpu.memory_space<vmem>>, vector<1x16xi32>,
    %swap3A_354 = vector.shape_cast %swap3A_353 : vector<1x16xi32> to vector<16xi32>
    %swap3A_355 = vector.shape_cast %add3A_349 : vector<16xi32> to vector<1x16xi32>
    tpu.vector_store %arg12[%swap3A_351, %swap3A_352], %swap3A_355 {strides = array<i32>} : memref<4x128xi32, #tpu.memory_space<vmem>>, vector<1x16xi32>,
    %get3A_356 = arith.constant 2 : i32
    %get3A_357 = arith.index_cast %get3A_356 : i32 to index
    %get3A_358 = arith.constant 16 : index
    %get3A_359 = tpu.vector_load %arg10[%get3A_357, %get3A_358] {strides = array<i32>} : memref<4x128xi32, #tpu.memory_space<vmem>>, vector<1x16xi32>,
    %get3A_360 = vector.shape_cast %get3A_359 : vector<1x16xi32> to vector<16xi32>
    %shift_right_logical3A_361 = arith.constant 11 : i32
    %shift_right_logical3A_362 = vector.broadcast %shift_right_logical3A_361 : i32 to vector<16xi32>
    %shift_right_logical3A_363 = arith.shrui %get3A_360, %shift_right_logical3A_362 : vector<16xi32>
    %mul3A_364 = arith.constant 512 : i32
    %mul3A_365 = vector.broadcast %mul3A_364 : i32 to vector<16xi32>
    %mul3A_366 = arith.muli %shift_right_logical3A_363, %mul3A_365 : vector<16xi32>
    %and3A_367 = arith.constant 511 : i32
    %and3A_368 = vector.broadcast %and3A_367 : i32 to vector<16xi32>
    %and3A_369 = arith.andi %get3A_360, %and3A_368 : vector<16xi32>
    %add3A_370 = arith.addi %mul3A_366, %and3A_369 : vector<16xi32>
    %swap3A_371 = arith.constant 2 : i32
    %swap3A_372 = arith.index_cast %swap3A_371 : i32 to index
    %swap3A_373 = arith.constant 16 : index
    %swap3A_374 = tpu.vector_load %arg12[%swap3A_372, %swap3A_373] {strides = array<i32>} : memref<4x128xi32, #tpu.memory_space<vmem>>, vector<1x16xi32>,
    %swap3A_375 = vector.shape_cast %swap3A_374 : vector<1x16xi32> to vector<16xi32>
    %swap3A_376 = vector.shape_cast %add3A_370 : vector<16xi32> to vector<1x16xi32>
    tpu.vector_store %arg12[%swap3A_372, %swap3A_373], %swap3A_376 {strides = array<i32>} : memref<4x128xi32, #tpu.memory_space<vmem>>, vector<1x16xi32>,
    %get3A_377 = arith.constant 2 : i32
    %get3A_378 = arith.index_cast %get3A_377 : i32 to index
    %get3A_379 = arith.constant 32 : index
    %get3A_380 = tpu.vector_load %arg10[%get3A_378, %get3A_379] {strides = array<i32>} : memref<4x128xi32, #tpu.memory_space<vmem>>, vector<1x16xi32>,
    %get3A_381 = vector.shape_cast %get3A_380 : vector<1x16xi32> to vector<16xi32>
    %shift_right_logical3A_382 = arith.constant 11 : i32
    %shift_right_logical3A_383 = vector.broadcast %shift_right_logical3A_382 : i32 to vector<16xi32>
    %shift_right_logical3A_384 = arith.shrui %get3A_381, %shift_right_logical3A_383 : vector<16xi32>
    %mul3A_385 = arith.constant 512 : i32
    %mul3A_386 = vector.broadcast %mul3A_385 : i32 to vector<16xi32>
    %mul3A_387 = arith.muli %shift_right_logical3A_384, %mul3A_386 : vector<16xi32>
    %and3A_388 = arith.constant 511 : i32
    %and3A_389 = vector.broadcast %and3A_388 : i32 to vector<16xi32>
    %and3A_390 = arith.andi %get3A_381, %and3A_389 : vector<16xi32>
    %add3A_391 = arith.addi %mul3A_387, %and3A_390 : vector<16xi32>
    %swap3A_392 = arith.constant 2 : i32
    %swap3A_393 = arith.index_cast %swap3A_392 : i32 to index
    %swap3A_394 = arith.constant 32 : index
    %swap3A_395 = tpu.vector_load %arg12[%swap3A_393, %swap3A_394] {strides = array<i32>} : memref<4x128xi32, #tpu.memory_space<vmem>>, vector<1x16xi32>,
    %swap3A_396 = vector.shape_cast %swap3A_395 : vector<1x16xi32> to vector<16xi32>
    %swap3A_397 = vector.shape_cast %add3A_391 : vector<16xi32> to vector<1x16xi32>
    tpu.vector_store %arg12[%swap3A_393, %swap3A_394], %swap3A_397 {strides = array<i32>} : memref<4x128xi32, #tpu.memory_space<vmem>>, vector<1x16xi32>,
    %get3A_398 = arith.constant 2 : i32
    %get3A_399 = arith.index_cast %get3A_398 : i32 to index
    %get3A_400 = arith.constant 48 : index
    %get3A_401 = tpu.vector_load %arg10[%get3A_399, %get3A_400] {strides = array<i32>} : memref<4x128xi32, #tpu.memory_space<vmem>>, vector<1x16xi32>,
    %get3A_402 = vector.shape_cast %get3A_401 : vector<1x16xi32> to vector<16xi32>
    %shift_right_logical3A_403 = arith.constant 11 : i32
    %shift_right_logical3A_404 = vector.broadcast %shift_right_logical3A_403 : i32 to vector<16xi32>
    %shift_right_logical3A_405 = arith.shrui %get3A_402, %shift_right_logical3A_404 : vector<16xi32>
    %mul3A_406 = arith.constant 512 : i32
    %mul3A_407 = vector.broadcast %mul3A_406 : i32 to vector<16xi32>
    %mul3A_408 = arith.muli %shift_right_logical3A_405, %mul3A_407 : vector<16xi32>
    %and3A_409 = arith.constant 511 : i32
    %and3A_410 = vector.broadcast %and3A_409 : i32 to vector<16xi32>
    %and3A_411 = arith.andi %get3A_402, %and3A_410 : vector<16xi32>
    %add3A_412 = arith.addi %mul3A_408, %and3A_411 : vector<16xi32>
    %swap3A_413 = arith.constant 2 : i32
    %swap3A_414 = arith.index_cast %swap3A_413 : i32 to index
    %swap3A_415 = arith.constant 48 : index
    %swap3A_416 = tpu.vector_load %arg12[%swap3A_414, %swap3A_415] {strides = array<i32>} : memref<4x128xi32, #tpu.memory_space<vmem>>, vector<1x16xi32>,
    %swap3A_417 = vector.shape_cast %swap3A_416 : vector<1x16xi32> to vector<16xi32>
    %swap3A_418 = vector.shape_cast %add3A_412 : vector<16xi32> to vector<1x16xi32>
    tpu.vector_store %arg12[%swap3A_414, %swap3A_415], %swap3A_418 {strides = array<i32>} : memref<4x128xi32, #tpu.memory_space<vmem>>, vector<1x16xi32>,
    %get3A_419 = arith.constant 2 : i32
    %get3A_420 = arith.index_cast %get3A_419 : i32 to index
    %get3A_421 = arith.constant 64 : index
    %get3A_422 = tpu.vector_load %arg10[%get3A_420, %get3A_421] {strides = array<i32>} : memref<4x128xi32, #tpu.memory_space<vmem>>, vector<1x16xi32>,
    %get3A_423 = vector.shape_cast %get3A_422 : vector<1x16xi32> to vector<16xi32>
    %shift_right_logical3A_424 = arith.constant 11 : i32
    %shift_right_logical3A_425 = vector.broadcast %shift_right_logical3A_424 : i32 to vector<16xi32>
    %shift_right_logical3A_426 = arith.shrui %get3A_423, %shift_right_logical3A_425 : vector<16xi32>
    %mul3A_427 = arith.constant 512 : i32
    %mul3A_428 = vector.broadcast %mul3A_427 : i32 to vector<16xi32>
    %mul3A_429 = arith.muli %shift_right_logical3A_426, %mul3A_428 : vector<16xi32>
    %and3A_430 = arith.constant 511 : i32
    %and3A_431 = vector.broadcast %and3A_430 : i32 to vector<16xi32>
    %and3A_432 = arith.andi %get3A_423, %and3A_431 : vector<16xi32>
    %add3A_433 = arith.addi %mul3A_429, %and3A_432 : vector<16xi32>
    %swap3A_434 = arith.constant 2 : i32
    %swap3A_435 = arith.index_cast %swap3A_434 : i32 to index
    %swap3A_436 = arith.constant 64 : index
    %swap3A_437 = tpu.vector_load %arg12[%swap3A_435, %swap3A_436] {strides = array<i32>} : memref<4x128xi32, #tpu.memory_space<vmem>>, vector<1x16xi32>,
    %swap3A_438 = vector.shape_cast %swap3A_437 : vector<1x16xi32> to vector<16xi32>
    %swap3A_439 = vector.shape_cast %add3A_433 : vector<16xi32> to vector<1x16xi32>
    tpu.vector_store %arg12[%swap3A_435, %swap3A_436], %swap3A_439 {strides = array<i32>} : memref<4x128xi32, #tpu.memory_space<vmem>>, vector<1x16xi32>,
    %get3A_440 = arith.constant 2 : i32
    %get3A_441 = arith.index_cast %get3A_440 : i32 to index
    %get3A_442 = arith.constant 80 : index
    %get3A_443 = tpu.vector_load %arg10[%get3A_441, %get3A_442] {strides = array<i32>} : memref<4x128xi32, #tpu.memory_space<vmem>>, vector<1x16xi32>,
    %get3A_444 = vector.shape_cast %get3A_443 : vector<1x16xi32> to vector<16xi32>
    %shift_right_logical3A_445 = arith.constant 11 : i32
    %shift_right_logical3A_446 = vector.broadcast %shift_right_logical3A_445 : i32 to vector<16xi32>
    %shift_right_logical3A_447 = arith.shrui %get3A_444, %shift_right_logical3A_446 : vector<16xi32>
    %mul3A_448 = arith.constant 512 : i32
    %mul3A_449 = vector.broadcast %mul3A_448 : i32 to vector<16xi32>
    %mul3A_450 = arith.muli %shift_right_logical3A_447, %mul3A_449 : vector<16xi32>
    %and3A_451 = arith.constant 511 : i32
    %and3A_452 = vector.broadcast %and3A_451 : i32 to vector<16xi32>
    %and3A_453 = arith.andi %get3A_444, %and3A_452 : vector<16xi32>
    %add3A_454 = arith.addi %mul3A_450, %and3A_453 : vector<16xi32>
    %swap3A_455 = arith.constant 2 : i32
    %swap3A_456 = arith.index_cast %swap3A_455 : i32 to index
    %swap3A_457 = arith.constant 80 : index
    %swap3A_458 = tpu.vector_load %arg12[%swap3A_456, %swap3A_457] {strides = array<i32>} : memref<4x128xi32, #tpu.memory_space<vmem>>, vector<1x16xi32>,
    %swap3A_459 = vector.shape_cast %swap3A_458 : vector<1x16xi32> to vector<16xi32>
    %swap3A_460 = vector.shape_cast %add3A_454 : vector<16xi32> to vector<1x16xi32>
    tpu.vector_store %arg12[%swap3A_456, %swap3A_457], %swap3A_460 {strides = array<i32>} : memref<4x128xi32, #tpu.memory_space<vmem>>, vector<1x16xi32>,
    %get3A_461 = arith.constant 2 : i32
    %get3A_462 = arith.index_cast %get3A_461 : i32 to index
    %get3A_463 = arith.constant 96 : index
    %get3A_464 = tpu.vector_load %arg10[%get3A_462, %get3A_463] {strides = array<i32>} : memref<4x128xi32, #tpu.memory_space<vmem>>, vector<1x16xi32>,
    %get3A_465 = vector.shape_cast %get3A_464 : vector<1x16xi32> to vector<16xi32>
    %shift_right_logical3A_466 = arith.constant 11 : i32
    %shift_right_logical3A_467 = vector.broadcast %shift_right_logical3A_466 : i32 to vector<16xi32>
    %shift_right_logical3A_468 = arith.shrui %get3A_465, %shift_right_logical3A_467 : vector<16xi32>
    %mul3A_469 = arith.constant 512 : i32
    %mul3A_470 = vector.broadcast %mul3A_469 : i32 to vector<16xi32>
    %mul3A_471 = arith.muli %shift_right_logical3A_468, %mul3A_470 : vector<16xi32>
    %and3A_472 = arith.constant 511 : i32
    %and3A_473 = vector.broadcast %and3A_472 : i32 to vector<16xi32>
    %and3A_474 = arith.andi %get3A_465, %and3A_473 : vector<16xi32>
    %add3A_475 = arith.addi %mul3A_471, %and3A_474 : vector<16xi32>
    %swap3A_476 = arith.constant 2 : i32
    %swap3A_477 = arith.index_cast %swap3A_476 : i32 to index
    %swap3A_478 = arith.constant 96 : index
    %swap3A_479 = tpu.vector_load %arg12[%swap3A_477, %swap3A_478] {strides = array<i32>} : memref<4x128xi32, #tpu.memory_space<vmem>>, vector<1x16xi32>,
    %swap3A_480 = vector.shape_cast %swap3A_479 : vector<1x16xi32> to vector<16xi32>
    %swap3A_481 = vector.shape_cast %add3A_475 : vector<16xi32> to vector<1x16xi32>
    tpu.vector_store %arg12[%swap3A_477, %swap3A_478], %swap3A_481 {strides = array<i32>} : memref<4x128xi32, #tpu.memory_space<vmem>>, vector<1x16xi32>,
    %get3A_482 = arith.constant 2 : i32
    %get3A_483 = arith.index_cast %get3A_482 : i32 to index
    %get3A_484 = arith.constant 112 : index
    %get3A_485 = tpu.vector_load %arg10[%get3A_483, %get3A_484] {strides = array<i32>} : memref<4x128xi32, #tpu.memory_space<vmem>>, vector<1x16xi32>,
    %get3A_486 = vector.shape_cast %get3A_485 : vector<1x16xi32> to vector<16xi32>
    %shift_right_logical3A_487 = arith.constant 11 : i32
    %shift_right_logical3A_488 = vector.broadcast %shift_right_logical3A_487 : i32 to vector<16xi32>
    %shift_right_logical3A_489 = arith.shrui %get3A_486, %shift_right_logical3A_488 : vector<16xi32>
    %mul3A_490 = arith.constant 512 : i32
    %mul3A_491 = vector.broadcast %mul3A_490 : i32 to vector<16xi32>
    %mul3A_492 = arith.muli %shift_right_logical3A_489, %mul3A_491 : vector<16xi32>
    %and3A_493 = arith.constant 511 : i32
    %and3A_494 = vector.broadcast %and3A_493 : i32 to vector<16xi32>
    %and3A_495 = arith.andi %get3A_486, %and3A_494 : vector<16xi32>
    %add3A_496 = arith.addi %mul3A_492, %and3A_495 : vector<16xi32>
    %swap3A_497 = arith.constant 2 : i32
    %swap3A_498 = arith.index_cast %swap3A_497 : i32 to index
    %swap3A_499 = arith.constant 112 : index
    %swap3A_500 = tpu.vector_load %arg12[%swap3A_498, %swap3A_499] {strides = array<i32>} : memref<4x128xi32, #tpu.memory_space<vmem>>, vector<1x16xi32>,
    %swap3A_501 = vector.shape_cast %swap3A_500 : vector<1x16xi32> to vector<16xi32>
    %swap3A_502 = vector.shape_cast %add3A_496 : vector<16xi32> to vector<1x16xi32>
    tpu.vector_store %arg12[%swap3A_498, %swap3A_499], %swap3A_502 {strides = array<i32>} : memref<4x128xi32, #tpu.memory_space<vmem>>, vector<1x16xi32>,
    %get3A_503 = arith.constant 3 : i32
    %get3A_504 = arith.index_cast %get3A_503 : i32 to index
    %get3A_505 = arith.constant 0 : index
    %get3A_506 = tpu.vector_load %arg10[%get3A_504, %get3A_505] {strides = array<i32>} : memref<4x128xi32, #tpu.memory_space<vmem>>, vector<1x16xi32>,
    %get3A_507 = vector.shape_cast %get3A_506 : vector<1x16xi32> to vector<16xi32>
    %shift_right_logical3A_508 = arith.constant 11 : i32
    %shift_right_logical3A_509 = vector.broadcast %shift_right_logical3A_508 : i32 to vector<16xi32>
    %shift_right_logical3A_510 = arith.shrui %get3A_507, %shift_right_logical3A_509 : vector<16xi32>
    %mul3A_511 = arith.constant 512 : i32
    %mul3A_512 = vector.broadcast %mul3A_511 : i32 to vector<16xi32>
    %mul3A_513 = arith.muli %shift_right_logical3A_510, %mul3A_512 : vector<16xi32>
    %and3A_514 = arith.constant 511 : i32
    %and3A_515 = vector.broadcast %and3A_514 : i32 to vector<16xi32>
    %and3A_516 = arith.andi %get3A_507, %and3A_515 : vector<16xi32>
    %add3A_517 = arith.addi %mul3A_513, %and3A_516 : vector<16xi32>
    %swap3A_518 = arith.constant 3 : i32
    %swap3A_519 = arith.index_cast %swap3A_518 : i32 to index
    %swap3A_520 = arith.constant 0 : index
    %swap3A_521 = tpu.vector_load %arg12[%swap3A_519, %swap3A_520] {strides = array<i32>} : memref<4x128xi32, #tpu.memory_space<vmem>>, vector<1x16xi32>,
    %swap3A_522 = vector.shape_cast %swap3A_521 : vector<1x16xi32> to vector<16xi32>
    %swap3A_523 = vector.shape_cast %add3A_517 : vector<16xi32> to vector<1x16xi32>
    tpu.vector_store %arg12[%swap3A_519, %swap3A_520], %swap3A_523 {strides = array<i32>} : memref<4x128xi32, #tpu.memory_space<vmem>>, vector<1x16xi32>,
    %get3A_524 = arith.constant 3 : i32
    %get3A_525 = arith.index_cast %get3A_524 : i32 to index
    %get3A_526 = arith.constant 16 : index
    %get3A_527 = tpu.vector_load %arg10[%get3A_525, %get3A_526] {strides = array<i32>} : memref<4x128xi32, #tpu.memory_space<vmem>>, vector<1x16xi32>,
    %get3A_528 = vector.shape_cast %get3A_527 : vector<1x16xi32> to vector<16xi32>
    %shift_right_logical3A_529 = arith.constant 11 : i32
    %shift_right_logical3A_530 = vector.broadcast %shift_right_logical3A_529 : i32 to vector<16xi32>
    %shift_right_logical3A_531 = arith.shrui %get3A_528, %shift_right_logical3A_530 : vector<16xi32>
    %mul3A_532 = arith.constant 512 : i32
    %mul3A_533 = vector.broadcast %mul3A_532 : i32 to vector<16xi32>
    %mul3A_534 = arith.muli %shift_right_logical3A_531, %mul3A_533 : vector<16xi32>
    %and3A_535 = arith.constant 511 : i32
    %and3A_536 = vector.broadcast %and3A_535 : i32 to vector<16xi32>
    %and3A_537 = arith.andi %get3A_528, %and3A_536 : vector<16xi32>
    %add3A_538 = arith.addi %mul3A_534, %and3A_537 : vector<16xi32>
    %swap3A_539 = arith.constant 3 : i32
    %swap3A_540 = arith.index_cast %swap3A_539 : i32 to index
    %swap3A_541 = arith.constant 16 : index
    %swap3A_542 = tpu.vector_load %arg12[%swap3A_540, %swap3A_541] {strides = array<i32>} : memref<4x128xi32, #tpu.memory_space<vmem>>, vector<1x16xi32>,
    %swap3A_543 = vector.shape_cast %swap3A_542 : vector<1x16xi32> to vector<16xi32>
    %swap3A_544 = vector.shape_cast %add3A_538 : vector<16xi32> to vector<1x16xi32>
    tpu.vector_store %arg12[%swap3A_540, %swap3A_541], %swap3A_544 {strides = array<i32>} : memref<4x128xi32, #tpu.memory_space<vmem>>, vector<1x16xi32>,
    %get3A_545 = arith.constant 3 : i32
    %get3A_546 = arith.index_cast %get3A_545 : i32 to index
    %get3A_547 = arith.constant 32 : index
    %get3A_548 = tpu.vector_load %arg10[%get3A_546, %get3A_547] {strides = array<i32>} : memref<4x128xi32, #tpu.memory_space<vmem>>, vector<1x16xi32>,
    %get3A_549 = vector.shape_cast %get3A_548 : vector<1x16xi32> to vector<16xi32>
    %shift_right_logical3A_550 = arith.constant 11 : i32
    %shift_right_logical3A_551 = vector.broadcast %shift_right_logical3A_550 : i32 to vector<16xi32>
    %shift_right_logical3A_552 = arith.shrui %get3A_549, %shift_right_logical3A_551 : vector<16xi32>
    %mul3A_553 = arith.constant 512 : i32
    %mul3A_554 = vector.broadcast %mul3A_553 : i32 to vector<16xi32>
    %mul3A_555 = arith.muli %shift_right_logical3A_552, %mul3A_554 : vector<16xi32>
    %and3A_556 = arith.constant 511 : i32
    %and3A_557 = vector.broadcast %and3A_556 : i32 to vector<16xi32>
    %and3A_558 = arith.andi %get3A_549, %and3A_557 : vector<16xi32>
    %add3A_559 = arith.addi %mul3A_555, %and3A_558 : vector<16xi32>
    %swap3A_560 = arith.constant 3 : i32
    %swap3A_561 = arith.index_cast %swap3A_560 : i32 to index
    %swap3A_562 = arith.constant 32 : index
    %swap3A_563 = tpu.vector_load %arg12[%swap3A_561, %swap3A_562] {strides = array<i32>} : memref<4x128xi32, #tpu.memory_space<vmem>>, vector<1x16xi32>,
    %swap3A_564 = vector.shape_cast %swap3A_563 : vector<1x16xi32> to vector<16xi32>
    %swap3A_565 = vector.shape_cast %add3A_559 : vector<16xi32> to vector<1x16xi32>
    tpu.vector_store %arg12[%swap3A_561, %swap3A_562], %swap3A_565 {strides = array<i32>} : memref<4x128xi32, #tpu.memory_space<vmem>>, vector<1x16xi32>,
    %get3A_566 = arith.constant 3 : i32
    %get3A_567 = arith.index_cast %get3A_566 : i32 to index
    %get3A_568 = arith.constant 48 : index
    %get3A_569 = tpu.vector_load %arg10[%get3A_567, %get3A_568] {strides = array<i32>} : memref<4x128xi32, #tpu.memory_space<vmem>>, vector<1x16xi32>,
    %get3A_570 = vector.shape_cast %get3A_569 : vector<1x16xi32> to vector<16xi32>
    %shift_right_logical3A_571 = arith.constant 11 : i32
    %shift_right_logical3A_572 = vector.broadcast %shift_right_logical3A_571 : i32 to vector<16xi32>
    %shift_right_logical3A_573 = arith.shrui %get3A_570, %shift_right_logical3A_572 : vector<16xi32>
    %mul3A_574 = arith.constant 512 : i32
    %mul3A_575 = vector.broadcast %mul3A_574 : i32 to vector<16xi32>
    %mul3A_576 = arith.muli %shift_right_logical3A_573, %mul3A_575 : vector<16xi32>
    %and3A_577 = arith.constant 511 : i32
    %and3A_578 = vector.broadcast %and3A_577 : i32 to vector<16xi32>
    %and3A_579 = arith.andi %get3A_570, %and3A_578 : vector<16xi32>
    %add3A_580 = arith.addi %mul3A_576, %and3A_579 : vector<16xi32>
    %swap3A_581 = arith.constant 3 : i32
    %swap3A_582 = arith.index_cast %swap3A_581 : i32 to index
    %swap3A_583 = arith.constant 48 : index
    %swap3A_584 = tpu.vector_load %arg12[%swap3A_582, %swap3A_583] {strides = array<i32>} : memref<4x128xi32, #tpu.memory_space<vmem>>, vector<1x16xi32>,
    %swap3A_585 = vector.shape_cast %swap3A_584 : vector<1x16xi32> to vector<16xi32>
    %swap3A_586 = vector.shape_cast %add3A_580 : vector<16xi32> to vector<1x16xi32>
    tpu.vector_store %arg12[%swap3A_582, %swap3A_583], %swap3A_586 {strides = array<i32>} : memref<4x128xi32, #tpu.memory_space<vmem>>, vector<1x16xi32>,
    %get3A_587 = arith.constant 3 : i32
    %get3A_588 = arith.index_cast %get3A_587 : i32 to index
    %get3A_589 = arith.constant 64 : index
    %get3A_590 = tpu.vector_load %arg10[%get3A_588, %get3A_589] {strides = array<i32>} : memref<4x128xi32, #tpu.memory_space<vmem>>, vector<1x16xi32>,
    %get3A_591 = vector.shape_cast %get3A_590 : vector<1x16xi32> to vector<16xi32>
    %shift_right_logical3A_592 = arith.constant 11 : i32
    %shift_right_logical3A_593 = vector.broadcast %shift_right_logical3A_592 : i32 to vector<16xi32>
    %shift_right_logical3A_594 = arith.shrui %get3A_591, %shift_right_logical3A_593 : vector<16xi32>
    %mul3A_595 = arith.constant 512 : i32
    %mul3A_596 = vector.broadcast %mul3A_595 : i32 to vector<16xi32>
    %mul3A_597 = arith.muli %shift_right_logical3A_594, %mul3A_596 : vector<16xi32>
    %and3A_598 = arith.constant 511 : i32
    %and3A_599 = vector.broadcast %and3A_598 : i32 to vector<16xi32>
    %and3A_600 = arith.andi %get3A_591, %and3A_599 : vector<16xi32>
    %add3A_601 = arith.addi %mul3A_597, %and3A_600 : vector<16xi32>
    %swap3A_602 = arith.constant 3 : i32
    %swap3A_603 = arith.index_cast %swap3A_602 : i32 to index
    %swap3A_604 = arith.constant 64 : index
    %swap3A_605 = tpu.vector_load %arg12[%swap3A_603, %swap3A_604] {strides = array<i32>} : memref<4x128xi32, #tpu.memory_space<vmem>>, vector<1x16xi32>,
    %swap3A_606 = vector.shape_cast %swap3A_605 : vector<1x16xi32> to vector<16xi32>
    %swap3A_607 = vector.shape_cast %add3A_601 : vector<16xi32> to vector<1x16xi32>
    tpu.vector_store %arg12[%swap3A_603, %swap3A_604], %swap3A_607 {strides = array<i32>} : memref<4x128xi32, #tpu.memory_space<vmem>>, vector<1x16xi32>,
    %get3A_608 = arith.constant 3 : i32
    %get3A_609 = arith.index_cast %get3A_608 : i32 to index
    %get3A_610 = arith.constant 80 : index
    %get3A_611 = tpu.vector_load %arg10[%get3A_609, %get3A_610] {strides = array<i32>} : memref<4x128xi32, #tpu.memory_space<vmem>>, vector<1x16xi32>,
    %get3A_612 = vector.shape_cast %get3A_611 : vector<1x16xi32> to vector<16xi32>
    %shift_right_logical3A_613 = arith.constant 11 : i32
    %shift_right_logical3A_614 = vector.broadcast %shift_right_logical3A_613 : i32 to vector<16xi32>
    %shift_right_logical3A_615 = arith.shrui %get3A_612, %shift_right_logical3A_614 : vector<16xi32>
    %mul3A_616 = arith.constant 512 : i32
    %mul3A_617 = vector.broadcast %mul3A_616 : i32 to vector<16xi32>
    %mul3A_618 = arith.muli %shift_right_logical3A_615, %mul3A_617 : vector<16xi32>
    %and3A_619 = arith.constant 511 : i32
    %and3A_620 = vector.broadcast %and3A_619 : i32 to vector<16xi32>
    %and3A_621 = arith.andi %get3A_612, %and3A_620 : vector<16xi32>
    %add3A_622 = arith.addi %mul3A_618, %and3A_621 : vector<16xi32>
    %swap3A_623 = arith.constant 3 : i32
    %swap3A_624 = arith.index_cast %swap3A_623 : i32 to index
    %swap3A_625 = arith.constant 80 : index
    %swap3A_626 = tpu.vector_load %arg12[%swap3A_624, %swap3A_625] {strides = array<i32>} : memref<4x128xi32, #tpu.memory_space<vmem>>, vector<1x16xi32>,
    %swap3A_627 = vector.shape_cast %swap3A_626 : vector<1x16xi32> to vector<16xi32>
    %swap3A_628 = vector.shape_cast %add3A_622 : vector<16xi32> to vector<1x16xi32>
    tpu.vector_store %arg12[%swap3A_624, %swap3A_625], %swap3A_628 {strides = array<i32>} : memref<4x128xi32, #tpu.memory_space<vmem>>, vector<1x16xi32>,
    %get3A_629 = arith.constant 3 : i32
    %get3A_630 = arith.index_cast %get3A_629 : i32 to index
    %get3A_631 = arith.constant 96 : index
    %get3A_632 = tpu.vector_load %arg10[%get3A_630, %get3A_631] {strides = array<i32>} : memref<4x128xi32, #tpu.memory_space<vmem>>, vector<1x16xi32>,
    %get3A_633 = vector.shape_cast %get3A_632 : vector<1x16xi32> to vector<16xi32>
    %shift_right_logical3A_634 = arith.constant 11 : i32
    %shift_right_logical3A_635 = vector.broadcast %shift_right_logical3A_634 : i32 to vector<16xi32>
    %shift_right_logical3A_636 = arith.shrui %get3A_633, %shift_right_logical3A_635 : vector<16xi32>
    %mul3A_637 = arith.constant 512 : i32
    %mul3A_638 = vector.broadcast %mul3A_637 : i32 to vector<16xi32>
    %mul3A_639 = arith.muli %shift_right_logical3A_636, %mul3A_638 : vector<16xi32>
    %and3A_640 = arith.constant 511 : i32
    %and3A_641 = vector.broadcast %and3A_640 : i32 to vector<16xi32>
    %and3A_642 = arith.andi %get3A_633, %and3A_641 : vector<16xi32>
    %add3A_643 = arith.addi %mul3A_639, %and3A_642 : vector<16xi32>
    %swap3A_644 = arith.constant 3 : i32
    %swap3A_645 = arith.index_cast %swap3A_644 : i32 to index
    %swap3A_646 = arith.constant 96 : index
    %swap3A_647 = tpu.vector_load %arg12[%swap3A_645, %swap3A_646] {strides = array<i32>} : memref<4x128xi32, #tpu.memory_space<vmem>>, vector<1x16xi32>,
    %swap3A_648 = vector.shape_cast %swap3A_647 : vector<1x16xi32> to vector<16xi32>
    %swap3A_649 = vector.shape_cast %add3A_643 : vector<16xi32> to vector<1x16xi32>
    tpu.vector_store %arg12[%swap3A_645, %swap3A_646], %swap3A_649 {strides = array<i32>} : memref<4x128xi32, #tpu.memory_space<vmem>>, vector<1x16xi32>,
    %get3A_650 = arith.constant 3 : i32
    %get3A_651 = arith.index_cast %get3A_650 : i32 to index
    %get3A_652 = arith.constant 112 : index
    %get3A_653 = tpu.vector_load %arg10[%get3A_651, %get3A_652] {strides = array<i32>} : memref<4x128xi32, #tpu.memory_space<vmem>>, vector<1x16xi32>,
    %get3A_654 = vector.shape_cast %get3A_653 : vector<1x16xi32> to vector<16xi32>
    %shift_right_logical3A_655 = arith.constant 11 : i32
    %shift_right_logical3A_656 = vector.broadcast %shift_right_logical3A_655 : i32 to vector<16xi32>
    %shift_right_logical3A_657 = arith.shrui %get3A_654, %shift_right_logical3A_656 : vector<16xi32>
    %mul3A_658 = arith.constant 512 : i32
    %mul3A_659 = vector.broadcast %mul3A_658 : i32 to vector<16xi32>
    %mul3A_660 = arith.muli %shift_right_logical3A_657, %mul3A_659 : vector<16xi32>
    %and3A_661 = arith.constant 511 : i32
    %and3A_662 = vector.broadcast %and3A_661 : i32 to vector<16xi32>
    %and3A_663 = arith.andi %get3A_654, %and3A_662 : vector<16xi32>
    %add3A_664 = arith.addi %mul3A_660, %and3A_663 : vector<16xi32>
    %swap3A_665 = arith.constant 3 : i32
    %swap3A_666 = arith.index_cast %swap3A_665 : i32 to index
    %swap3A_667 = arith.constant 112 : index
    %swap3A_668 = tpu.vector_load %arg12[%swap3A_666, %swap3A_667] {strides = array<i32>} : memref<4x128xi32, #tpu.memory_space<vmem>>, vector<1x16xi32>,
    %swap3A_669 = vector.shape_cast %swap3A_668 : vector<1x16xi32> to vector<16xi32>
    %swap3A_670 = vector.shape_cast %add3A_664 : vector<16xi32> to vector<1x16xi32>
    tpu.vector_store %arg12[%swap3A_666, %swap3A_667], %swap3A_670 {strides = array<i32>} : memref<4x128xi32, #tpu.memory_space<vmem>>, vector<1x16xi32>,
    %dma_start3A = arith.constant 0 : i32
    %dma_start3A_671 = arith.constant 0 : i32
    %dma_start3A_672 = arith.constant 0 : i32
    %dma_start3A_673 = tpu.memref_slice %arg14[%dma_start3A_671, %dma_start3A_672] : memref<512x32xf32, #tpu.memory_space<vmem>> -> memref<128x32xf32, #tpu.memory_space<vmem>>
    %dma_start3A_674 = arith.constant 0 : i32
    %dma_start3A_675 = tpu.memref_slice %arg11[%dma_start3A, %dma_start3A_674] : memref<4x128xi32, #tpu.memory_space<vmem>> -> memref<1x128xi32, #tpu.memory_space<vmem>>
    %dma_start3A_676 = tpu.memref_squeeze %dma_start3A_675 : memref<1x128xi32, #tpu.memory_space<vmem>> -> memref<128xi32, #tpu.memory_space<vmem>>
    %dma_start3A_677 = arith.constant 0 : i32
    %dma_start3A_678 = arith.constant 0 : i32
    %dma_start3A_679 = tpu.memref_slice %arg5[%dma_start3A_677, %dma_start3A_678] : memref<1000000x32xf32, #tpu.memory_space<hbm>> -> memref<1000000x32xf32, #tpu.memory_space<hbm>>
    tpu.enqueue_indirect_dma source(%dma_start3A_679 : memref<1000000x32xf32, #tpu.memory_space<hbm>>) target(%dma_start3A_673 : memref<128x32xf32, #tpu.memory_space<vmem>>) offsets(%dma_start3A_676 : memref<128xi32, #tpu.memory_space<vmem>>) semaphore(%arg17 : memref<!tpu.dma_semaphore, #tpu.memory_space<semaphore_mem>>)
    %dma_start3A_680 = arith.constant 0 : i32
    %dma_start3A_681 = arith.constant 0 : i32
    %dma_start3A_682 = tpu.memref_slice %arg15[%dma_start3A_681] : memref<512xf32, #tpu.memory_space<vmem>> -> memref<128xf32, #tpu.memory_space<vmem>>
    %dma_start3A_683 = arith.constant 0 : i32
    %dma_start3A_684 = tpu.memref_slice %arg11[%dma_start3A_680, %dma_start3A_683] : memref<4x128xi32, #tpu.memory_space<vmem>> -> memref<1x128xi32, #tpu.memory_space<vmem>>
    %dma_start3A_685 = tpu.memref_squeeze %dma_start3A_684 : memref<1x128xi32, #tpu.memory_space<vmem>> -> memref<128xi32, #tpu.memory_space<vmem>>
    %dma_start3A_686 = arith.constant 0 : i32
    %dma_start3A_687 = tpu.memref_slice %arg6[%dma_start3A_686] : memref<1000000xf32, #tpu.memory_space<hbm>> -> memref<1000000xf32, #tpu.memory_space<hbm>>
    tpu.enqueue_indirect_dma source(%dma_start3A_687 : memref<1000000xf32, #tpu.memory_space<hbm>>) target(%dma_start3A_682 : memref<128xf32, #tpu.memory_space<vmem>>) offsets(%dma_start3A_685 : memref<128xi32, #tpu.memory_space<vmem>>) semaphore(%arg17 : memref<!tpu.dma_semaphore, #tpu.memory_space<semaphore_mem>>)
    %dma_start3A_688 = arith.constant 1 : i32
    %dma_start3A_689 = arith.constant 128 : i32
    %dma_start3A_690 = arith.constant 0 : i32
    %dma_start3A_691 = tpu.memref_slice %arg14[%dma_start3A_689, %dma_start3A_690] : memref<512x32xf32, #tpu.memory_space<vmem>> -> memref<128x32xf32, #tpu.memory_space<vmem>>
    %dma_start3A_692 = arith.constant 0 : i32
    %dma_start3A_693 = tpu.memref_slice %arg11[%dma_start3A_688, %dma_start3A_692] : memref<4x128xi32, #tpu.memory_space<vmem>> -> memref<1x128xi32, #tpu.memory_space<vmem>>
    %dma_start3A_694 = tpu.memref_squeeze %dma_start3A_693 : memref<1x128xi32, #tpu.memory_space<vmem>> -> memref<128xi32, #tpu.memory_space<vmem>>
    %dma_start3A_695 = arith.constant 0 : i32
    %dma_start3A_696 = arith.constant 0 : i32
    %dma_start3A_697 = tpu.memref_slice %arg5[%dma_start3A_695, %dma_start3A_696] : memref<1000000x32xf32, #tpu.memory_space<hbm>> -> memref<1000000x32xf32, #tpu.memory_space<hbm>>
    tpu.enqueue_indirect_dma source(%dma_start3A_697 : memref<1000000x32xf32, #tpu.memory_space<hbm>>) target(%dma_start3A_691 : memref<128x32xf32, #tpu.memory_space<vmem>>) offsets(%dma_start3A_694 : memref<128xi32, #tpu.memory_space<vmem>>) semaphore(%arg17 : memref<!tpu.dma_semaphore, #tpu.memory_space<semaphore_mem>>)
    %dma_start3A_698 = arith.constant 1 : i32
    %dma_start3A_699 = arith.constant 128 : i32
    %dma_start3A_700 = tpu.memref_slice %arg15[%dma_start3A_699] : memref<512xf32, #tpu.memory_space<vmem>> -> memref<128xf32, #tpu.memory_space<vmem>>
    %dma_start3A_701 = arith.constant 0 : i32
    %dma_start3A_702 = tpu.memref_slice %arg11[%dma_start3A_698, %dma_start3A_701] : memref<4x128xi32, #tpu.memory_space<vmem>> -> memref<1x128xi32, #tpu.memory_space<vmem>>
    %dma_start3A_703 = tpu.memref_squeeze %dma_start3A_702 : memref<1x128xi32, #tpu.memory_space<vmem>> -> memref<128xi32, #tpu.memory_space<vmem>>
    %dma_start3A_704 = arith.constant 0 : i32
    %dma_start3A_705 = tpu.memref_slice %arg6[%dma_start3A_704] : memref<1000000xf32, #tpu.memory_space<hbm>> -> memref<1000000xf32, #tpu.memory_space<hbm>>
    tpu.enqueue_indirect_dma source(%dma_start3A_705 : memref<1000000xf32, #tpu.memory_space<hbm>>) target(%dma_start3A_700 : memref<128xf32, #tpu.memory_space<vmem>>) offsets(%dma_start3A_703 : memref<128xi32, #tpu.memory_space<vmem>>) semaphore(%arg17 : memref<!tpu.dma_semaphore, #tpu.memory_space<semaphore_mem>>)
    %dma_start3A_706 = arith.constant 2 : i32
    %dma_start3A_707 = arith.constant 256 : i32
    %dma_start3A_708 = arith.constant 0 : i32
    %dma_start3A_709 = tpu.memref_slice %arg14[%dma_start3A_707, %dma_start3A_708] : memref<512x32xf32, #tpu.memory_space<vmem>> -> memref<128x32xf32, #tpu.memory_space<vmem>>
    %dma_start3A_710 = arith.constant 0 : i32
    %dma_start3A_711 = tpu.memref_slice %arg11[%dma_start3A_706, %dma_start3A_710] : memref<4x128xi32, #tpu.memory_space<vmem>> -> memref<1x128xi32, #tpu.memory_space<vmem>>
    %dma_start3A_712 = tpu.memref_squeeze %dma_start3A_711 : memref<1x128xi32, #tpu.memory_space<vmem>> -> memref<128xi32, #tpu.memory_space<vmem>>
    %dma_start3A_713 = arith.constant 0 : i32
    %dma_start3A_714 = arith.constant 0 : i32
    %dma_start3A_715 = tpu.memref_slice %arg5[%dma_start3A_713, %dma_start3A_714] : memref<1000000x32xf32, #tpu.memory_space<hbm>> -> memref<1000000x32xf32, #tpu.memory_space<hbm>>
    tpu.enqueue_indirect_dma source(%dma_start3A_715 : memref<1000000x32xf32, #tpu.memory_space<hbm>>) target(%dma_start3A_709 : memref<128x32xf32, #tpu.memory_space<vmem>>) offsets(%dma_start3A_712 : memref<128xi32, #tpu.memory_space<vmem>>) semaphore(%arg17 : memref<!tpu.dma_semaphore, #tpu.memory_space<semaphore_mem>>)
    %dma_start3A_716 = arith.constant 2 : i32
    %dma_start3A_717 = arith.constant 256 : i32
    %dma_start3A_718 = tpu.memref_slice %arg15[%dma_start3A_717] : memref<512xf32, #tpu.memory_space<vmem>> -> memref<128xf32, #tpu.memory_space<vmem>>
    %dma_start3A_719 = arith.constant 0 : i32
    %dma_start3A_720 = tpu.memref_slice %arg11[%dma_start3A_716, %dma_start3A_719] : memref<4x128xi32, #tpu.memory_space<vmem>> -> memref<1x128xi32, #tpu.memory_space<vmem>>
    %dma_start3A_721 = tpu.memref_squeeze %dma_start3A_720 : memref<1x128xi32, #tpu.memory_space<vmem>> -> memref<128xi32, #tpu.memory_space<vmem>>
    %dma_start3A_722 = arith.constant 0 : i32
    %dma_start3A_723 = tpu.memref_slice %arg6[%dma_start3A_722] : memref<1000000xf32, #tpu.memory_space<hbm>> -> memref<1000000xf32, #tpu.memory_space<hbm>>
    tpu.enqueue_indirect_dma source(%dma_start3A_723 : memref<1000000xf32, #tpu.memory_space<hbm>>) target(%dma_start3A_718 : memref<128xf32, #tpu.memory_space<vmem>>) offsets(%dma_start3A_721 : memref<128xi32, #tpu.memory_space<vmem>>) semaphore(%arg17 : memref<!tpu.dma_semaphore, #tpu.memory_space<semaphore_mem>>)
    %dma_start3A_724 = arith.constant 3 : i32
    %dma_start3A_725 = arith.constant 384 : i32
    %dma_start3A_726 = arith.constant 0 : i32
    %dma_start3A_727 = tpu.memref_slice %arg14[%dma_start3A_725, %dma_start3A_726] : memref<512x32xf32, #tpu.memory_space<vmem>> -> memref<128x32xf32, #tpu.memory_space<vmem>>
    %dma_start3A_728 = arith.constant 0 : i32
    %dma_start3A_729 = tpu.memref_slice %arg11[%dma_start3A_724, %dma_start3A_728] : memref<4x128xi32, #tpu.memory_space<vmem>> -> memref<1x128xi32, #tpu.memory_space<vmem>>
    %dma_start3A_730 = tpu.memref_squeeze %dma_start3A_729 : memref<1x128xi32, #tpu.memory_space<vmem>> -> memref<128xi32, #tpu.memory_space<vmem>>
    %dma_start3A_731 = arith.constant 0 : i32
    %dma_start3A_732 = arith.constant 0 : i32
    %dma_start3A_733 = tpu.memref_slice %arg5[%dma_start3A_731, %dma_start3A_732] : memref<1000000x32xf32, #tpu.memory_space<hbm>> -> memref<1000000x32xf32, #tpu.memory_space<hbm>>
    tpu.enqueue_indirect_dma source(%dma_start3A_733 : memref<1000000x32xf32, #tpu.memory_space<hbm>>) target(%dma_start3A_727 : memref<128x32xf32, #tpu.memory_space<vmem>>) offsets(%dma_start3A_730 : memref<128xi32, #tpu.memory_space<vmem>>) semaphore(%arg17 : memref<!tpu.dma_semaphore, #tpu.memory_space<semaphore_mem>>)
    %dma_start3A_734 = arith.constant 3 : i32
    %dma_start3A_735 = arith.constant 384 : i32
    %dma_start3A_736 = tpu.memref_slice %arg15[%dma_start3A_735] : memref<512xf32, #tpu.memory_space<vmem>> -> memref<128xf32, #tpu.memory_space<vmem>>
    %dma_start3A_737 = arith.constant 0 : i32
    %dma_start3A_738 = tpu.memref_slice %arg11[%dma_start3A_734, %dma_start3A_737] : memref<4x128xi32, #tpu.memory_space<vmem>> -> memref<1x128xi32, #tpu.memory_space<vmem>>
    %dma_start3A_739 = tpu.memref_squeeze %dma_start3A_738 : memref<1x128xi32, #tpu.memory_space<vmem>> -> memref<128xi32, #tpu.memory_space<vmem>>
    %dma_start3A_740 = arith.constant 0 : i32
    %dma_start3A_741 = tpu.memref_slice %arg6[%dma_start3A_740] : memref<1000000xf32, #tpu.memory_space<hbm>> -> memref<1000000xf32, #tpu.memory_space<hbm>>
    tpu.enqueue_indirect_dma source(%dma_start3A_741 : memref<1000000xf32, #tpu.memory_space<hbm>>) target(%dma_start3A_736 : memref<128xf32, #tpu.memory_space<vmem>>) offsets(%dma_start3A_739 : memref<128xi32, #tpu.memory_space<vmem>>) semaphore(%arg17 : memref<!tpu.dma_semaphore, #tpu.memory_space<semaphore_mem>>)
    %dma_start3A_742 = arith.constant 0 : i32
    %dma_start3A_743 = arith.constant 0 : i32
    %dma_start3A_744 = arith.constant 0 : i32
    %dma_start3A_745 = tpu.memref_slice %arg13[%dma_start3A_743, %dma_start3A_744] : memref<256x128xf32, #tpu.memory_space<vmem>> -> memref<128x128xf32, #tpu.memory_space<vmem>>
    %dma_start3A_746 = arith.constant 0 : i32
    %dma_start3A_747 = tpu.memref_slice %arg12[%dma_start3A_742, %dma_start3A_746] : memref<4x128xi32, #tpu.memory_space<vmem>> -> memref<1x128xi32, #tpu.memory_space<vmem>>
    %dma_start3A_748 = tpu.memref_squeeze %dma_start3A_747 : memref<1x128xi32, #tpu.memory_space<vmem>> -> memref<128xi32, #tpu.memory_space<vmem>>
    %dma_start3A_749 = arith.constant 0 : i32
    %dma_start3A_750 = arith.constant 0 : i32
    %dma_start3A_751 = tpu.memref_slice %arg4[%dma_start3A_749, %dma_start3A_750] : memref<250368x128xf32, #tpu.memory_space<hbm>> -> memref<250368x128xf32, #tpu.memory_space<hbm>>
    tpu.enqueue_indirect_dma source(%dma_start3A_751 : memref<250368x128xf32, #tpu.memory_space<hbm>>) target(%dma_start3A_745 : memref<128x128xf32, #tpu.memory_space<vmem>>) offsets(%dma_start3A_748 : memref<128xi32, #tpu.memory_space<vmem>>) semaphore(%arg17 : memref<!tpu.dma_semaphore, #tpu.memory_space<semaphore_mem>>)
    %dma_start3A_752 = arith.constant 1 : i32
    %dma_start3A_753 = arith.constant 128 : i32
    %dma_start3A_754 = arith.constant 0 : i32
    %dma_start3A_755 = tpu.memref_slice %arg13[%dma_start3A_753, %dma_start3A_754] : memref<256x128xf32, #tpu.memory_space<vmem>> -> memref<128x128xf32, #tpu.memory_space<vmem>>
    %dma_start3A_756 = arith.constant 0 : i32
    %dma_start3A_757 = tpu.memref_slice %arg12[%dma_start3A_752, %dma_start3A_756] : memref<4x128xi32, #tpu.memory_space<vmem>> -> memref<1x128xi32, #tpu.memory_space<vmem>>
    %dma_start3A_758 = tpu.memref_squeeze %dma_start3A_757 : memref<1x128xi32, #tpu.memory_space<vmem>> -> memref<128xi32, #tpu.memory_space<vmem>>
    %dma_start3A_759 = arith.constant 0 : i32
    %dma_start3A_760 = arith.constant 0 : i32
    %dma_start3A_761 = tpu.memref_slice %arg4[%dma_start3A_759, %dma_start3A_760] : memref<250368x128xf32, #tpu.memory_space<hbm>> -> memref<250368x128xf32, #tpu.memory_space<hbm>>
    tpu.enqueue_indirect_dma source(%dma_start3A_761 : memref<250368x128xf32, #tpu.memory_space<hbm>>) target(%dma_start3A_755 : memref<128x128xf32, #tpu.memory_space<vmem>>) offsets(%dma_start3A_758 : memref<128xi32, #tpu.memory_space<vmem>>) semaphore(%arg17 : memref<!tpu.dma_semaphore, #tpu.memory_space<semaphore_mem>>)
    %dma_wait3A = arith.constant 0 : i32
    %dma_wait3A_762 = arith.constant 0 : i32
    %dma_wait3A_763 = arith.constant 0 : i32
    %dma_wait3A_764 = tpu.memref_slice %arg13[%dma_wait3A_762, %dma_wait3A_763] : memref<256x128xf32, #tpu.memory_space<vmem>> -> memref<128x128xf32, #tpu.memory_space<vmem>>
    %dma_wait3A_765 = arith.constant 0 : i32
    %dma_wait3A_766 = tpu.memref_slice %arg12[%dma_wait3A, %dma_wait3A_765] : memref<4x128xi32, #tpu.memory_space<vmem>> -> memref<1x128xi32, #tpu.memory_space<vmem>>
    %dma_wait3A_767 = tpu.memref_squeeze %dma_wait3A_766 : memref<1x128xi32, #tpu.memory_space<vmem>> -> memref<128xi32, #tpu.memory_space<vmem>>
    %dma_wait3A_768 = arith.constant 0 : i32
    %dma_wait3A_769 = arith.constant 0 : i32
    %dma_wait3A_770 = tpu.memref_slice %arg4[%dma_wait3A_768, %dma_wait3A_769] : memref<250368x128xf32, #tpu.memory_space<hbm>> -> memref<250368x128xf32, #tpu.memory_space<hbm>>
    tpu.wait_indirect_dma semaphore(%arg17 : memref<!tpu.dma_semaphore, #tpu.memory_space<semaphore_mem>>) src(%dma_wait3A_770 : memref<250368x128xf32, #tpu.memory_space<hbm>>) dst(%dma_wait3A_764 : memref<128x128xf32, #tpu.memory_space<vmem>>)
    %dma_wait3A_771 = arith.constant 1 : i32
    %dma_wait3A_772 = arith.constant 128 : i32
    %dma_wait3A_773 = arith.constant 0 : i32
    %dma_wait3A_774 = tpu.memref_slice %arg13[%dma_wait3A_772, %dma_wait3A_773] : memref<256x128xf32, #tpu.memory_space<vmem>> -> memref<128x128xf32, #tpu.memory_space<vmem>>
    %dma_wait3A_775 = arith.constant 0 : i32
    %dma_wait3A_776 = tpu.memref_slice %arg12[%dma_wait3A_771, %dma_wait3A_775] : memref<4x128xi32, #tpu.memory_space<vmem>> -> memref<1x128xi32, #tpu.memory_space<vmem>>
    %dma_wait3A_777 = tpu.memref_squeeze %dma_wait3A_776 : memref<1x128xi32, #tpu.memory_space<vmem>> -> memref<128xi32, #tpu.memory_space<vmem>>
    %dma_wait3A_778 = arith.constant 0 : i32
    %dma_wait3A_779 = arith.constant 0 : i32
    %dma_wait3A_780 = tpu.memref_slice %arg4[%dma_wait3A_778, %dma_wait3A_779] : memref<250368x128xf32, #tpu.memory_space<hbm>> -> memref<250368x128xf32, #tpu.memory_space<hbm>>
    tpu.wait_indirect_dma semaphore(%arg17 : memref<!tpu.dma_semaphore, #tpu.memory_space<semaphore_mem>>) src(%dma_wait3A_780 : memref<250368x128xf32, #tpu.memory_space<hbm>>) dst(%dma_wait3A_774 : memref<128x128xf32, #tpu.memory_space<vmem>>)
    %scan3A = arith.constant 0 : i32
    %scan3A_781 = arith.constant 0 : i32
    %scan3A_782 = arith.constant 16 : i32
    %scan3A_783 = arith.addi %scan3A_781, %scan3A_782 : i32
    %scan3A_784 = arith.constant 1 : i32
    %scan3A_785 = scf.for %scan3A_914 = %scan3A_781 to %scan3A_783 step %scan3A_784 iter_args(%scan3A_915 = %scan3A) -> (i32)  : i32 {
      %jit3A = arith.constant 8 : i32
      %div3A = arith.divsi %scan3A_914, %jit3A : i32
      %sign3A = arith.constant 0 : i32
      %sign3A_916 = arith.cmpi sgt, %scan3A_914, %sign3A : i32
      %sign3A_917 = arith.extui %sign3A_916 : i1 to i32
      %sign3A_918 = arith.constant 0 : i32
      %sign3A_919 = arith.cmpi slt, %scan3A_914, %sign3A_918 : i32
      %sign3A_920 = arith.extui %sign3A_919 : i1 to i32
      %sign3A_921 = arith.subi %sign3A_917, %sign3A_920 : i32
      %sign3A_922 = arith.constant 0 : i32
      %sign3A_923 = arith.cmpi sgt, %jit3A, %sign3A_922 : i32
      %sign3A_924 = arith.extui %sign3A_923 : i1 to i32
      %sign3A_925 = arith.constant 0 : i32
      %sign3A_926 = arith.cmpi slt, %jit3A, %sign3A_925 : i32
      %sign3A_927 = arith.extui %sign3A_926 : i1 to i32
      %sign3A_928 = arith.subi %sign3A_924, %sign3A_927 : i32
      %ne3A = arith.cmpi ne, %sign3A_921, %sign3A_928 : i32
      %rem3A = arith.remsi %scan3A_914, %jit3A : i32
      %ne3A_929 = arith.constant 0 : i32
      %ne3A_930 = arith.cmpi ne, %rem3A, %ne3A_929 : i32
      %and3A_931 = arith.andi %ne3A, %ne3A_930 : i1
      %sub3A = arith.constant 1 : i32
      %sub3A_932 = arith.subi %div3A, %sub3A : i32
      %select_n3A = arith.select %and3A_931, %sub3A_932, %div3A : i32
      %add3A_933 = arith.constant 0 : i32
      %add3A_934 = arith.addi %add3A_933, %select_n3A : i32
      %jit3A_935 = arith.constant 8 : i32
      %eq3A = arith.constant 0 : i32
      %eq3A_936 = arith.cmpi eq, %jit3A_935, %eq3A : i32
      %jit3A_937 = arith.constant 1 : i32
      %select_n3A_938 = arith.select %eq3A_936, %jit3A_937, %jit3A_935 : i32
      %rem3A_939 = arith.remsi %scan3A_914, %select_n3A_938 : i32
      %ne3A_940 = arith.constant 0 : i32
      %ne3A_941 = arith.cmpi ne, %rem3A_939, %ne3A_940 : i32
      %lt3A = arith.constant 0 : i32
      %lt3A_942 = arith.cmpi slt, %rem3A_939, %lt3A : i32
      %lt3A_943 = arith.constant 0 : i32
      %lt3A_944 = arith.cmpi slt, %select_n3A_938, %lt3A_943 : i32
      %ne3A_945 = arith.xori %lt3A_942, %lt3A_944 : i1
      %and3A_946 = arith.andi %ne3A_945, %ne3A_941 : i1
      %add3A_947 = arith.addi %rem3A_939, %select_n3A_938 : i32
      %select_n3A_948 = arith.select %and3A_946, %add3A_947, %rem3A_939 : i32
      %mul3A_949 = arith.constant 16 : i32
      %mul3A_950 = arith.muli %select_n3A_948, %mul3A_949 : i32
      %get3A_951 = arith.index_cast %add3A_934 : i32 to index
      %get3A_952 = arith.index_cast %mul3A_950 : i32 to index
      %get3A_953 = tpu.vector_load %arg10[%get3A_951, %get3A_952] {strides = array<i32>} : memref<4x128xi32, #tpu.memory_space<vmem>>, vector<1x16xi32>,
      %get3A_954 = vector.shape_cast %get3A_953 : vector<1x16xi32> to vector<16xi32>
      %mul3A_955 = arith.constant 16 : i32
      %mul3A_956 = arith.muli %scan3A_914, %mul3A_955 : i32
      %add3A_957 = arith.constant 0 : i32
      %add3A_958 = arith.addi %mul3A_956, %add3A_957 : i32
      %slice3A = vector.extract_strided_slice %get3A_954 {offsets = [0], sizes = [1], strides = [1]} : vector<16xi32> to vector<1xi32>
      %squeeze3A = vector.extract %slice3A[0] : i32 from vector<1xi32>
      %and3A_959 = arith.constant 2047 : i32
      %and3A_960 = arith.andi %squeeze3A, %and3A_959 : i32
      %jit3A_961 = arith.constant 512 : i32
      %div3A_962 = arith.divsi %and3A_960, %jit3A_961 : i32
      %sign3A_963 = arith.constant 0 : i32
      %sign3A_964 = arith.cmpi sgt, %and3A_960, %sign3A_963 : i32
      %sign3A_965 = arith.extui %sign3A_964 : i1 to i32
      %sign3A_966 = arith.constant 0 : i32
      %sign3A_967 = arith.cmpi slt, %and3A_960, %sign3A_966 : i32
      %sign3A_968 = arith.extui %sign3A_967 : i1 to i32
      %sign3A_969 = arith.subi %sign3A_965, %sign3A_968 : i32
      %sign3A_970 = arith.constant 0 : i32
      %sign3A_971 = arith.cmpi sgt, %jit3A_961, %sign3A_970 : i32
      %sign3A_972 = arith.extui %sign3A_971 : i1 to i32
      %sign3A_973 = arith.constant 0 : i32
      %sign3A_974 = arith.cmpi slt, %jit3A_961, %sign3A_973 : i32
      %sign3A_975 = arith.extui %sign3A_974 : i1 to i32
      %sign3A_976 = arith.subi %sign3A_972, %sign3A_975 : i32
      %ne3A_977 = arith.cmpi ne, %sign3A_969, %sign3A_976 : i32
      %rem3A_978 = arith.remsi %and3A_960, %jit3A_961 : i32
      %ne3A_979 = arith.constant 0 : i32
      %ne3A_980 = arith.cmpi ne, %rem3A_978, %ne3A_979 : i32
      %and3A_981 = arith.andi %ne3A_977, %ne3A_980 : i1
      %sub3A_982 = arith.constant 1 : i32
      %sub3A_983 = arith.subi %div3A_962, %sub3A_982 : i32
      %select_n3A_984 = arith.select %and3A_981, %sub3A_983, %div3A_962 : i32
      %mul3A_985 = arith.constant 32 : i32
      %mul3A_986 = arith.muli %select_n3A_984, %mul3A_985 : i32
      %get3A_987 = arith.index_cast %add3A_958 : i32 to index
      %get3A_988 = arith.index_cast %mul3A_986 : i32 to index
      %get3A_989 = tpu.vector_load %arg13[%get3A_987, %get3A_988] {strides = array<i32>} : memref<256x128xf32, #tpu.memory_space<vmem>>, vector<1x16xf32>,
      %get3A_990 = vector.shape_cast %get3A_989 : vector<1x16xf32> to vector<16xf32>
      %mul3A_991 = arith.constant 32 : i32
      %mul3A_992 = arith.muli %add3A_958, %mul3A_991 : i32
      %swap3A_993 = arith.index_cast %mul3A_992 : i32 to index
      %swap3A_994 = tpu.vector_load %arg16[%swap3A_993] {strides = array<i32>} : memref<8192xf32, #tpu.memory_space<vmem>>, vector<16xf32>,
      %swap3A_995 = vector.shape_cast %swap3A_994 : vector<16xf32> to vector<16xf32>
      %swap3A_996 = vector.shape_cast %get3A_990 : vector<16xf32> to vector<16xf32>
      tpu.vector_store %arg16[%swap3A_993], %swap3A_996 {strides = array<i32>} : memref<8192xf32, #tpu.memory_space<vmem>>, vector<16xf32>,
      %add3A_997 = arith.constant 16 : i32
      %add3A_998 = arith.addi %mul3A_986, %add3A_997 : i32
      %get3A_999 = arith.index_cast %add3A_958 : i32 to index
      %get3A_1000 = arith.index_cast %add3A_998 : i32 to index
      %get3A_1001 = tpu.vector_load %arg13[%get3A_999, %get3A_1000] {strides = array<i32>} : memref<256x128xf32, #tpu.memory_space<vmem>>, vector<1x16xf32>,
      %get3A_1002 = vector.shape_cast %get3A_1001 : vector<1x16xf32> to vector<16xf32>
      %mul3A_1003 = arith.constant 32 : i32
      %mul3A_1004 = arith.muli %add3A_958, %mul3A_1003 : i32
      %add3A_1005 = arith.constant 16 : i32
      %add3A_1006 = arith.addi %mul3A_1004, %add3A_1005 : i32
      %swap3A_1007 = arith.index_cast %add3A_1006 : i32 to index
      %swap3A_1008 = tpu.vector_load %arg16[%swap3A_1007] {strides = array<i32>} : memref<8192xf32, #tpu.memory_space<vmem>>, vector<16xf32>,
      %swap3A_1009 = vector.shape_cast %swap3A_1008 : vector<16xf32> to vector<16xf32>
      %swap3A_1010 = vector.shape_cast %get3A_1002 : vector<16xf32> to vector<16xf32>
      tpu.vector_store %arg16[%swap3A_1007], %swap3A_1010 {strides = array<i32>} : memref<8192xf32, #tpu.memory_space<vmem>>, vector<16xf32>,
      %mul3A_1011 = arith.constant 16 : i32
      %mul3A_1012 = arith.muli %scan3A_914, %mul3A_1011 : i32
      %add3A_1013 = arith.constant 1 : i32
      %add3A_1014 = arith.addi %mul3A_1012, %add3A_1013 : i32
      %slice3A_1015 = vector.extract_strided_slice %get3A_954 {offsets = [1], sizes = [1], strides = [1]} : vector<16xi32> to vector<1xi32>
      %squeeze3A_1016 = vector.extract %slice3A_1015[0] : i32 from vector<1xi32>
      %and3A_1017 = arith.constant 2047 : i32
      %and3A_1018 = arith.andi %squeeze3A_1016, %and3A_1017 : i32
      %jit3A_1019 = arith.constant 512 : i32
      %div3A_1020 = arith.divsi %and3A_1018, %jit3A_1019 : i32
      %sign3A_1021 = arith.constant 0 : i32
      %sign3A_1022 = arith.cmpi sgt, %and3A_1018, %sign3A_1021 : i32
      %sign3A_1023 = arith.extui %sign3A_1022 : i1 to i32
      %sign3A_1024 = arith.constant 0 : i32
      %sign3A_1025 = arith.cmpi slt, %and3A_1018, %sign3A_1024 : i32
      %sign3A_1026 = arith.extui %sign3A_1025 : i1 to i32
      %sign3A_1027 = arith.subi %sign3A_1023, %sign3A_1026 : i32
      %sign3A_1028 = arith.constant 0 : i32
      %sign3A_1029 = arith.cmpi sgt, %jit3A_1019, %sign3A_1028 : i32
      %sign3A_1030 = arith.extui %sign3A_1029 : i1 to i32
      %sign3A_1031 = arith.constant 0 : i32
      %sign3A_1032 = arith.cmpi slt, %jit3A_1019, %sign3A_1031 : i32
      %sign3A_1033 = arith.extui %sign3A_1032 : i1 to i32
      %sign3A_1034 = arith.subi %sign3A_1030, %sign3A_1033 : i32
      %ne3A_1035 = arith.cmpi ne, %sign3A_1027, %sign3A_1034 : i32
      %rem3A_1036 = arith.remsi %and3A_1018, %jit3A_1019 : i32
      %ne3A_1037 = arith.constant 0 : i32
      %ne3A_1038 = arith.cmpi ne, %rem3A_1036, %ne3A_1037 : i32
      %and3A_1039 = arith.andi %ne3A_1035, %ne3A_1038 : i1
      %sub3A_1040 = arith.constant 1 : i32
      %sub3A_1041 = arith.subi %div3A_1020, %sub3A_1040 : i32
      %select_n3A_1042 = arith.select %and3A_1039, %sub3A_1041, %div3A_1020 : i32
      %mul3A_1043 = arith.constant 32 : i32
      %mul3A_1044 = arith.muli %select_n3A_1042, %mul3A_1043 : i32
      %get3A_1045 = arith.index_cast %add3A_1014 : i32 to index
      %get3A_1046 = arith.index_cast %mul3A_1044 : i32 to index
      %get3A_1047 = tpu.vector_load %arg13[%get3A_1045, %get3A_1046] {strides = array<i32>} : memref<256x128xf32, #tpu.memory_space<vmem>>, vector<1x16xf32>,
      %get3A_1048 = vector.shape_cast %get3A_1047 : vector<1x16xf32> to vector<16xf32>
      %mul3A_1049 = arith.constant 32 : i32
      %mul3A_1050 = arith.muli %add3A_1014, %mul3A_1049 : i32
      %swap3A_1051 = arith.index_cast %mul3A_1050 : i32 to index
      %swap3A_1052 = tpu.vector_load %arg16[%swap3A_1051] {strides = array<i32>} : memref<8192xf32, #tpu.memory_space<vmem>>, vector<16xf32>,
      %swap3A_1053 = vector.shape_cast %swap3A_1052 : vector<16xf32> to vector<16xf32>
      %swap3A_1054 = vector.shape_cast %get3A_1048 : vector<16xf32> to vector<16xf32>
      tpu.vector_store %arg16[%swap3A_1051], %swap3A_1054 {strides = array<i32>} : memref<8192xf32, #tpu.memory_space<vmem>>, vector<16xf32>,
      %add3A_1055 = arith.constant 16 : i32
      %add3A_1056 = arith.addi %mul3A_1044, %add3A_1055 : i32
      %get3A_1057 = arith.index_cast %add3A_1014 : i32 to index
      %get3A_1058 = arith.index_cast %add3A_1056 : i32 to index
      %get3A_1059 = tpu.vector_load %arg13[%get3A_1057, %get3A_1058] {strides = array<i32>} : memref<256x128xf32, #tpu.memory_space<vmem>>, vector<1x16xf32>,
      %get3A_1060 = vector.shape_cast %get3A_1059 : vector<1x16xf32> to vector<16xf32>
      %mul3A_1061 = arith.constant 32 : i32
      %mul3A_1062 = arith.muli %add3A_1014, %mul3A_1061 : i32
      %add3A_1063 = arith.constant 16 : i32
      %add3A_1064 = arith.addi %mul3A_1062, %add3A_1063 : i32
      %swap3A_1065 = arith.index_cast %add3A_1064 : i32 to index
      %swap3A_1066 = tpu.vector_load %arg16[%swap3A_1065] {strides = array<i32>} : memref<8192xf32, #tpu.memory_space<vmem>>, vector<16xf32>,
      %swap3A_1067 = vector.shape_cast %swap3A_1066 : vector<16xf32> to vector<16xf32>
      %swap3A_1068 = vector.shape_cast %get3A_1060 : vector<16xf32> to vector<16xf32>
      tpu.vector_store %arg16[%swap3A_1065], %swap3A_1068 {strides = array<i32>} : memref<8192xf32, #tpu.memory_space<vmem>>, vector<16xf32>,
      %mul3A_1069 = arith.constant 16 : i32
      %mul3A_1070 = arith.muli %scan3A_914, %mul3A_1069 : i32
      %add3A_1071 = arith.constant 2 : i32
      %add3A_1072 = arith.addi %mul3A_1070, %add3A_1071 : i32
      %slice3A_1073 = vector.extract_strided_slice %get3A_954 {offsets = [2], sizes = [1], strides = [1]} : vector<16xi32> to vector<1xi32>
      %squeeze3A_1074 = vector.extract %slice3A_1073[0] : i32 from vector<1xi32>
      %and3A_1075 = arith.constant 2047 : i32
      %and3A_1076 = arith.andi %squeeze3A_1074, %and3A_1075 : i32
      %jit3A_1077 = arith.constant 512 : i32
      %div3A_1078 = arith.divsi %and3A_1076, %jit3A_1077 : i32
      %sign3A_1079 = arith.constant 0 : i32
      %sign3A_1080 = arith.cmpi sgt, %and3A_1076, %sign3A_1079 : i32
      %sign3A_1081 = arith.extui %sign3A_1080 : i1 to i32
      %sign3A_1082 = arith.constant 0 : i32
      %sign3A_1083 = arith.cmpi slt, %and3A_1076, %sign3A_1082 : i32
      %sign3A_1084 = arith.extui %sign3A_1083 : i1 to i32
      %sign3A_1085 = arith.subi %sign3A_1081, %sign3A_1084 : i32
      %sign3A_1086 = arith.constant 0 : i32
      %sign3A_1087 = arith.cmpi sgt, %jit3A_1077, %sign3A_1086 : i32
      %sign3A_1088 = arith.extui %sign3A_1087 : i1 to i32
      %sign3A_1089 = arith.constant 0 : i32
      %sign3A_1090 = arith.cmpi slt, %jit3A_1077, %sign3A_1089 : i32
      %sign3A_1091 = arith.extui %sign3A_1090 : i1 to i32
      %sign3A_1092 = arith.subi %sign3A_1088, %sign3A_1091 : i32
      %ne3A_1093 = arith.cmpi ne, %sign3A_1085, %sign3A_1092 : i32
      %rem3A_1094 = arith.remsi %and3A_1076, %jit3A_1077 : i32
      %ne3A_1095 = arith.constant 0 : i32
      %ne3A_1096 = arith.cmpi ne, %rem3A_1094, %ne3A_1095 : i32
      %and3A_1097 = arith.andi %ne3A_1093, %ne3A_1096 : i1
      %sub3A_1098 = arith.constant 1 : i32
      %sub3A_1099 = arith.subi %div3A_1078, %sub3A_1098 : i32
      %select_n3A_1100 = arith.select %and3A_1097, %sub3A_1099, %div3A_1078 : i32
      %mul3A_1101 = arith.constant 32 : i32
      %mul3A_1102 = arith.muli %select_n3A_1100, %mul3A_1101 : i32
      %get3A_1103 = arith.index_cast %add3A_1072 : i32 to index
      %get3A_1104 = arith.index_cast %mul3A_1102 : i32 to index
      %get3A_1105 = tpu.vector_load %arg13[%get3A_1103, %get3A_1104] {strides = array<i32>} : memref<256x128xf32, #tpu.memory_space<vmem>>, vector<1x16xf32>,
      %get3A_1106 = vector.shape_cast %get3A_1105 : vector<1x16xf32> to vector<16xf32>
      %mul3A_1107 = arith.constant 32 : i32
      %mul3A_1108 = arith.muli %add3A_1072, %mul3A_1107 : i32
      %swap3A_1109 = arith.index_cast %mul3A_1108 : i32 to index
      %swap3A_1110 = tpu.vector_load %arg16[%swap3A_1109] {strides = array<i32>} : memref<8192xf32, #tpu.memory_space<vmem>>, vector<16xf32>,
      %swap3A_1111 = vector.shape_cast %swap3A_1110 : vector<16xf32> to vector<16xf32>
      %swap3A_1112 = vector.shape_cast %get3A_1106 : vector<16xf32> to vector<16xf32>
      tpu.vector_store %arg16[%swap3A_1109], %swap3A_1112 {strides = array<i32>} : memref<8192xf32, #tpu.memory_space<vmem>>, vector<16xf32>,
      %add3A_1113 = arith.constant 16 : i32
      %add3A_1114 = arith.addi %mul3A_1102, %add3A_1113 : i32
      %get3A_1115 = arith.index_cast %add3A_1072 : i32 to index
      %get3A_1116 = arith.index_cast %add3A_1114 : i32 to index
      %get3A_1117 = tpu.vector_load %arg13[%get3A_1115, %get3A_1116] {strides = array<i32>} : memref<256x128xf32, #tpu.memory_space<vmem>>, vector<1x16xf32>,
      %get3A_1118 = vector.shape_cast %get3A_1117 : vector<1x16xf32> to vector<16xf32>
      %mul3A_1119 = arith.constant 32 : i32
      %mul3A_1120 = arith.muli %add3A_1072, %mul3A_1119 : i32
      %add3A_1121 = arith.constant 16 : i32
      %add3A_1122 = arith.addi %mul3A_1120, %add3A_1121 : i32
      %swap3A_1123 = arith.index_cast %add3A_1122 : i32 to index
      %swap3A_1124 = tpu.vector_load %arg16[%swap3A_1123] {strides = array<i32>} : memref<8192xf32, #tpu.memory_space<vmem>>, vector<16xf32>,
      %swap3A_1125 = vector.shape_cast %swap3A_1124 : vector<16xf32> to vector<16xf32>
      %swap3A_1126 = vector.shape_cast %get3A_1118 : vector<16xf32> to vector<16xf32>
      tpu.vector_store %arg16[%swap3A_1123], %swap3A_1126 {strides = array<i32>} : memref<8192xf32, #tpu.memory_space<vmem>>, vector<16xf32>,
      %mul3A_1127 = arith.constant 16 : i32
      %mul3A_1128 = arith.muli %scan3A_914, %mul3A_1127 : i32
      %add3A_1129 = arith.constant 3 : i32
      %add3A_1130 = arith.addi %mul3A_1128, %add3A_1129 : i32
      %slice3A_1131 = vector.extract_strided_slice %get3A_954 {offsets = [3], sizes = [1], strides = [1]} : vector<16xi32> to vector<1xi32>
      %squeeze3A_1132 = vector.extract %slice3A_1131[0] : i32 from vector<1xi32>
      %and3A_1133 = arith.constant 2047 : i32
      %and3A_1134 = arith.andi %squeeze3A_1132, %and3A_1133 : i32
      %jit3A_1135 = arith.constant 512 : i32
      %div3A_1136 = arith.divsi %and3A_1134, %jit3A_1135 : i32
      %sign3A_1137 = arith.constant 0 : i32
      %sign3A_1138 = arith.cmpi sgt, %and3A_1134, %sign3A_1137 : i32
      %sign3A_1139 = arith.extui %sign3A_1138 : i1 to i32
      %sign3A_1140 = arith.constant 0 : i32
      %sign3A_1141 = arith.cmpi slt, %and3A_1134, %sign3A_1140 : i32
      %sign3A_1142 = arith.extui %sign3A_1141 : i1 to i32
      %sign3A_1143 = arith.subi %sign3A_1139, %sign3A_1142 : i32
      %sign3A_1144 = arith.constant 0 : i32
      %sign3A_1145 = arith.cmpi sgt, %jit3A_1135, %sign3A_1144 : i32
      %sign3A_1146 = arith.extui %sign3A_1145 : i1 to i32
      %sign3A_1147 = arith.constant 0 : i32
      %sign3A_1148 = arith.cmpi slt, %jit3A_1135, %sign3A_1147 : i32
      %sign3A_1149 = arith.extui %sign3A_1148 : i1 to i32
      %sign3A_1150 = arith.subi %sign3A_1146, %sign3A_1149 : i32
      %ne3A_1151 = arith.cmpi ne, %sign3A_1143, %sign3A_1150 : i32
      %rem3A_1152 = arith.remsi %and3A_1134, %jit3A_1135 : i32
      %ne3A_1153 = arith.constant 0 : i32
      %ne3A_1154 = arith.cmpi ne, %rem3A_1152, %ne3A_1153 : i32
      %and3A_1155 = arith.andi %ne3A_1151, %ne3A_1154 : i1
      %sub3A_1156 = arith.constant 1 : i32
      %sub3A_1157 = arith.subi %div3A_1136, %sub3A_1156 : i32
      %select_n3A_1158 = arith.select %and3A_1155, %sub3A_1157, %div3A_1136 : i32
      %mul3A_1159 = arith.constant 32 : i32
      %mul3A_1160 = arith.muli %select_n3A_1158, %mul3A_1159 : i32
      %get3A_1161 = arith.index_cast %add3A_1130 : i32 to index
      %get3A_1162 = arith.index_cast %mul3A_1160 : i32 to index
      %get3A_1163 = tpu.vector_load %arg13[%get3A_1161, %get3A_1162] {strides = array<i32>} : memref<256x128xf32, #tpu.memory_space<vmem>>, vector<1x16xf32>,
      %get3A_1164 = vector.shape_cast %get3A_1163 : vector<1x16xf32> to vector<16xf32>
      %mul3A_1165 = arith.constant 32 : i32
      %mul3A_1166 = arith.muli %add3A_1130, %mul3A_1165 : i32
      %swap3A_1167 = arith.index_cast %mul3A_1166 : i32 to index
      %swap3A_1168 = tpu.vector_load %arg16[%swap3A_1167] {strides = array<i32>} : memref<8192xf32, #tpu.memory_space<vmem>>, vector<16xf32>,
      %swap3A_1169 = vector.shape_cast %swap3A_1168 : vector<16xf32> to vector<16xf32>
      %swap3A_1170 = vector.shape_cast %get3A_1164 : vector<16xf32> to vector<16xf32>
      tpu.vector_store %arg16[%swap3A_1167], %swap3A_1170 {strides = array<i32>} : memref<8192xf32, #tpu.memory_space<vmem>>, vector<16xf32>,
      %add3A_1171 = arith.constant 16 : i32
      %add3A_1172 = arith.addi %mul3A_1160, %add3A_1171 : i32
      %get3A_1173 = arith.index_cast %add3A_1130 : i32 to index
      %get3A_1174 = arith.index_cast %add3A_1172 : i32 to index
      %get3A_1175 = tpu.vector_load %arg13[%get3A_1173, %get3A_1174] {strides = array<i32>} : memref<256x128xf32, #tpu.memory_space<vmem>>, vector<1x16xf32>,
      %get3A_1176 = vector.shape_cast %get3A_1175 : vector<1x16xf32> to vector<16xf32>
      %mul3A_1177 = arith.constant 32 : i32
      %mul3A_1178 = arith.muli %add3A_1130, %mul3A_1177 : i32
      %add3A_1179 = arith.constant 16 : i32
      %add3A_1180 = arith.addi %mul3A_1178, %add3A_1179 : i32
      %swap3A_1181 = arith.index_cast %add3A_1180 : i32 to index
      %swap3A_1182 = tpu.vector_load %arg16[%swap3A_1181] {strides = array<i32>} : memref<8192xf32, #tpu.memory_space<vmem>>, vector<16xf32>,
      %swap3A_1183 = vector.shape_cast %swap3A_1182 : vector<16xf32> to vector<16xf32>
      %swap3A_1184 = vector.shape_cast %get3A_1176 : vector<16xf32> to vector<16xf32>
      tpu.vector_store %arg16[%swap3A_1181], %swap3A_1184 {strides = array<i32>} : memref<8192xf32, #tpu.memory_space<vmem>>, vector<16xf32>,
      %mul3A_1185 = arith.constant 16 : i32
      %mul3A_1186 = arith.muli %scan3A_914, %mul3A_1185 : i32
      %add3A_1187 = arith.constant 4 : i32
      %add3A_1188 = arith.addi %mul3A_1186, %add3A_1187 : i32
      %slice3A_1189 = vector.extract_strided_slice %get3A_954 {offsets = [4], sizes = [1], strides = [1]} : vector<16xi32> to vector<1xi32>
      %squeeze3A_1190 = vector.extract %slice3A_1189[0] : i32 from vector<1xi32>
      %and3A_1191 = arith.constant 2047 : i32
      %and3A_1192 = arith.andi %squeeze3A_1190, %and3A_1191 : i32
      %jit3A_1193 = arith.constant 512 : i32
      %div3A_1194 = arith.divsi %and3A_1192, %jit3A_1193 : i32
      %sign3A_1195 = arith.constant 0 : i32
      %sign3A_1196 = arith.cmpi sgt, %and3A_1192, %sign3A_1195 : i32
      %sign3A_1197 = arith.extui %sign3A_1196 : i1 to i32
      %sign3A_1198 = arith.constant 0 : i32
      %sign3A_1199 = arith.cmpi slt, %and3A_1192, %sign3A_1198 : i32
      %sign3A_1200 = arith.extui %sign3A_1199 : i1 to i32
      %sign3A_1201 = arith.subi %sign3A_1197, %sign3A_1200 : i32
      %sign3A_1202 = arith.constant 0 : i32
      %sign3A_1203 = arith.cmpi sgt, %jit3A_1193, %sign3A_1202 : i32
      %sign3A_1204 = arith.extui %sign3A_1203 : i1 to i32
      %sign3A_1205 = arith.constant 0 : i32
      %sign3A_1206 = arith.cmpi slt, %jit3A_1193, %sign3A_1205 : i32
      %sign3A_1207 = arith.extui %sign3A_1206 : i1 to i32
      %sign3A_1208 = arith.subi %sign3A_1204, %sign3A_1207 : i32
      %ne3A_1209 = arith.cmpi ne, %sign3A_1201, %sign3A_1208 : i32
      %rem3A_1210 = arith.remsi %and3A_1192, %jit3A_1193 : i32
      %ne3A_1211 = arith.constant 0 : i32
      %ne3A_1212 = arith.cmpi ne, %rem3A_1210, %ne3A_1211 : i32
      %and3A_1213 = arith.andi %ne3A_1209, %ne3A_1212 : i1
      %sub3A_1214 = arith.constant 1 : i32
      %sub3A_1215 = arith.subi %div3A_1194, %sub3A_1214 : i32
      %select_n3A_1216 = arith.select %and3A_1213, %sub3A_1215, %div3A_1194 : i32
      %mul3A_1217 = arith.constant 32 : i32
      %mul3A_1218 = arith.muli %select_n3A_1216, %mul3A_1217 : i32
      %get3A_1219 = arith.index_cast %add3A_1188 : i32 to index
      %get3A_1220 = arith.index_cast %mul3A_1218 : i32 to index
      %get3A_1221 = tpu.vector_load %arg13[%get3A_1219, %get3A_1220] {strides = array<i32>} : memref<256x128xf32, #tpu.memory_space<vmem>>, vector<1x16xf32>,
      %get3A_1222 = vector.shape_cast %get3A_1221 : vector<1x16xf32> to vector<16xf32>
      %mul3A_1223 = arith.constant 32 : i32
      %mul3A_1224 = arith.muli %add3A_1188, %mul3A_1223 : i32
      %swap3A_1225 = arith.index_cast %mul3A_1224 : i32 to index
      %swap3A_1226 = tpu.vector_load %arg16[%swap3A_1225] {strides = array<i32>} : memref<8192xf32, #tpu.memory_space<vmem>>, vector<16xf32>,
      %swap3A_1227 = vector.shape_cast %swap3A_1226 : vector<16xf32> to vector<16xf32>
      %swap3A_1228 = vector.shape_cast %get3A_1222 : vector<16xf32> to vector<16xf32>
      tpu.vector_store %arg16[%swap3A_1225], %swap3A_1228 {strides = array<i32>} : memref<8192xf32, #tpu.memory_space<vmem>>, vector<16xf32>,
      %add3A_1229 = arith.constant 16 : i32
      %add3A_1230 = arith.addi %mul3A_1218, %add3A_1229 : i32
      %get3A_1231 = arith.index_cast %add3A_1188 : i32 to index
      %get3A_1232 = arith.index_cast %add3A_1230 : i32 to index
      %get3A_1233 = tpu.vector_load %arg13[%get3A_1231, %get3A_1232] {strides = array<i32>} : memref<256x128xf32, #tpu.memory_space<vmem>>, vector<1x16xf32>,
      %get3A_1234 = vector.shape_cast %get3A_1233 : vector<1x16xf32> to vector<16xf32>
      %mul3A_1235 = arith.constant 32 : i32
      %mul3A_1236 = arith.muli %add3A_1188, %mul3A_1235 : i32
      %add3A_1237 = arith.constant 16 : i32
      %add3A_1238 = arith.addi %mul3A_1236, %add3A_1237 : i32
      %swap3A_1239 = arith.index_cast %add3A_1238 : i32 to index
      %swap3A_1240 = tpu.vector_load %arg16[%swap3A_1239] {strides = array<i32>} : memref<8192xf32, #tpu.memory_space<vmem>>, vector<16xf32>,
      %swap3A_1241 = vector.shape_cast %swap3A_1240 : vector<16xf32> to vector<16xf32>
      %swap3A_1242 = vector.shape_cast %get3A_1234 : vector<16xf32> to vector<16xf32>
      tpu.vector_store %arg16[%swap3A_1239], %swap3A_1242 {strides = array<i32>} : memref<8192xf32, #tpu.memory_space<vmem>>, vector<16xf32>,
      %mul3A_1243 = arith.constant 16 : i32
      %mul3A_1244 = arith.muli %scan3A_914, %mul3A_1243 : i32
      %add3A_1245 = arith.constant 5 : i32
      %add3A_1246 = arith.addi %mul3A_1244, %add3A_1245 : i32
      %slice3A_1247 = vector.extract_strided_slice %get3A_954 {offsets = [5], sizes = [1], strides = [1]} : vector<16xi32> to vector<1xi32>
      %squeeze3A_1248 = vector.extract %slice3A_1247[0] : i32 from vector<1xi32>
      %and3A_1249 = arith.constant 2047 : i32
      %and3A_1250 = arith.andi %squeeze3A_1248, %and3A_1249 : i32
      %jit3A_1251 = arith.constant 512 : i32
      %div3A_1252 = arith.divsi %and3A_1250, %jit3A_1251 : i32
      %sign3A_1253 = arith.constant 0 : i32
      %sign3A_1254 = arith.cmpi sgt, %and3A_1250, %sign3A_1253 : i32
      %sign3A_1255 = arith.extui %sign3A_1254 : i1 to i32
      %sign3A_1256 = arith.constant 0 : i32
      %sign3A_1257 = arith.cmpi slt, %and3A_1250, %sign3A_1256 : i32
      %sign3A_1258 = arith.extui %sign3A_1257 : i1 to i32
      %sign3A_1259 = arith.subi %sign3A_1255, %sign3A_1258 : i32
      %sign3A_1260 = arith.constant 0 : i32
      %sign3A_1261 = arith.cmpi sgt, %jit3A_1251, %sign3A_1260 : i32
      %sign3A_1262 = arith.extui %sign3A_1261 : i1 to i32
      %sign3A_1263 = arith.constant 0 : i32
      %sign3A_1264 = arith.cmpi slt, %jit3A_1251, %sign3A_1263 : i32
      %sign3A_1265 = arith.extui %sign3A_1264 : i1 to i32
      %sign3A_1266 = arith.subi %sign3A_1262, %sign3A_1265 : i32
      %ne3A_1267 = arith.cmpi ne, %sign3A_1259, %sign3A_1266 : i32
      %rem3A_1268 = arith.remsi %and3A_1250, %jit3A_1251 : i32
      %ne3A_1269 = arith.constant 0 : i32
      %ne3A_1270 = arith.cmpi ne, %rem3A_1268, %ne3A_1269 : i32
      %and3A_1271 = arith.andi %ne3A_1267, %ne3A_1270 : i1
      %sub3A_1272 = arith.constant 1 : i32
      %sub3A_1273 = arith.subi %div3A_1252, %sub3A_1272 : i32
      %select_n3A_1274 = arith.select %and3A_1271, %sub3A_1273, %div3A_1252 : i32
      %mul3A_1275 = arith.constant 32 : i32
      %mul3A_1276 = arith.muli %select_n3A_1274, %mul3A_1275 : i32
      %get3A_1277 = arith.index_cast %add3A_1246 : i32 to index
      %get3A_1278 = arith.index_cast %mul3A_1276 : i32 to index
      %get3A_1279 = tpu.vector_load %arg13[%get3A_1277, %get3A_1278] {strides = array<i32>} : memref<256x128xf32, #tpu.memory_space<vmem>>, vector<1x16xf32>,
      %get3A_1280 = vector.shape_cast %get3A_1279 : vector<1x16xf32> to vector<16xf32>
      %mul3A_1281 = arith.constant 32 : i32
      %mul3A_1282 = arith.muli %add3A_1246, %mul3A_1281 : i32
      %swap3A_1283 = arith.index_cast %mul3A_1282 : i32 to index
      %swap3A_1284 = tpu.vector_load %arg16[%swap3A_1283] {strides = array<i32>} : memref<8192xf32, #tpu.memory_space<vmem>>, vector<16xf32>,
      %swap3A_1285 = vector.shape_cast %swap3A_1284 : vector<16xf32> to vector<16xf32>
      %swap3A_1286 = vector.shape_cast %get3A_1280 : vector<16xf32> to vector<16xf32>
      tpu.vector_store %arg16[%swap3A_1283], %swap3A_1286 {strides = array<i32>} : memref<8192xf32, #tpu.memory_space<vmem>>, vector<16xf32>,
      %add3A_1287 = arith.constant 16 : i32
      %add3A_1288 = arith.addi %mul3A_1276, %add3A_1287 : i32
      %get3A_1289 = arith.index_cast %add3A_1246 : i32 to index
      %get3A_1290 = arith.index_cast %add3A_1288 : i32 to index
      %get3A_1291 = tpu.vector_load %arg13[%get3A_1289, %get3A_1290] {strides = array<i32>} : memref<256x128xf32, #tpu.memory_space<vmem>>, vector<1x16xf32>,
      %get3A_1292 = vector.shape_cast %get3A_1291 : vector<1x16xf32> to vector<16xf32>
      %mul3A_1293 = arith.constant 32 : i32
      %mul3A_1294 = arith.muli %add3A_1246, %mul3A_1293 : i32
      %add3A_1295 = arith.constant 16 : i32
      %add3A_1296 = arith.addi %mul3A_1294, %add3A_1295 : i32
      %swap3A_1297 = arith.index_cast %add3A_1296 : i32 to index
      %swap3A_1298 = tpu.vector_load %arg16[%swap3A_1297] {strides = array<i32>} : memref<8192xf32, #tpu.memory_space<vmem>>, vector<16xf32>,
      %swap3A_1299 = vector.shape_cast %swap3A_1298 : vector<16xf32> to vector<16xf32>
      %swap3A_1300 = vector.shape_cast %get3A_1292 : vector<16xf32> to vector<16xf32>
      tpu.vector_store %arg16[%swap3A_1297], %swap3A_1300 {strides = array<i32>} : memref<8192xf32, #tpu.memory_space<vmem>>, vector<16xf32>,
      %mul3A_1301 = arith.constant 16 : i32
      %mul3A_1302 = arith.muli %scan3A_914, %mul3A_1301 : i32
      %add3A_1303 = arith.constant 6 : i32
      %add3A_1304 = arith.addi %mul3A_1302, %add3A_1303 : i32
      %slice3A_1305 = vector.extract_strided_slice %get3A_954 {offsets = [6], sizes = [1], strides = [1]} : vector<16xi32> to vector<1xi32>
      %squeeze3A_1306 = vector.extract %slice3A_1305[0] : i32 from vector<1xi32>
      %and3A_1307 = arith.constant 2047 : i32
      %and3A_1308 = arith.andi %squeeze3A_1306, %and3A_1307 : i32
      %jit3A_1309 = arith.constant 512 : i32
      %div3A_1310 = arith.divsi %and3A_1308, %jit3A_1309 : i32
      %sign3A_1311 = arith.constant 0 : i32
      %sign3A_1312 = arith.cmpi sgt, %and3A_1308, %sign3A_1311 : i32
      %sign3A_1313 = arith.extui %sign3A_1312 : i1 to i32
      %sign3A_1314 = arith.constant 0 : i32
      %sign3A_1315 = arith.cmpi slt, %and3A_1308, %sign3A_1314 : i32
      %sign3A_1316 = arith.extui %sign3A_1315 : i1 to i32
      %sign3A_1317 = arith.subi %sign3A_1313, %sign3A_1316 : i32
      %sign3A_1318 = arith.constant 0 : i32
      %sign3A_1319 = arith.cmpi sgt, %jit3A_1309, %sign3A_1318 : i32
      %sign3A_1320 = arith.extui %sign3A_1319 : i1 to i32
      %sign3A_1321 = arith.constant 0 : i32
      %sign3A_1322 = arith.cmpi slt, %jit3A_1309, %sign3A_1321 : i32
      %sign3A_1323 = arith.extui %sign3A_1322 : i1 to i32
      %sign3A_1324 = arith.subi %sign3A_1320, %sign3A_1323 : i32
      %ne3A_1325 = arith.cmpi ne, %sign3A_1317, %sign3A_1324 : i32
      %rem3A_1326 = arith.remsi %and3A_1308, %jit3A_1309 : i32
      %ne3A_1327 = arith.constant 0 : i32
      %ne3A_1328 = arith.cmpi ne, %rem3A_1326, %ne3A_1327 : i32
      %and3A_1329 = arith.andi %ne3A_1325, %ne3A_1328 : i1
      %sub3A_1330 = arith.constant 1 : i32
      %sub3A_1331 = arith.subi %div3A_1310, %sub3A_1330 : i32
      %select_n3A_1332 = arith.select %and3A_1329, %sub3A_1331, %div3A_1310 : i32
      %mul3A_1333 = arith.constant 32 : i32
      %mul3A_1334 = arith.muli %select_n3A_1332, %mul3A_1333 : i32
      %get3A_1335 = arith.index_cast %add3A_1304 : i32 to index
      %get3A_1336 = arith.index_cast %mul3A_1334 : i32 to index
      %get3A_1337 = tpu.vector_load %arg13[%get3A_1335, %get3A_1336] {strides = array<i32>} : memref<256x128xf32, #tpu.memory_space<vmem>>, vector<1x16xf32>,
      %get3A_1338 = vector.shape_cast %get3A_1337 : vector<1x16xf32> to vector<16xf32>
      %mul3A_1339 = arith.constant 32 : i32
      %mul3A_1340 = arith.muli %add3A_1304, %mul3A_1339 : i32
      %swap3A_1341 = arith.index_cast %mul3A_1340 : i32 to index
      %swap3A_1342 = tpu.vector_load %arg16[%swap3A_1341] {strides = array<i32>} : memref<8192xf32, #tpu.memory_space<vmem>>, vector<16xf32>,
      %swap3A_1343 = vector.shape_cast %swap3A_1342 : vector<16xf32> to vector<16xf32>
      %swap3A_1344 = vector.shape_cast %get3A_1338 : vector<16xf32> to vector<16xf32>
      tpu.vector_store %arg16[%swap3A_1341], %swap3A_1344 {strides = array<i32>} : memref<8192xf32, #tpu.memory_space<vmem>>, vector<16xf32>,
      %add3A_1345 = arith.constant 16 : i32
      %add3A_1346 = arith.addi %mul3A_1334, %add3A_1345 : i32
      %get3A_1347 = arith.index_cast %add3A_1304 : i32 to index
      %get3A_1348 = arith.index_cast %add3A_1346 : i32 to index
      %get3A_1349 = tpu.vector_load %arg13[%get3A_1347, %get3A_1348] {strides = array<i32>} : memref<256x128xf32, #tpu.memory_space<vmem>>, vector<1x16xf32>,
      %get3A_1350 = vector.shape_cast %get3A_1349 : vector<1x16xf32> to vector<16xf32>
      %mul3A_1351 = arith.constant 32 : i32
      %mul3A_1352 = arith.muli %add3A_1304, %mul3A_1351 : i32
      %add3A_1353 = arith.constant 16 : i32
      %add3A_1354 = arith.addi %mul3A_1352, %add3A_1353 : i32
      %swap3A_1355 = arith.index_cast %add3A_1354 : i32 to index
      %swap3A_1356 = tpu.vector_load %arg16[%swap3A_1355] {strides = array<i32>} : memref<8192xf32, #tpu.memory_space<vmem>>, vector<16xf32>,
      %swap3A_1357 = vector.shape_cast %swap3A_1356 : vector<16xf32> to vector<16xf32>
      %swap3A_1358 = vector.shape_cast %get3A_1350 : vector<16xf32> to vector<16xf32>
      tpu.vector_store %arg16[%swap3A_1355], %swap3A_1358 {strides = array<i32>} : memref<8192xf32, #tpu.memory_space<vmem>>, vector<16xf32>,
      %mul3A_1359 = arith.constant 16 : i32
      %mul3A_1360 = arith.muli %scan3A_914, %mul3A_1359 : i32
      %add3A_1361 = arith.constant 7 : i32
      %add3A_1362 = arith.addi %mul3A_1360, %add3A_1361 : i32
      %slice3A_1363 = vector.extract_strided_slice %get3A_954 {offsets = [7], sizes = [1], strides = [1]} : vector<16xi32> to vector<1xi32>
      %squeeze3A_1364 = vector.extract %slice3A_1363[0] : i32 from vector<1xi32>
      %and3A_1365 = arith.constant 2047 : i32
      %and3A_1366 = arith.andi %squeeze3A_1364, %and3A_1365 : i32
      %jit3A_1367 = arith.constant 512 : i32
      %div3A_1368 = arith.divsi %and3A_1366, %jit3A_1367 : i32
      %sign3A_1369 = arith.constant 0 : i32
      %sign3A_1370 = arith.cmpi sgt, %and3A_1366, %sign3A_1369 : i32
      %sign3A_1371 = arith.extui %sign3A_1370 : i1 to i32
      %sign3A_1372 = arith.constant 0 : i32
      %sign3A_1373 = arith.cmpi slt, %and3A_1366, %sign3A_1372 : i32
      %sign3A_1374 = arith.extui %sign3A_1373 : i1 to i32
      %sign3A_1375 = arith.subi %sign3A_1371, %sign3A_1374 : i32
      %sign3A_1376 = arith.constant 0 : i32
      %sign3A_1377 = arith.cmpi sgt, %jit3A_1367, %sign3A_1376 : i32
      %sign3A_1378 = arith.extui %sign3A_1377 : i1 to i32
      %sign3A_1379 = arith.constant 0 : i32
      %sign3A_1380 = arith.cmpi slt, %jit3A_1367, %sign3A_1379 : i32
      %sign3A_1381 = arith.extui %sign3A_1380 : i1 to i32
      %sign3A_1382 = arith.subi %sign3A_1378, %sign3A_1381 : i32
      %ne3A_1383 = arith.cmpi ne, %sign3A_1375, %sign3A_1382 : i32
      %rem3A_1384 = arith.remsi %and3A_1366, %jit3A_1367 : i32
      %ne3A_1385 = arith.constant 0 : i32
      %ne3A_1386 = arith.cmpi ne, %rem3A_1384, %ne3A_1385 : i32
      %and3A_1387 = arith.andi %ne3A_1383, %ne3A_1386 : i1
      %sub3A_1388 = arith.constant 1 : i32
      %sub3A_1389 = arith.subi %div3A_1368, %sub3A_1388 : i32
      %select_n3A_1390 = arith.select %and3A_1387, %sub3A_1389, %div3A_1368 : i32
      %mul3A_1391 = arith.constant 32 : i32
      %mul3A_1392 = arith.muli %select_n3A_1390, %mul3A_1391 : i32
      %get3A_1393 = arith.index_cast %add3A_1362 : i32 to index
      %get3A_1394 = arith.index_cast %mul3A_1392 : i32 to index
      %get3A_1395 = tpu.vector_load %arg13[%get3A_1393, %get3A_1394] {strides = array<i32>} : memref<256x128xf32, #tpu.memory_space<vmem>>, vector<1x16xf32>,
      %get3A_1396 = vector.shape_cast %get3A_1395 : vector<1x16xf32> to vector<16xf32>
      %mul3A_1397 = arith.constant 32 : i32
      %mul3A_1398 = arith.muli %add3A_1362, %mul3A_1397 : i32
      %swap3A_1399 = arith.index_cast %mul3A_1398 : i32 to index
      %swap3A_1400 = tpu.vector_load %arg16[%swap3A_1399] {strides = array<i32>} : memref<8192xf32, #tpu.memory_space<vmem>>, vector<16xf32>,
      %swap3A_1401 = vector.shape_cast %swap3A_1400 : vector<16xf32> to vector<16xf32>
      %swap3A_1402 = vector.shape_cast %get3A_1396 : vector<16xf32> to vector<16xf32>
      tpu.vector_store %arg16[%swap3A_1399], %swap3A_1402 {strides = array<i32>} : memref<8192xf32, #tpu.memory_space<vmem>>, vector<16xf32>,
      %add3A_1403 = arith.constant 16 : i32
      %add3A_1404 = arith.addi %mul3A_1392, %add3A_1403 : i32
      %get3A_1405 = arith.index_cast %add3A_1362 : i32 to index
      %get3A_1406 = arith.index_cast %add3A_1404 : i32 to index
      %get3A_1407 = tpu.vector_load %arg13[%get3A_1405, %get3A_1406] {strides = array<i32>} : memref<256x128xf32, #tpu.memory_space<vmem>>, vector<1x16xf32>,
      %get3A_1408 = vector.shape_cast %get3A_1407 : vector<1x16xf32> to vector<16xf32>
      %mul3A_1409 = arith.constant 32 : i32
      %mul3A_1410 = arith.muli %add3A_1362, %mul3A_1409 : i32
      %add3A_1411 = arith.constant 16 : i32
      %add3A_1412 = arith.addi %mul3A_1410, %add3A_1411 : i32
      %swap3A_1413 = arith.index_cast %add3A_1412 : i32 to index
      %swap3A_1414 = tpu.vector_load %arg16[%swap3A_1413] {strides = array<i32>} : memref<8192xf32, #tpu.memory_space<vmem>>, vector<16xf32>,
      %swap3A_1415 = vector.shape_cast %swap3A_1414 : vector<16xf32> to vector<16xf32>
      %swap3A_1416 = vector.shape_cast %get3A_1408 : vector<16xf32> to vector<16xf32>
      tpu.vector_store %arg16[%swap3A_1413], %swap3A_1416 {strides = array<i32>} : memref<8192xf32, #tpu.memory_space<vmem>>, vector<16xf32>,
      %mul3A_1417 = arith.constant 16 : i32
      %mul3A_1418 = arith.muli %scan3A_914, %mul3A_1417 : i32
      %add3A_1419 = arith.constant 8 : i32
      %add3A_1420 = arith.addi %mul3A_1418, %add3A_1419 : i32
      %slice3A_1421 = vector.extract_strided_slice %get3A_954 {offsets = [8], sizes = [1], strides = [1]} : vector<16xi32> to vector<1xi32>
      %squeeze3A_1422 = vector.extract %slice3A_1421[0] : i32 from vector<1xi32>
      %and3A_1423 = arith.constant 2047 : i32
      %and3A_1424 = arith.andi %squeeze3A_1422, %and3A_1423 : i32
      %jit3A_1425 = arith.constant 512 : i32
      %div3A_1426 = arith.divsi %and3A_1424, %jit3A_1425 : i32
      %sign3A_1427 = arith.constant 0 : i32
      %sign3A_1428 = arith.cmpi sgt, %and3A_1424, %sign3A_1427 : i32
      %sign3A_1429 = arith.extui %sign3A_1428 : i1 to i32
      %sign3A_1430 = arith.constant 0 : i32
      %sign3A_1431 = arith.cmpi slt, %and3A_1424, %sign3A_1430 : i32
      %sign3A_1432 = arith.extui %sign3A_1431 : i1 to i32
      %sign3A_1433 = arith.subi %sign3A_1429, %sign3A_1432 : i32
      %sign3A_1434 = arith.constant 0 : i32
      %sign3A_1435 = arith.cmpi sgt, %jit3A_1425, %sign3A_1434 : i32
      %sign3A_1436 = arith.extui %sign3A_1435 : i1 to i32
      %sign3A_1437 = arith.constant 0 : i32
      %sign3A_1438 = arith.cmpi slt, %jit3A_1425, %sign3A_1437 : i32
      %sign3A_1439 = arith.extui %sign3A_1438 : i1 to i32
      %sign3A_1440 = arith.subi %sign3A_1436, %sign3A_1439 : i32
      %ne3A_1441 = arith.cmpi ne, %sign3A_1433, %sign3A_1440 : i32
      %rem3A_1442 = arith.remsi %and3A_1424, %jit3A_1425 : i32
      %ne3A_1443 = arith.constant 0 : i32
      %ne3A_1444 = arith.cmpi ne, %rem3A_1442, %ne3A_1443 : i32
      %and3A_1445 = arith.andi %ne3A_1441, %ne3A_1444 : i1
      %sub3A_1446 = arith.constant 1 : i32
      %sub3A_1447 = arith.subi %div3A_1426, %sub3A_1446 : i32
      %select_n3A_1448 = arith.select %and3A_1445, %sub3A_1447, %div3A_1426 : i32
      %mul3A_1449 = arith.constant 32 : i32
      %mul3A_1450 = arith.muli %select_n3A_1448, %mul3A_1449 : i32
      %get3A_1451 = arith.index_cast %add3A_1420 : i32 to index
      %get3A_1452 = arith.index_cast %mul3A_1450 : i32 to index
      %get3A_1453 = tpu.vector_load %arg13[%get3A_1451, %get3A_1452] {strides = array<i32>} : memref<256x128xf32, #tpu.memory_space<vmem>>, vector<1x16xf32>,
      %get3A_1454 = vector.shape_cast %get3A_1453 : vector<1x16xf32> to vector<16xf32>
      %mul3A_1455 = arith.constant 32 : i32
      %mul3A_1456 = arith.muli %add3A_1420, %mul3A_1455 : i32
      %swap3A_1457 = arith.index_cast %mul3A_1456 : i32 to index
      %swap3A_1458 = tpu.vector_load %arg16[%swap3A_1457] {strides = array<i32>} : memref<8192xf32, #tpu.memory_space<vmem>>, vector<16xf32>,
      %swap3A_1459 = vector.shape_cast %swap3A_1458 : vector<16xf32> to vector<16xf32>
      %swap3A_1460 = vector.shape_cast %get3A_1454 : vector<16xf32> to vector<16xf32>
      tpu.vector_store %arg16[%swap3A_1457], %swap3A_1460 {strides = array<i32>} : memref<8192xf32, #tpu.memory_space<vmem>>, vector<16xf32>,
      %add3A_1461 = arith.constant 16 : i32
      %add3A_1462 = arith.addi %mul3A_1450, %add3A_1461 : i32
      %get3A_1463 = arith.index_cast %add3A_1420 : i32 to index
      %get3A_1464 = arith.index_cast %add3A_1462 : i32 to index
      %get3A_1465 = tpu.vector_load %arg13[%get3A_1463, %get3A_1464] {strides = array<i32>} : memref<256x128xf32, #tpu.memory_space<vmem>>, vector<1x16xf32>,
      %get3A_1466 = vector.shape_cast %get3A_1465 : vector<1x16xf32> to vector<16xf32>
      %mul3A_1467 = arith.constant 32 : i32
      %mul3A_1468 = arith.muli %add3A_1420, %mul3A_1467 : i32
      %add3A_1469 = arith.constant 16 : i32
      %add3A_1470 = arith.addi %mul3A_1468, %add3A_1469 : i32
      %swap3A_1471 = arith.index_cast %add3A_1470 : i32 to index
      %swap3A_1472 = tpu.vector_load %arg16[%swap3A_1471] {strides = array<i32>} : memref<8192xf32, #tpu.memory_space<vmem>>, vector<16xf32>,
      %swap3A_1473 = vector.shape_cast %swap3A_1472 : vector<16xf32> to vector<16xf32>
      %swap3A_1474 = vector.shape_cast %get3A_1466 : vector<16xf32> to vector<16xf32>
      tpu.vector_store %arg16[%swap3A_1471], %swap3A_1474 {strides = array<i32>} : memref<8192xf32, #tpu.memory_space<vmem>>, vector<16xf32>,
      %mul3A_1475 = arith.constant 16 : i32
      %mul3A_1476 = arith.muli %scan3A_914, %mul3A_1475 : i32
      %add3A_1477 = arith.constant 9 : i32
      %add3A_1478 = arith.addi %mul3A_1476, %add3A_1477 : i32
      %slice3A_1479 = vector.extract_strided_slice %get3A_954 {offsets = [9], sizes = [1], strides = [1]} : vector<16xi32> to vector<1xi32>
      %squeeze3A_1480 = vector.extract %slice3A_1479[0] : i32 from vector<1xi32>
      %and3A_1481 = arith.constant 2047 : i32
      %and3A_1482 = arith.andi %squeeze3A_1480, %and3A_1481 : i32
      %jit3A_1483 = arith.constant 512 : i32
      %div3A_1484 = arith.divsi %and3A_1482, %jit3A_1483 : i32
      %sign3A_1485 = arith.constant 0 : i32
      %sign3A_1486 = arith.cmpi sgt, %and3A_1482, %sign3A_1485 : i32
      %sign3A_1487 = arith.extui %sign3A_1486 : i1 to i32
      %sign3A_1488 = arith.constant 0 : i32
      %sign3A_1489 = arith.cmpi slt, %and3A_1482, %sign3A_1488 : i32
      %sign3A_1490 = arith.extui %sign3A_1489 : i1 to i32
      %sign3A_1491 = arith.subi %sign3A_1487, %sign3A_1490 : i32
      %sign3A_1492 = arith.constant 0 : i32
      %sign3A_1493 = arith.cmpi sgt, %jit3A_1483, %sign3A_1492 : i32
      %sign3A_1494 = arith.extui %sign3A_1493 : i1 to i32
      %sign3A_1495 = arith.constant 0 : i32
      %sign3A_1496 = arith.cmpi slt, %jit3A_1483, %sign3A_1495 : i32
      %sign3A_1497 = arith.extui %sign3A_1496 : i1 to i32
      %sign3A_1498 = arith.subi %sign3A_1494, %sign3A_1497 : i32
      %ne3A_1499 = arith.cmpi ne, %sign3A_1491, %sign3A_1498 : i32
      %rem3A_1500 = arith.remsi %and3A_1482, %jit3A_1483 : i32
      %ne3A_1501 = arith.constant 0 : i32
      %ne3A_1502 = arith.cmpi ne, %rem3A_1500, %ne3A_1501 : i32
      %and3A_1503 = arith.andi %ne3A_1499, %ne3A_1502 : i1
      %sub3A_1504 = arith.constant 1 : i32
      %sub3A_1505 = arith.subi %div3A_1484, %sub3A_1504 : i32
      %select_n3A_1506 = arith.select %and3A_1503, %sub3A_1505, %div3A_1484 : i32
      %mul3A_1507 = arith.constant 32 : i32
      %mul3A_1508 = arith.muli %select_n3A_1506, %mul3A_1507 : i32
      %get3A_1509 = arith.index_cast %add3A_1478 : i32 to index
      %get3A_1510 = arith.index_cast %mul3A_1508 : i32 to index
      %get3A_1511 = tpu.vector_load %arg13[%get3A_1509, %get3A_1510] {strides = array<i32>} : memref<256x128xf32, #tpu.memory_space<vmem>>, vector<1x16xf32>,
      %get3A_1512 = vector.shape_cast %get3A_1511 : vector<1x16xf32> to vector<16xf32>
      %mul3A_1513 = arith.constant 32 : i32
      %mul3A_1514 = arith.muli %add3A_1478, %mul3A_1513 : i32
      %swap3A_1515 = arith.index_cast %mul3A_1514 : i32 to index
      %swap3A_1516 = tpu.vector_load %arg16[%swap3A_1515] {strides = array<i32>} : memref<8192xf32, #tpu.memory_space<vmem>>, vector<16xf32>,
      %swap3A_1517 = vector.shape_cast %swap3A_1516 : vector<16xf32> to vector<16xf32>
      %swap3A_1518 = vector.shape_cast %get3A_1512 : vector<16xf32> to vector<16xf32>
      tpu.vector_store %arg16[%swap3A_1515], %swap3A_1518 {strides = array<i32>} : memref<8192xf32, #tpu.memory_space<vmem>>, vector<16xf32>,
      %add3A_1519 = arith.constant 16 : i32
      %add3A_1520 = arith.addi %mul3A_1508, %add3A_1519 : i32
      %get3A_1521 = arith.index_cast %add3A_1478 : i32 to index
      %get3A_1522 = arith.index_cast %add3A_1520 : i32 to index
      %get3A_1523 = tpu.vector_load %arg13[%get3A_1521, %get3A_1522] {strides = array<i32>} : memref<256x128xf32, #tpu.memory_space<vmem>>, vector<1x16xf32>,
      %get3A_1524 = vector.shape_cast %get3A_1523 : vector<1x16xf32> to vector<16xf32>
      %mul3A_1525 = arith.constant 32 : i32
      %mul3A_1526 = arith.muli %add3A_1478, %mul3A_1525 : i32
      %add3A_1527 = arith.constant 16 : i32
      %add3A_1528 = arith.addi %mul3A_1526, %add3A_1527 : i32
      %swap3A_1529 = arith.index_cast %add3A_1528 : i32 to index
      %swap3A_1530 = tpu.vector_load %arg16[%swap3A_1529] {strides = array<i32>} : memref<8192xf32, #tpu.memory_space<vmem>>, vector<16xf32>,
      %swap3A_1531 = vector.shape_cast %swap3A_1530 : vector<16xf32> to vector<16xf32>
      %swap3A_1532 = vector.shape_cast %get3A_1524 : vector<16xf32> to vector<16xf32>
      tpu.vector_store %arg16[%swap3A_1529], %swap3A_1532 {strides = array<i32>} : memref<8192xf32, #tpu.memory_space<vmem>>, vector<16xf32>,
      %mul3A_1533 = arith.constant 16 : i32
      %mul3A_1534 = arith.muli %scan3A_914, %mul3A_1533 : i32
      %add3A_1535 = arith.constant 10 : i32
      %add3A_1536 = arith.addi %mul3A_1534, %add3A_1535 : i32
      %slice3A_1537 = vector.extract_strided_slice %get3A_954 {offsets = [10], sizes = [1], strides = [1]} : vector<16xi32> to vector<1xi32>
      %squeeze3A_1538 = vector.extract %slice3A_1537[0] : i32 from vector<1xi32>
      %and3A_1539 = arith.constant 2047 : i32
      %and3A_1540 = arith.andi %squeeze3A_1538, %and3A_1539 : i32
      %jit3A_1541 = arith.constant 512 : i32
      %div3A_1542 = arith.divsi %and3A_1540, %jit3A_1541 : i32
      %sign3A_1543 = arith.constant 0 : i32
      %sign3A_1544 = arith.cmpi sgt, %and3A_1540, %sign3A_1543 : i32
      %sign3A_1545 = arith.extui %sign3A_1544 : i1 to i32
      %sign3A_1546 = arith.constant 0 : i32
      %sign3A_1547 = arith.cmpi slt, %and3A_1540, %sign3A_1546 : i32
      %sign3A_1548 = arith.extui %sign3A_1547 : i1 to i32
      %sign3A_1549 = arith.subi %sign3A_1545, %sign3A_1548 : i32
      %sign3A_1550 = arith.constant 0 : i32
      %sign3A_1551 = arith.cmpi sgt, %jit3A_1541, %sign3A_1550 : i32
      %sign3A_1552 = arith.extui %sign3A_1551 : i1 to i32
      %sign3A_1553 = arith.constant 0 : i32
      %sign3A_1554 = arith.cmpi slt, %jit3A_1541, %sign3A_1553 : i32
      %sign3A_1555 = arith.extui %sign3A_1554 : i1 to i32
      %sign3A_1556 = arith.subi %sign3A_1552, %sign3A_1555 : i32
      %ne3A_1557 = arith.cmpi ne, %sign3A_1549, %sign3A_1556 : i32
      %rem3A_1558 = arith.remsi %and3A_1540, %jit3A_1541 : i32
      %ne3A_1559 = arith.constant 0 : i32
      %ne3A_1560 = arith.cmpi ne, %rem3A_1558, %ne3A_1559 : i32
      %and3A_1561 = arith.andi %ne3A_1557, %ne3A_1560 : i1
      %sub3A_1562 = arith.constant 1 : i32
      %sub3A_1563 = arith.subi %div3A_1542, %sub3A_1562 : i32
      %select_n3A_1564 = arith.select %and3A_1561, %sub3A_1563, %div3A_1542 : i32
      %mul3A_1565 = arith.constant 32 : i32
      %mul3A_1566 = arith.muli %select_n3A_1564, %mul3A_1565 : i32
      %get3A_1567 = arith.index_cast %add3A_1536 : i32 to index
      %get3A_1568 = arith.index_cast %mul3A_1566 : i32 to index
      %get3A_1569 = tpu.vector_load %arg13[%get3A_1567, %get3A_1568] {strides = array<i32>} : memref<256x128xf32, #tpu.memory_space<vmem>>, vector<1x16xf32>,
      %get3A_1570 = vector.shape_cast %get3A_1569 : vector<1x16xf32> to vector<16xf32>
      %mul3A_1571 = arith.constant 32 : i32
      %mul3A_1572 = arith.muli %add3A_1536, %mul3A_1571 : i32
      %swap3A_1573 = arith.index_cast %mul3A_1572 : i32 to index
      %swap3A_1574 = tpu.vector_load %arg16[%swap3A_1573] {strides = array<i32>} : memref<8192xf32, #tpu.memory_space<vmem>>, vector<16xf32>,
      %swap3A_1575 = vector.shape_cast %swap3A_1574 : vector<16xf32> to vector<16xf32>
      %swap3A_1576 = vector.shape_cast %get3A_1570 : vector<16xf32> to vector<16xf32>
      tpu.vector_store %arg16[%swap3A_1573], %swap3A_1576 {strides = array<i32>} : memref<8192xf32, #tpu.memory_space<vmem>>, vector<16xf32>,
      %add3A_1577 = arith.constant 16 : i32
      %add3A_1578 = arith.addi %mul3A_1566, %add3A_1577 : i32
      %get3A_1579 = arith.index_cast %add3A_1536 : i32 to index
      %get3A_1580 = arith.index_cast %add3A_1578 : i32 to index
      %get3A_1581 = tpu.vector_load %arg13[%get3A_1579, %get3A_1580] {strides = array<i32>} : memref<256x128xf32, #tpu.memory_space<vmem>>, vector<1x16xf32>,
      %get3A_1582 = vector.shape_cast %get3A_1581 : vector<1x16xf32> to vector<16xf32>
      %mul3A_1583 = arith.constant 32 : i32
      %mul3A_1584 = arith.muli %add3A_1536, %mul3A_1583 : i32
      %add3A_1585 = arith.constant 16 : i32
      %add3A_1586 = arith.addi %mul3A_1584, %add3A_1585 : i32
      %swap3A_1587 = arith.index_cast %add3A_1586 : i32 to index
      %swap3A_1588 = tpu.vector_load %arg16[%swap3A_1587] {strides = array<i32>} : memref<8192xf32, #tpu.memory_space<vmem>>, vector<16xf32>,
      %swap3A_1589 = vector.shape_cast %swap3A_1588 : vector<16xf32> to vector<16xf32>
      %swap3A_1590 = vector.shape_cast %get3A_1582 : vector<16xf32> to vector<16xf32>
      tpu.vector_store %arg16[%swap3A_1587], %swap3A_1590 {strides = array<i32>} : memref<8192xf32, #tpu.memory_space<vmem>>, vector<16xf32>,
      %mul3A_1591 = arith.constant 16 : i32
      %mul3A_1592 = arith.muli %scan3A_914, %mul3A_1591 : i32
      %add3A_1593 = arith.constant 11 : i32
      %add3A_1594 = arith.addi %mul3A_1592, %add3A_1593 : i32
      %slice3A_1595 = vector.extract_strided_slice %get3A_954 {offsets = [11], sizes = [1], strides = [1]} : vector<16xi32> to vector<1xi32>
      %squeeze3A_1596 = vector.extract %slice3A_1595[0] : i32 from vector<1xi32>
      %and3A_1597 = arith.constant 2047 : i32
      %and3A_1598 = arith.andi %squeeze3A_1596, %and3A_1597 : i32
      %jit3A_1599 = arith.constant 512 : i32
      %div3A_1600 = arith.divsi %and3A_1598, %jit3A_1599 : i32
      %sign3A_1601 = arith.constant 0 : i32
      %sign3A_1602 = arith.cmpi sgt, %and3A_1598, %sign3A_1601 : i32
      %sign3A_1603 = arith.extui %sign3A_1602 : i1 to i32
      %sign3A_1604 = arith.constant 0 : i32
      %sign3A_1605 = arith.cmpi slt, %and3A_1598, %sign3A_1604 : i32
      %sign3A_1606 = arith.extui %sign3A_1605 : i1 to i32
      %sign3A_1607 = arith.subi %sign3A_1603, %sign3A_1606 : i32
      %sign3A_1608 = arith.constant 0 : i32
      %sign3A_1609 = arith.cmpi sgt, %jit3A_1599, %sign3A_1608 : i32
      %sign3A_1610 = arith.extui %sign3A_1609 : i1 to i32
      %sign3A_1611 = arith.constant 0 : i32
      %sign3A_1612 = arith.cmpi slt, %jit3A_1599, %sign3A_1611 : i32
      %sign3A_1613 = arith.extui %sign3A_1612 : i1 to i32
      %sign3A_1614 = arith.subi %sign3A_1610, %sign3A_1613 : i32
      %ne3A_1615 = arith.cmpi ne, %sign3A_1607, %sign3A_1614 : i32
      %rem3A_1616 = arith.remsi %and3A_1598, %jit3A_1599 : i32
      %ne3A_1617 = arith.constant 0 : i32
      %ne3A_1618 = arith.cmpi ne, %rem3A_1616, %ne3A_1617 : i32
      %and3A_1619 = arith.andi %ne3A_1615, %ne3A_1618 : i1
      %sub3A_1620 = arith.constant 1 : i32
      %sub3A_1621 = arith.subi %div3A_1600, %sub3A_1620 : i32
      %select_n3A_1622 = arith.select %and3A_1619, %sub3A_1621, %div3A_1600 : i32
      %mul3A_1623 = arith.constant 32 : i32
      %mul3A_1624 = arith.muli %select_n3A_1622, %mul3A_1623 : i32
      %get3A_1625 = arith.index_cast %add3A_1594 : i32 to index
      %get3A_1626 = arith.index_cast %mul3A_1624 : i32 to index
      %get3A_1627 = tpu.vector_load %arg13[%get3A_1625, %get3A_1626] {strides = array<i32>} : memref<256x128xf32, #tpu.memory_space<vmem>>, vector<1x16xf32>,
      %get3A_1628 = vector.shape_cast %get3A_1627 : vector<1x16xf32> to vector<16xf32>
      %mul3A_1629 = arith.constant 32 : i32
      %mul3A_1630 = arith.muli %add3A_1594, %mul3A_1629 : i32
      %swap3A_1631 = arith.index_cast %mul3A_1630 : i32 to index
      %swap3A_1632 = tpu.vector_load %arg16[%swap3A_1631] {strides = array<i32>} : memref<8192xf32, #tpu.memory_space<vmem>>, vector<16xf32>,
      %swap3A_1633 = vector.shape_cast %swap3A_1632 : vector<16xf32> to vector<16xf32>
      %swap3A_1634 = vector.shape_cast %get3A_1628 : vector<16xf32> to vector<16xf32>
      tpu.vector_store %arg16[%swap3A_1631], %swap3A_1634 {strides = array<i32>} : memref<8192xf32, #tpu.memory_space<vmem>>, vector<16xf32>,
      %add3A_1635 = arith.constant 16 : i32
      %add3A_1636 = arith.addi %mul3A_1624, %add3A_1635 : i32
      %get3A_1637 = arith.index_cast %add3A_1594 : i32 to index
      %get3A_1638 = arith.index_cast %add3A_1636 : i32 to index
      %get3A_1639 = tpu.vector_load %arg13[%get3A_1637, %get3A_1638] {strides = array<i32>} : memref<256x128xf32, #tpu.memory_space<vmem>>, vector<1x16xf32>,
      %get3A_1640 = vector.shape_cast %get3A_1639 : vector<1x16xf32> to vector<16xf32>
      %mul3A_1641 = arith.constant 32 : i32
      %mul3A_1642 = arith.muli %add3A_1594, %mul3A_1641 : i32
      %add3A_1643 = arith.constant 16 : i32
      %add3A_1644 = arith.addi %mul3A_1642, %add3A_1643 : i32
      %swap3A_1645 = arith.index_cast %add3A_1644 : i32 to index
      %swap3A_1646 = tpu.vector_load %arg16[%swap3A_1645] {strides = array<i32>} : memref<8192xf32, #tpu.memory_space<vmem>>, vector<16xf32>,
      %swap3A_1647 = vector.shape_cast %swap3A_1646 : vector<16xf32> to vector<16xf32>
      %swap3A_1648 = vector.shape_cast %get3A_1640 : vector<16xf32> to vector<16xf32>
      tpu.vector_store %arg16[%swap3A_1645], %swap3A_1648 {strides = array<i32>} : memref<8192xf32, #tpu.memory_space<vmem>>, vector<16xf32>,
      %mul3A_1649 = arith.constant 16 : i32
      %mul3A_1650 = arith.muli %scan3A_914, %mul3A_1649 : i32
      %add3A_1651 = arith.constant 12 : i32
      %add3A_1652 = arith.addi %mul3A_1650, %add3A_1651 : i32
      %slice3A_1653 = vector.extract_strided_slice %get3A_954 {offsets = [12], sizes = [1], strides = [1]} : vector<16xi32> to vector<1xi32>
      %squeeze3A_1654 = vector.extract %slice3A_1653[0] : i32 from vector<1xi32>
      %and3A_1655 = arith.constant 2047 : i32
      %and3A_1656 = arith.andi %squeeze3A_1654, %and3A_1655 : i32
      %jit3A_1657 = arith.constant 512 : i32
      %div3A_1658 = arith.divsi %and3A_1656, %jit3A_1657 : i32
      %sign3A_1659 = arith.constant 0 : i32
      %sign3A_1660 = arith.cmpi sgt, %and3A_1656, %sign3A_1659 : i32
      %sign3A_1661 = arith.extui %sign3A_1660 : i1 to i32
      %sign3A_1662 = arith.constant 0 : i32
      %sign3A_1663 = arith.cmpi slt, %and3A_1656, %sign3A_1662 : i32
      %sign3A_1664 = arith.extui %sign3A_1663 : i1 to i32
      %sign3A_1665 = arith.subi %sign3A_1661, %sign3A_1664 : i32
      %sign3A_1666 = arith.constant 0 : i32
      %sign3A_1667 = arith.cmpi sgt, %jit3A_1657, %sign3A_1666 : i32
      %sign3A_1668 = arith.extui %sign3A_1667 : i1 to i32
      %sign3A_1669 = arith.constant 0 : i32
      %sign3A_1670 = arith.cmpi slt, %jit3A_1657, %sign3A_1669 : i32
      %sign3A_1671 = arith.extui %sign3A_1670 : i1 to i32
      %sign3A_1672 = arith.subi %sign3A_1668, %sign3A_1671 : i32
      %ne3A_1673 = arith.cmpi ne, %sign3A_1665, %sign3A_1672 : i32
      %rem3A_1674 = arith.remsi %and3A_1656, %jit3A_1657 : i32
      %ne3A_1675 = arith.constant 0 : i32
      %ne3A_1676 = arith.cmpi ne, %rem3A_1674, %ne3A_1675 : i32
      %and3A_1677 = arith.andi %ne3A_1673, %ne3A_1676 : i1
      %sub3A_1678 = arith.constant 1 : i32
      %sub3A_1679 = arith.subi %div3A_1658, %sub3A_1678 : i32
      %select_n3A_1680 = arith.select %and3A_1677, %sub3A_1679, %div3A_1658 : i32
      %mul3A_1681 = arith.constant 32 : i32
      %mul3A_1682 = arith.muli %select_n3A_1680, %mul3A_1681 : i32
      %get3A_1683 = arith.index_cast %add3A_1652 : i32 to index
      %get3A_1684 = arith.index_cast %mul3A_1682 : i32 to index
      %get3A_1685 = tpu.vector_load %arg13[%get3A_1683, %get3A_1684] {strides = array<i32>} : memref<256x128xf32, #tpu.memory_space<vmem>>, vector<1x16xf32>,
      %get3A_1686 = vector.shape_cast %get3A_1685 : vector<1x16xf32> to vector<16xf32>
      %mul3A_1687 = arith.constant 32 : i32
      %mul3A_1688 = arith.muli %add3A_1652, %mul3A_1687 : i32
      %swap3A_1689 = arith.index_cast %mul3A_1688 : i32 to index
      %swap3A_1690 = tpu.vector_load %arg16[%swap3A_1689] {strides = array<i32>} : memref<8192xf32, #tpu.memory_space<vmem>>, vector<16xf32>,
      %swap3A_1691 = vector.shape_cast %swap3A_1690 : vector<16xf32> to vector<16xf32>
      %swap3A_1692 = vector.shape_cast %get3A_1686 : vector<16xf32> to vector<16xf32>
      tpu.vector_store %arg16[%swap3A_1689], %swap3A_1692 {strides = array<i32>} : memref<8192xf32, #tpu.memory_space<vmem>>, vector<16xf32>,
      %add3A_1693 = arith.constant 16 : i32
      %add3A_1694 = arith.addi %mul3A_1682, %add3A_1693 : i32
      %get3A_1695 = arith.index_cast %add3A_1652 : i32 to index
      %get3A_1696 = arith.index_cast %add3A_1694 : i32 to index
      %get3A_1697 = tpu.vector_load %arg13[%get3A_1695, %get3A_1696] {strides = array<i32>} : memref<256x128xf32, #tpu.memory_space<vmem>>, vector<1x16xf32>,
      %get3A_1698 = vector.shape_cast %get3A_1697 : vector<1x16xf32> to vector<16xf32>
      %mul3A_1699 = arith.constant 32 : i32
      %mul3A_1700 = arith.muli %add3A_1652, %mul3A_1699 : i32
      %add3A_1701 = arith.constant 16 : i32
      %add3A_1702 = arith.addi %mul3A_1700, %add3A_1701 : i32
      %swap3A_1703 = arith.index_cast %add3A_1702 : i32 to index
      %swap3A_1704 = tpu.vector_load %arg16[%swap3A_1703] {strides = array<i32>} : memref<8192xf32, #tpu.memory_space<vmem>>, vector<16xf32>,
      %swap3A_1705 = vector.shape_cast %swap3A_1704 : vector<16xf32> to vector<16xf32>
      %swap3A_1706 = vector.shape_cast %get3A_1698 : vector<16xf32> to vector<16xf32>
      tpu.vector_store %arg16[%swap3A_1703], %swap3A_1706 {strides = array<i32>} : memref<8192xf32, #tpu.memory_space<vmem>>, vector<16xf32>,
      %mul3A_1707 = arith.constant 16 : i32
      %mul3A_1708 = arith.muli %scan3A_914, %mul3A_1707 : i32
      %add3A_1709 = arith.constant 13 : i32
      %add3A_1710 = arith.addi %mul3A_1708, %add3A_1709 : i32
      %slice3A_1711 = vector.extract_strided_slice %get3A_954 {offsets = [13], sizes = [1], strides = [1]} : vector<16xi32> to vector<1xi32>
      %squeeze3A_1712 = vector.extract %slice3A_1711[0] : i32 from vector<1xi32>
      %and3A_1713 = arith.constant 2047 : i32
      %and3A_1714 = arith.andi %squeeze3A_1712, %and3A_1713 : i32
      %jit3A_1715 = arith.constant 512 : i32
      %div3A_1716 = arith.divsi %and3A_1714, %jit3A_1715 : i32
      %sign3A_1717 = arith.constant 0 : i32
      %sign3A_1718 = arith.cmpi sgt, %and3A_1714, %sign3A_1717 : i32
      %sign3A_1719 = arith.extui %sign3A_1718 : i1 to i32
      %sign3A_1720 = arith.constant 0 : i32
      %sign3A_1721 = arith.cmpi slt, %and3A_1714, %sign3A_1720 : i32
      %sign3A_1722 = arith.extui %sign3A_1721 : i1 to i32
      %sign3A_1723 = arith.subi %sign3A_1719, %sign3A_1722 : i32
      %sign3A_1724 = arith.constant 0 : i32
      %sign3A_1725 = arith.cmpi sgt, %jit3A_1715, %sign3A_1724 : i32
      %sign3A_1726 = arith.extui %sign3A_1725 : i1 to i32
      %sign3A_1727 = arith.constant 0 : i32
      %sign3A_1728 = arith.cmpi slt, %jit3A_1715, %sign3A_1727 : i32
      %sign3A_1729 = arith.extui %sign3A_1728 : i1 to i32
      %sign3A_1730 = arith.subi %sign3A_1726, %sign3A_1729 : i32
      %ne3A_1731 = arith.cmpi ne, %sign3A_1723, %sign3A_1730 : i32
      %rem3A_1732 = arith.remsi %and3A_1714, %jit3A_1715 : i32
      %ne3A_1733 = arith.constant 0 : i32
      %ne3A_1734 = arith.cmpi ne, %rem3A_1732, %ne3A_1733 : i32
      %and3A_1735 = arith.andi %ne3A_1731, %ne3A_1734 : i1
      %sub3A_1736 = arith.constant 1 : i32
      %sub3A_1737 = arith.subi %div3A_1716, %sub3A_1736 : i32
      %select_n3A_1738 = arith.select %and3A_1735, %sub3A_1737, %div3A_1716 : i32
      %mul3A_1739 = arith.constant 32 : i32
      %mul3A_1740 = arith.muli %select_n3A_1738, %mul3A_1739 : i32
      %get3A_1741 = arith.index_cast %add3A_1710 : i32 to index
      %get3A_1742 = arith.index_cast %mul3A_1740 : i32 to index
      %get3A_1743 = tpu.vector_load %arg13[%get3A_1741, %get3A_1742] {strides = array<i32>} : memref<256x128xf32, #tpu.memory_space<vmem>>, vector<1x16xf32>,
      %get3A_1744 = vector.shape_cast %get3A_1743 : vector<1x16xf32> to vector<16xf32>
      %mul3A_1745 = arith.constant 32 : i32
      %mul3A_1746 = arith.muli %add3A_1710, %mul3A_1745 : i32
      %swap3A_1747 = arith.index_cast %mul3A_1746 : i32 to index
      %swap3A_1748 = tpu.vector_load %arg16[%swap3A_1747] {strides = array<i32>} : memref<8192xf32, #tpu.memory_space<vmem>>, vector<16xf32>,
      %swap3A_1749 = vector.shape_cast %swap3A_1748 : vector<16xf32> to vector<16xf32>
      %swap3A_1750 = vector.shape_cast %get3A_1744 : vector<16xf32> to vector<16xf32>
      tpu.vector_store %arg16[%swap3A_1747], %swap3A_1750 {strides = array<i32>} : memref<8192xf32, #tpu.memory_space<vmem>>, vector<16xf32>,
      %add3A_1751 = arith.constant 16 : i32
      %add3A_1752 = arith.addi %mul3A_1740, %add3A_1751 : i32
      %get3A_1753 = arith.index_cast %add3A_1710 : i32 to index
      %get3A_1754 = arith.index_cast %add3A_1752 : i32 to index
      %get3A_1755 = tpu.vector_load %arg13[%get3A_1753, %get3A_1754] {strides = array<i32>} : memref<256x128xf32, #tpu.memory_space<vmem>>, vector<1x16xf32>,
      %get3A_1756 = vector.shape_cast %get3A_1755 : vector<1x16xf32> to vector<16xf32>
      %mul3A_1757 = arith.constant 32 : i32
      %mul3A_1758 = arith.muli %add3A_1710, %mul3A_1757 : i32
      %add3A_1759 = arith.constant 16 : i32
      %add3A_1760 = arith.addi %mul3A_1758, %add3A_1759 : i32
      %swap3A_1761 = arith.index_cast %add3A_1760 : i32 to index
      %swap3A_1762 = tpu.vector_load %arg16[%swap3A_1761] {strides = array<i32>} : memref<8192xf32, #tpu.memory_space<vmem>>, vector<16xf32>,
      %swap3A_1763 = vector.shape_cast %swap3A_1762 : vector<16xf32> to vector<16xf32>
      %swap3A_1764 = vector.shape_cast %get3A_1756 : vector<16xf32> to vector<16xf32>
      tpu.vector_store %arg16[%swap3A_1761], %swap3A_1764 {strides = array<i32>} : memref<8192xf32, #tpu.memory_space<vmem>>, vector<16xf32>,
      %mul3A_1765 = arith.constant 16 : i32
      %mul3A_1766 = arith.muli %scan3A_914, %mul3A_1765 : i32
      %add3A_1767 = arith.constant 14 : i32
      %add3A_1768 = arith.addi %mul3A_1766, %add3A_1767 : i32
      %slice3A_1769 = vector.extract_strided_slice %get3A_954 {offsets = [14], sizes = [1], strides = [1]} : vector<16xi32> to vector<1xi32>
      %squeeze3A_1770 = vector.extract %slice3A_1769[0] : i32 from vector<1xi32>
      %and3A_1771 = arith.constant 2047 : i32
      %and3A_1772 = arith.andi %squeeze3A_1770, %and3A_1771 : i32
      %jit3A_1773 = arith.constant 512 : i32
      %div3A_1774 = arith.divsi %and3A_1772, %jit3A_1773 : i32
      %sign3A_1775 = arith.constant 0 : i32
      %sign3A_1776 = arith.cmpi sgt, %and3A_1772, %sign3A_1775 : i32
      %sign3A_1777 = arith.extui %sign3A_1776 : i1 to i32
      %sign3A_1778 = arith.constant 0 : i32
      %sign3A_1779 = arith.cmpi slt, %and3A_1772, %sign3A_1778 : i32
      %sign3A_1780 = arith.extui %sign3A_1779 : i1 to i32
      %sign3A_1781 = arith.subi %sign3A_1777, %sign3A_1780 : i32
      %sign3A_1782 = arith.constant 0 : i32
      %sign3A_1783 = arith.cmpi sgt, %jit3A_1773, %sign3A_1782 : i32
      %sign3A_1784 = arith.extui %sign3A_1783 : i1 to i32
      %sign3A_1785 = arith.constant 0 : i32
      %sign3A_1786 = arith.cmpi slt, %jit3A_1773, %sign3A_1785 : i32
      %sign3A_1787 = arith.extui %sign3A_1786 : i1 to i32
      %sign3A_1788 = arith.subi %sign3A_1784, %sign3A_1787 : i32
      %ne3A_1789 = arith.cmpi ne, %sign3A_1781, %sign3A_1788 : i32
      %rem3A_1790 = arith.remsi %and3A_1772, %jit3A_1773 : i32
      %ne3A_1791 = arith.constant 0 : i32
      %ne3A_1792 = arith.cmpi ne, %rem3A_1790, %ne3A_1791 : i32
      %and3A_1793 = arith.andi %ne3A_1789, %ne3A_1792 : i1
      %sub3A_1794 = arith.constant 1 : i32
      %sub3A_1795 = arith.subi %div3A_1774, %sub3A_1794 : i32
      %select_n3A_1796 = arith.select %and3A_1793, %sub3A_1795, %div3A_1774 : i32
      %mul3A_1797 = arith.constant 32 : i32
      %mul3A_1798 = arith.muli %select_n3A_1796, %mul3A_1797 : i32
      %get3A_1799 = arith.index_cast %add3A_1768 : i32 to index
      %get3A_1800 = arith.index_cast %mul3A_1798 : i32 to index
      %get3A_1801 = tpu.vector_load %arg13[%get3A_1799, %get3A_1800] {strides = array<i32>} : memref<256x128xf32, #tpu.memory_space<vmem>>, vector<1x16xf32>,
      %get3A_1802 = vector.shape_cast %get3A_1801 : vector<1x16xf32> to vector<16xf32>
      %mul3A_1803 = arith.constant 32 : i32
      %mul3A_1804 = arith.muli %add3A_1768, %mul3A_1803 : i32
      %swap3A_1805 = arith.index_cast %mul3A_1804 : i32 to index
      %swap3A_1806 = tpu.vector_load %arg16[%swap3A_1805] {strides = array<i32>} : memref<8192xf32, #tpu.memory_space<vmem>>, vector<16xf32>,
      %swap3A_1807 = vector.shape_cast %swap3A_1806 : vector<16xf32> to vector<16xf32>
      %swap3A_1808 = vector.shape_cast %get3A_1802 : vector<16xf32> to vector<16xf32>
      tpu.vector_store %arg16[%swap3A_1805], %swap3A_1808 {strides = array<i32>} : memref<8192xf32, #tpu.memory_space<vmem>>, vector<16xf32>,
      %add3A_1809 = arith.constant 16 : i32
      %add3A_1810 = arith.addi %mul3A_1798, %add3A_1809 : i32
      %get3A_1811 = arith.index_cast %add3A_1768 : i32 to index
      %get3A_1812 = arith.index_cast %add3A_1810 : i32 to index
      %get3A_1813 = tpu.vector_load %arg13[%get3A_1811, %get3A_1812] {strides = array<i32>} : memref<256x128xf32, #tpu.memory_space<vmem>>, vector<1x16xf32>,
      %get3A_1814 = vector.shape_cast %get3A_1813 : vector<1x16xf32> to vector<16xf32>
      %mul3A_1815 = arith.constant 32 : i32
      %mul3A_1816 = arith.muli %add3A_1768, %mul3A_1815 : i32
      %add3A_1817 = arith.constant 16 : i32
      %add3A_1818 = arith.addi %mul3A_1816, %add3A_1817 : i32
      %swap3A_1819 = arith.index_cast %add3A_1818 : i32 to index
      %swap3A_1820 = tpu.vector_load %arg16[%swap3A_1819] {strides = array<i32>} : memref<8192xf32, #tpu.memory_space<vmem>>, vector<16xf32>,
      %swap3A_1821 = vector.shape_cast %swap3A_1820 : vector<16xf32> to vector<16xf32>
      %swap3A_1822 = vector.shape_cast %get3A_1814 : vector<16xf32> to vector<16xf32>
      tpu.vector_store %arg16[%swap3A_1819], %swap3A_1822 {strides = array<i32>} : memref<8192xf32, #tpu.memory_space<vmem>>, vector<16xf32>,
      %mul3A_1823 = arith.constant 16 : i32
      %mul3A_1824 = arith.muli %scan3A_914, %mul3A_1823 : i32
      %add3A_1825 = arith.constant 15 : i32
      %add3A_1826 = arith.addi %mul3A_1824, %add3A_1825 : i32
      %slice3A_1827 = vector.extract_strided_slice %get3A_954 {offsets = [15], sizes = [1], strides = [1]} : vector<16xi32> to vector<1xi32>
      %squeeze3A_1828 = vector.extract %slice3A_1827[0] : i32 from vector<1xi32>
      %and3A_1829 = arith.constant 2047 : i32
      %and3A_1830 = arith.andi %squeeze3A_1828, %and3A_1829 : i32
      %jit3A_1831 = arith.constant 512 : i32
      %div3A_1832 = arith.divsi %and3A_1830, %jit3A_1831 : i32
      %sign3A_1833 = arith.constant 0 : i32
      %sign3A_1834 = arith.cmpi sgt, %and3A_1830, %sign3A_1833 : i32
      %sign3A_1835 = arith.extui %sign3A_1834 : i1 to i32
      %sign3A_1836 = arith.constant 0 : i32
      %sign3A_1837 = arith.cmpi slt, %and3A_1830, %sign3A_1836 : i32
      %sign3A_1838 = arith.extui %sign3A_1837 : i1 to i32
      %sign3A_1839 = arith.subi %sign3A_1835, %sign3A_1838 : i32
      %sign3A_1840 = arith.constant 0 : i32
      %sign3A_1841 = arith.cmpi sgt, %jit3A_1831, %sign3A_1840 : i32
      %sign3A_1842 = arith.extui %sign3A_1841 : i1 to i32
      %sign3A_1843 = arith.constant 0 : i32
      %sign3A_1844 = arith.cmpi slt, %jit3A_1831, %sign3A_1843 : i32
      %sign3A_1845 = arith.extui %sign3A_1844 : i1 to i32
      %sign3A_1846 = arith.subi %sign3A_1842, %sign3A_1845 : i32
      %ne3A_1847 = arith.cmpi ne, %sign3A_1839, %sign3A_1846 : i32
      %rem3A_1848 = arith.remsi %and3A_1830, %jit3A_1831 : i32
      %ne3A_1849 = arith.constant 0 : i32
      %ne3A_1850 = arith.cmpi ne, %rem3A_1848, %ne3A_1849 : i32
      %and3A_1851 = arith.andi %ne3A_1847, %ne3A_1850 : i1
      %sub3A_1852 = arith.constant 1 : i32
      %sub3A_1853 = arith.subi %div3A_1832, %sub3A_1852 : i32
      %select_n3A_1854 = arith.select %and3A_1851, %sub3A_1853, %div3A_1832 : i32
      %mul3A_1855 = arith.constant 32 : i32
      %mul3A_1856 = arith.muli %select_n3A_1854, %mul3A_1855 : i32
      %get3A_1857 = arith.index_cast %add3A_1826 : i32 to index
      %get3A_1858 = arith.index_cast %mul3A_1856 : i32 to index
      %get3A_1859 = tpu.vector_load %arg13[%get3A_1857, %get3A_1858] {strides = array<i32>} : memref<256x128xf32, #tpu.memory_space<vmem>>, vector<1x16xf32>,
      %get3A_1860 = vector.shape_cast %get3A_1859 : vector<1x16xf32> to vector<16xf32>
      %mul3A_1861 = arith.constant 32 : i32
      %mul3A_1862 = arith.muli %add3A_1826, %mul3A_1861 : i32
      %swap3A_1863 = arith.index_cast %mul3A_1862 : i32 to index
      %swap3A_1864 = tpu.vector_load %arg16[%swap3A_1863] {strides = array<i32>} : memref<8192xf32, #tpu.memory_space<vmem>>, vector<16xf32>,
      %swap3A_1865 = vector.shape_cast %swap3A_1864 : vector<16xf32> to vector<16xf32>
      %swap3A_1866 = vector.shape_cast %get3A_1860 : vector<16xf32> to vector<16xf32>
      tpu.vector_store %arg16[%swap3A_1863], %swap3A_1866 {strides = array<i32>} : memref<8192xf32, #tpu.memory_space<vmem>>, vector<16xf32>,
      %add3A_1867 = arith.constant 16 : i32
      %add3A_1868 = arith.addi %mul3A_1856, %add3A_1867 : i32
      %get3A_1869 = arith.index_cast %add3A_1826 : i32 to index
      %get3A_1870 = arith.index_cast %add3A_1868 : i32 to index
      %get3A_1871 = tpu.vector_load %arg13[%get3A_1869, %get3A_1870] {strides = array<i32>} : memref<256x128xf32, #tpu.memory_space<vmem>>, vector<1x16xf32>,
      %get3A_1872 = vector.shape_cast %get3A_1871 : vector<1x16xf32> to vector<16xf32>
      %mul3A_1873 = arith.constant 32 : i32
      %mul3A_1874 = arith.muli %add3A_1826, %mul3A_1873 : i32
      %add3A_1875 = arith.constant 16 : i32
      %add3A_1876 = arith.addi %mul3A_1874, %add3A_1875 : i32
      %swap3A_1877 = arith.index_cast %add3A_1876 : i32 to index
      %swap3A_1878 = tpu.vector_load %arg16[%swap3A_1877] {strides = array<i32>} : memref<8192xf32, #tpu.memory_space<vmem>>, vector<16xf32>,
      %swap3A_1879 = vector.shape_cast %swap3A_1878 : vector<16xf32> to vector<16xf32>
      %swap3A_1880 = vector.shape_cast %get3A_1872 : vector<16xf32> to vector<16xf32>
      tpu.vector_store %arg16[%swap3A_1877], %swap3A_1880 {strides = array<i32>} : memref<8192xf32, #tpu.memory_space<vmem>>, vector<16xf32>,
      %scan3A_1881 = arith.constant 0 : i32
      scf.yield %scan3A_1881 : i32
    }
    %scan3A_786 = arith.constant 16 : i32
    %add3A_787 = arith.constant 0 : i32
    %add3A_788 = arith.addi %mul3A_2, %add3A_787 : i32
    %mul3A_789 = arith.constant 32 : i32
    %mul3A_790 = arith.muli %add3A_788, %mul3A_789 : i32
    "tpu.region"() ({
      %run_scoped3A = tpu.sem_alloc : memref<!tpu.dma_semaphore, #tpu.memory_space<semaphore_mem>>
      %dma_start3A_914 = tpu.memref_slice %arg7[%mul3A_790] : memref<524288xf32, #tpu.memory_space<hbm>> -> memref<8192xf32, #tpu.memory_space<hbm>>
      %dma_start3A_915 = tpu.memref_slice %arg7[%mul3A_790] : memref<524288xf32, #tpu.memory_space<hbm>> -> memref<8192xf32, #tpu.memory_space<hbm>>
      tpu.enqueue_dma source(%arg16 : memref<8192xf32, #tpu.memory_space<vmem>>) target(%dma_start3A_915 : memref<8192xf32, #tpu.memory_space<hbm>>) target_semaphore(%run_scoped3A : memref<!tpu.dma_semaphore, #tpu.memory_space<semaphore_mem>>)
      %dma_wait3A_916 = tpu.memref_slice %arg7[%mul3A_790] : memref<524288xf32, #tpu.memory_space<hbm>> -> memref<8192xf32, #tpu.memory_space<hbm>>
      %dma_wait3A_917 = tpu.memref_slice %arg7[%mul3A_790] : memref<524288xf32, #tpu.memory_space<hbm>> -> memref<8192xf32, #tpu.memory_space<hbm>>
      tpu.wait_dma2 semaphore(%run_scoped3A : memref<!tpu.dma_semaphore, #tpu.memory_space<semaphore_mem>>) src(%arg16 : memref<8192xf32, #tpu.memory_space<vmem>>) dst(%dma_wait3A_917 : memref<8192xf32, #tpu.memory_space<hbm>>)
      tpu.yield
    }) : () -> ()
    %dma_start3A_791 = arith.constant 2 : i32
    %dma_start3A_792 = arith.constant 0 : i32
    %dma_start3A_793 = arith.constant 0 : i32
    %dma_start3A_794 = tpu.memref_slice %arg13[%dma_start3A_792, %dma_start3A_793] : memref<256x128xf32, #tpu.memory_space<vmem>> -> memref<128x128xf32, #tpu.memory_space<vmem>>
    %dma_start3A_795 = arith.constant 0 : i32
    %dma_start3A_796 = tpu.memref_slice %arg12[%dma_start3A_791, %dma_start3A_795] : memref<4x128xi32, #tpu.memory_space<vmem>> -> memref<1x128xi32, #tpu.memory_space<vmem>>
    %dma_start3A_797 = tpu.memref_squeeze %dma_start3A_796 : memref<1x128xi32, #tpu.memory_space<vmem>> -> memref<128xi32, #tpu.memory_space<vmem>>
    %dma_start3A_798 = arith.constant 0 : i32
    %dma_start3A_799 = arith.constant 0 : i32
    %dma_start3A_800 = tpu.memref_slice %arg4[%dma_start3A_798, %dma_start3A_799] : memref<250368x128xf32, #tpu.memory_space<hbm>> -> memref<250368x128xf32, #tpu.memory_space<hbm>>
    tpu.enqueue_indirect_dma source(%dma_start3A_800 : memref<250368x128xf32, #tpu.memory_space<hbm>>) target(%dma_start3A_794 : memref<128x128xf32, #tpu.memory_space<vmem>>) offsets(%dma_start3A_797 : memref<128xi32, #tpu.memory_space<vmem>>) semaphore(%arg17 : memref<!tpu.dma_semaphore, #tpu.memory_space<semaphore_mem>>)
    %dma_start3A_801 = arith.constant 3 : i32
    %dma_start3A_802 = arith.constant 128 : i32
    %dma_start3A_803 = arith.constant 0 : i32
    %dma_start3A_804 = tpu.memref_slice %arg13[%dma_start3A_802, %dma_start3A_803] : memref<256x128xf32, #tpu.memory_space<vmem>> -> memref<128x128xf32, #tpu.memory_space<vmem>>
    %dma_start3A_805 = arith.constant 0 : i32
    %dma_start3A_806 = tpu.memref_slice %arg12[%dma_start3A_801, %dma_start3A_805] : memref<4x128xi32, #tpu.memory_space<vmem>> -> memref<1x128xi32, #tpu.memory_space<vmem>>
    %dma_start3A_807 = tpu.memref_squeeze %dma_start3A_806 : memref<1x128xi32, #tpu.memory_space<vmem>> -> memref<128xi32, #tpu.memory_space<vmem>>
    %dma_start3A_808 = arith.constant 0 : i32
    %dma_start3A_809 = arith.constant 0 : i32
    %dma_start3A_810 = tpu.memref_slice %arg4[%dma_start3A_808, %dma_start3A_809] : memref<250368x128xf32, #tpu.memory_space<hbm>> -> memref<250368x128xf32, #tpu.memory_space<hbm>>
    tpu.enqueue_indirect_dma source(%dma_start3A_810 : memref<250368x128xf32, #tpu.memory_space<hbm>>) target(%dma_start3A_804 : memref<128x128xf32, #tpu.memory_space<vmem>>) offsets(%dma_start3A_807 : memref<128xi32, #tpu.memory_space<vmem>>) semaphore(%arg17 : memref<!tpu.dma_semaphore, #tpu.memory_space<semaphore_mem>>)
    %dma_wait3A_811 = arith.constant 2 : i32
    %dma_wait3A_812 = arith.constant 0 : i32
    %dma_wait3A_813 = arith.constant 0 : i32
    %dma_wait3A_814 = tpu.memref_slice %arg13[%dma_wait3A_812, %dma_wait3A_813] : memref<256x128xf32, #tpu.memory_space<vmem>> -> memref<128x128xf32, #tpu.memory_space<vmem>>
    %dma_wait3A_815 = arith.constant 0 : i32
    %dma_wait3A_816 = tpu.memref_slice %arg12[%dma_wait3A_811, %dma_wait3A_815] : memref<4x128xi32, #tpu.memory_space<vmem>> -> memref<1x128xi32, #tpu.memory_space<vmem>>
    %dma_wait3A_817 = tpu.memref_squeeze %dma_wait3A_816 : memref<1x128xi32, #tpu.memory_space<vmem>> -> memref<128xi32, #tpu.memory_space<vmem>>
    %dma_wait3A_818 = arith.constant 0 : i32
    %dma_wait3A_819 = arith.constant 0 : i32
    %dma_wait3A_820 = tpu.memref_slice %arg4[%dma_wait3A_818, %dma_wait3A_819] : memref<250368x128xf32, #tpu.memory_space<hbm>> -> memref<250368x128xf32, #tpu.memory_space<hbm>>
    tpu.wait_indirect_dma semaphore(%arg17 : memref<!tpu.dma_semaphore, #tpu.memory_space<semaphore_mem>>) src(%dma_wait3A_820 : memref<250368x128xf32, #tpu.memory_space<hbm>>) dst(%dma_wait3A_814 : memref<128x128xf32, #tpu.memory_space<vmem>>)
    %dma_wait3A_821 = arith.constant 3 : i32
    %dma_wait3A_822 = arith.constant 128 : i32
    %dma_wait3A_823 = arith.constant 0 : i32
    %dma_wait3A_824 = tpu.memref_slice %arg13[%dma_wait3A_822, %dma_wait3A_823] : memref<256x128xf32, #tpu.memory_space<vmem>> -> memref<128x128xf32, #tpu.memory_space<vmem>>
    %dma_wait3A_825 = arith.constant 0 : i32
    %dma_wait3A_826 = tpu.memref_slice %arg12[%dma_wait3A_821, %dma_wait3A_825] : memref<4x128xi32, #tpu.memory_space<vmem>> -> memref<1x128xi32, #tpu.memory_space<vmem>>
    %dma_wait3A_827 = tpu.memref_squeeze %dma_wait3A_826 : memref<1x128xi32, #tpu.memory_space<vmem>> -> memref<128xi32, #tpu.memory_space<vmem>>
    %dma_wait3A_828 = arith.constant 0 : i32
    %dma_wait3A_829 = arith.constant 0 : i32
    %dma_wait3A_830 = tpu.memref_slice %arg4[%dma_wait3A_828, %dma_wait3A_829] : memref<250368x128xf32, #tpu.memory_space<hbm>> -> memref<250368x128xf32, #tpu.memory_space<hbm>>
    tpu.wait_indirect_dma semaphore(%arg17 : memref<!tpu.dma_semaphore, #tpu.memory_space<semaphore_mem>>) src(%dma_wait3A_830 : memref<250368x128xf32, #tpu.memory_space<hbm>>) dst(%dma_wait3A_824 : memref<128x128xf32, #tpu.memory_space<vmem>>)
    %scan3A_831 = arith.constant 0 : i32
    %scan3A_832 = arith.constant 0 : i32
    %scan3A_833 = arith.constant 16 : i32
    %scan3A_834 = arith.addi %scan3A_832, %scan3A_833 : i32
    %scan3A_835 = arith.constant 1 : i32
    %scan3A_836 = scf.for %scan3A_914 = %scan3A_832 to %scan3A_834 step %scan3A_835 iter_args(%scan3A_915 = %scan3A_831) -> (i32)  : i32 {
      %jit3A = arith.constant 8 : i32
      %div3A = arith.divsi %scan3A_914, %jit3A : i32
      %sign3A = arith.constant 0 : i32
      %sign3A_916 = arith.cmpi sgt, %scan3A_914, %sign3A : i32
      %sign3A_917 = arith.extui %sign3A_916 : i1 to i32
      %sign3A_918 = arith.constant 0 : i32
      %sign3A_919 = arith.cmpi slt, %scan3A_914, %sign3A_918 : i32
      %sign3A_920 = arith.extui %sign3A_919 : i1 to i32
      %sign3A_921 = arith.subi %sign3A_917, %sign3A_920 : i32
      %sign3A_922 = arith.constant 0 : i32
      %sign3A_923 = arith.cmpi sgt, %jit3A, %sign3A_922 : i32
      %sign3A_924 = arith.extui %sign3A_923 : i1 to i32
      %sign3A_925 = arith.constant 0 : i32
      %sign3A_926 = arith.cmpi slt, %jit3A, %sign3A_925 : i32
      %sign3A_927 = arith.extui %sign3A_926 : i1 to i32
      %sign3A_928 = arith.subi %sign3A_924, %sign3A_927 : i32
      %ne3A = arith.cmpi ne, %sign3A_921, %sign3A_928 : i32
      %rem3A = arith.remsi %scan3A_914, %jit3A : i32
      %ne3A_929 = arith.constant 0 : i32
      %ne3A_930 = arith.cmpi ne, %rem3A, %ne3A_929 : i32
      %and3A_931 = arith.andi %ne3A, %ne3A_930 : i1
      %sub3A = arith.constant 1 : i32
      %sub3A_932 = arith.subi %div3A, %sub3A : i32
      %select_n3A = arith.select %and3A_931, %sub3A_932, %div3A : i32
      %add3A_933 = arith.constant 2 : i32
      %add3A_934 = arith.addi %add3A_933, %select_n3A : i32
      %jit3A_935 = arith.constant 8 : i32
      %eq3A = arith.constant 0 : i32
      %eq3A_936 = arith.cmpi eq, %jit3A_935, %eq3A : i32
      %jit3A_937 = arith.constant 1 : i32
      %select_n3A_938 = arith.select %eq3A_936, %jit3A_937, %jit3A_935 : i32
      %rem3A_939 = arith.remsi %scan3A_914, %select_n3A_938 : i32
      %ne3A_940 = arith.constant 0 : i32
      %ne3A_941 = arith.cmpi ne, %rem3A_939, %ne3A_940 : i32
      %lt3A = arith.constant 0 : i32
      %lt3A_942 = arith.cmpi slt, %rem3A_939, %lt3A : i32
      %lt3A_943 = arith.constant 0 : i32
      %lt3A_944 = arith.cmpi slt, %select_n3A_938, %lt3A_943 : i32
      %ne3A_945 = arith.xori %lt3A_942, %lt3A_944 : i1
      %and3A_946 = arith.andi %ne3A_945, %ne3A_941 : i1
      %add3A_947 = arith.addi %rem3A_939, %select_n3A_938 : i32
      %select_n3A_948 = arith.select %and3A_946, %add3A_947, %rem3A_939 : i32
      %mul3A_949 = arith.constant 16 : i32
      %mul3A_950 = arith.muli %select_n3A_948, %mul3A_949 : i32
      %get3A_951 = arith.index_cast %add3A_934 : i32 to index
      %get3A_952 = arith.index_cast %mul3A_950 : i32 to index
      %get3A_953 = tpu.vector_load %arg10[%get3A_951, %get3A_952] {strides = array<i32>} : memref<4x128xi32, #tpu.memory_space<vmem>>, vector<1x16xi32>,
      %get3A_954 = vector.shape_cast %get3A_953 : vector<1x16xi32> to vector<16xi32>
      %mul3A_955 = arith.constant 16 : i32
      %mul3A_956 = arith.muli %scan3A_914, %mul3A_955 : i32
      %add3A_957 = arith.constant 0 : i32
      %add3A_958 = arith.addi %mul3A_956, %add3A_957 : i32
      %slice3A = vector.extract_strided_slice %get3A_954 {offsets = [0], sizes = [1], strides = [1]} : vector<16xi32> to vector<1xi32>
      %squeeze3A = vector.extract %slice3A[0] : i32 from vector<1xi32>
      %and3A_959 = arith.constant 2047 : i32
      %and3A_960 = arith.andi %squeeze3A, %and3A_959 : i32
      %jit3A_961 = arith.constant 512 : i32
      %div3A_962 = arith.divsi %and3A_960, %jit3A_961 : i32
      %sign3A_963 = arith.constant 0 : i32
      %sign3A_964 = arith.cmpi sgt, %and3A_960, %sign3A_963 : i32
      %sign3A_965 = arith.extui %sign3A_964 : i1 to i32
      %sign3A_966 = arith.constant 0 : i32
      %sign3A_967 = arith.cmpi slt, %and3A_960, %sign3A_966 : i32
      %sign3A_968 = arith.extui %sign3A_967 : i1 to i32
      %sign3A_969 = arith.subi %sign3A_965, %sign3A_968 : i32
      %sign3A_970 = arith.constant 0 : i32
      %sign3A_971 = arith.cmpi sgt, %jit3A_961, %sign3A_970 : i32
      %sign3A_972 = arith.extui %sign3A_971 : i1 to i32
      %sign3A_973 = arith.constant 0 : i32
      %sign3A_974 = arith.cmpi slt, %jit3A_961, %sign3A_973 : i32
      %sign3A_975 = arith.extui %sign3A_974 : i1 to i32
      %sign3A_976 = arith.subi %sign3A_972, %sign3A_975 : i32
      %ne3A_977 = arith.cmpi ne, %sign3A_969, %sign3A_976 : i32
      %rem3A_978 = arith.remsi %and3A_960, %jit3A_961 : i32
      %ne3A_979 = arith.constant 0 : i32
      %ne3A_980 = arith.cmpi ne, %rem3A_978, %ne3A_979 : i32
      %and3A_981 = arith.andi %ne3A_977, %ne3A_980 : i1
      %sub3A_982 = arith.constant 1 : i32
      %sub3A_983 = arith.subi %div3A_962, %sub3A_982 : i32
      %select_n3A_984 = arith.select %and3A_981, %sub3A_983, %div3A_962 : i32
      %mul3A_985 = arith.constant 32 : i32
      %mul3A_986 = arith.muli %select_n3A_984, %mul3A_985 : i32
      %get3A_987 = arith.index_cast %add3A_958 : i32 to index
      %get3A_988 = arith.index_cast %mul3A_986 : i32 to index
      %get3A_989 = tpu.vector_load %arg13[%get3A_987, %get3A_988] {strides = array<i32>} : memref<256x128xf32, #tpu.memory_space<vmem>>, vector<1x16xf32>,
      %get3A_990 = vector.shape_cast %get3A_989 : vector<1x16xf32> to vector<16xf32>
      %mul3A_991 = arith.constant 32 : i32
      %mul3A_992 = arith.muli %add3A_958, %mul3A_991 : i32
      %swap3A_993 = arith.index_cast %mul3A_992 : i32 to index
      %swap3A_994 = tpu.vector_load %arg16[%swap3A_993] {strides = array<i32>} : memref<8192xf32, #tpu.memory_space<vmem>>, vector<16xf32>,
      %swap3A_995 = vector.shape_cast %swap3A_994 : vector<16xf32> to vector<16xf32>
      %swap3A_996 = vector.shape_cast %get3A_990 : vector<16xf32> to vector<16xf32>
      tpu.vector_store %arg16[%swap3A_993], %swap3A_996 {strides = array<i32>} : memref<8192xf32, #tpu.memory_space<vmem>>, vector<16xf32>,
      %add3A_997 = arith.constant 16 : i32
      %add3A_998 = arith.addi %mul3A_986, %add3A_997 : i32
      %get3A_999 = arith.index_cast %add3A_958 : i32 to index
      %get3A_1000 = arith.index_cast %add3A_998 : i32 to index
      %get3A_1001 = tpu.vector_load %arg13[%get3A_999, %get3A_1000] {strides = array<i32>} : memref<256x128xf32, #tpu.memory_space<vmem>>, vector<1x16xf32>,
      %get3A_1002 = vector.shape_cast %get3A_1001 : vector<1x16xf32> to vector<16xf32>
      %mul3A_1003 = arith.constant 32 : i32
      %mul3A_1004 = arith.muli %add3A_958, %mul3A_1003 : i32
      %add3A_1005 = arith.constant 16 : i32
      %add3A_1006 = arith.addi %mul3A_1004, %add3A_1005 : i32
      %swap3A_1007 = arith.index_cast %add3A_1006 : i32 to index
      %swap3A_1008 = tpu.vector_load %arg16[%swap3A_1007] {strides = array<i32>} : memref<8192xf32, #tpu.memory_space<vmem>>, vector<16xf32>,
      %swap3A_1009 = vector.shape_cast %swap3A_1008 : vector<16xf32> to vector<16xf32>
      %swap3A_1010 = vector.shape_cast %get3A_1002 : vector<16xf32> to vector<16xf32>
      tpu.vector_store %arg16[%swap3A_1007], %swap3A_1010 {strides = array<i32>} : memref<8192xf32, #tpu.memory_space<vmem>>, vector<16xf32>,
      %mul3A_1011 = arith.constant 16 : i32
      %mul3A_1012 = arith.muli %scan3A_914, %mul3A_1011 : i32
      %add3A_1013 = arith.constant 1 : i32
      %add3A_1014 = arith.addi %mul3A_1012, %add3A_1013 : i32
      %slice3A_1015 = vector.extract_strided_slice %get3A_954 {offsets = [1], sizes = [1], strides = [1]} : vector<16xi32> to vector<1xi32>
      %squeeze3A_1016 = vector.extract %slice3A_1015[0] : i32 from vector<1xi32>
      %and3A_1017 = arith.constant 2047 : i32
      %and3A_1018 = arith.andi %squeeze3A_1016, %and3A_1017 : i32
      %jit3A_1019 = arith.constant 512 : i32
      %div3A_1020 = arith.divsi %and3A_1018, %jit3A_1019 : i32
      %sign3A_1021 = arith.constant 0 : i32
      %sign3A_1022 = arith.cmpi sgt, %and3A_1018, %sign3A_1021 : i32
      %sign3A_1023 = arith.extui %sign3A_1022 : i1 to i32
      %sign3A_1024 = arith.constant 0 : i32
      %sign3A_1025 = arith.cmpi slt, %and3A_1018, %sign3A_1024 : i32
      %sign3A_1026 = arith.extui %sign3A_1025 : i1 to i32
      %sign3A_1027 = arith.subi %sign3A_1023, %sign3A_1026 : i32
      %sign3A_1028 = arith.constant 0 : i32
      %sign3A_1029 = arith.cmpi sgt, %jit3A_1019, %sign3A_1028 : i32
      %sign3A_1030 = arith.extui %sign3A_1029 : i1 to i32
      %sign3A_1031 = arith.constant 0 : i32
      %sign3A_1032 = arith.cmpi slt, %jit3A_1019, %sign3A_1031 : i32
      %sign3A_1033 = arith.extui %sign3A_1032 : i1 to i32
      %sign3A_1034 = arith.subi %sign3A_1030, %sign3A_1033 : i32
      %ne3A_1035 = arith.cmpi ne, %sign3A_1027, %sign3A_1034 : i32
      %rem3A_1036 = arith.remsi %and3A_1018, %jit3A_1019 : i32
      %ne3A_1037 = arith.constant 0 : i32
      %ne3A_1038 = arith.cmpi ne, %rem3A_1036, %ne3A_1037 : i32
      %and3A_1039 = arith.andi %ne3A_1035, %ne3A_1038 : i1
      %sub3A_1040 = arith.constant 1 : i32
      %sub3A_1041 = arith.subi %div3A_1020, %sub3A_1040 : i32
      %select_n3A_1042 = arith.select %and3A_1039, %sub3A_1041, %div3A_1020 : i32
      %mul3A_1043 = arith.constant 32 : i32
      %mul3A_1044 = arith.muli %select_n3A_1042, %mul3A_1043 : i32
      %get3A_1045 = arith.index_cast %add3A_1014 : i32 to index
      %get3A_1046 = arith.index_cast %mul3A_1044 : i32 to index
      %get3A_1047 = tpu.vector_load %arg13[%get3A_1045, %get3A_1046] {strides = array<i32>} : memref<256x128xf32, #tpu.memory_space<vmem>>, vector<1x16xf32>,
      %get3A_1048 = vector.shape_cast %get3A_1047 : vector<1x16xf32> to vector<16xf32>
      %mul3A_1049 = arith.constant 32 : i32
      %mul3A_1050 = arith.muli %add3A_1014, %mul3A_1049 : i32
      %swap3A_1051 = arith.index_cast %mul3A_1050 : i32 to index
      %swap3A_1052 = tpu.vector_load %arg16[%swap3A_1051] {strides = array<i32>} : memref<8192xf32, #tpu.memory_space<vmem>>, vector<16xf32>,
      %swap3A_1053 = vector.shape_cast %swap3A_1052 : vector<16xf32> to vector<16xf32>
      %swap3A_1054 = vector.shape_cast %get3A_1048 : vector<16xf32> to vector<16xf32>
      tpu.vector_store %arg16[%swap3A_1051], %swap3A_1054 {strides = array<i32>} : memref<8192xf32, #tpu.memory_space<vmem>>, vector<16xf32>,
      %add3A_1055 = arith.constant 16 : i32
      %add3A_1056 = arith.addi %mul3A_1044, %add3A_1055 : i32
      %get3A_1057 = arith.index_cast %add3A_1014 : i32 to index
      %get3A_1058 = arith.index_cast %add3A_1056 : i32 to index
      %get3A_1059 = tpu.vector_load %arg13[%get3A_1057, %get3A_1058] {strides = array<i32>} : memref<256x128xf32, #tpu.memory_space<vmem>>, vector<1x16xf32>,
      %get3A_1060 = vector.shape_cast %get3A_1059 : vector<1x16xf32> to vector<16xf32>
      %mul3A_1061 = arith.constant 32 : i32
      %mul3A_1062 = arith.muli %add3A_1014, %mul3A_1061 : i32
      %add3A_1063 = arith.constant 16 : i32
      %add3A_1064 = arith.addi %mul3A_1062, %add3A_1063 : i32
      %swap3A_1065 = arith.index_cast %add3A_1064 : i32 to index
      %swap3A_1066 = tpu.vector_load %arg16[%swap3A_1065] {strides = array<i32>} : memref<8192xf32, #tpu.memory_space<vmem>>, vector<16xf32>,
      %swap3A_1067 = vector.shape_cast %swap3A_1066 : vector<16xf32> to vector<16xf32>
      %swap3A_1068 = vector.shape_cast %get3A_1060 : vector<16xf32> to vector<16xf32>
      tpu.vector_store %arg16[%swap3A_1065], %swap3A_1068 {strides = array<i32>} : memref<8192xf32, #tpu.memory_space<vmem>>, vector<16xf32>,
      %mul3A_1069 = arith.constant 16 : i32
      %mul3A_1070 = arith.muli %scan3A_914, %mul3A_1069 : i32
      %add3A_1071 = arith.constant 2 : i32
      %add3A_1072 = arith.addi %mul3A_1070, %add3A_1071 : i32
      %slice3A_1073 = vector.extract_strided_slice %get3A_954 {offsets = [2], sizes = [1], strides = [1]} : vector<16xi32> to vector<1xi32>
      %squeeze3A_1074 = vector.extract %slice3A_1073[0] : i32 from vector<1xi32>
      %and3A_1075 = arith.constant 2047 : i32
      %and3A_1076 = arith.andi %squeeze3A_1074, %and3A_1075 : i32
      %jit3A_1077 = arith.constant 512 : i32
      %div3A_1078 = arith.divsi %and3A_1076, %jit3A_1077 : i32
      %sign3A_1079 = arith.constant 0 : i32
      %sign3A_1080 = arith.cmpi sgt, %and3A_1076, %sign3A_1079 : i32
      %sign3A_1081 = arith.extui %sign3A_1080 : i1 to i32
      %sign3A_1082 = arith.constant 0 : i32
      %sign3A_1083 = arith.cmpi slt, %and3A_1076, %sign3A_1082 : i32
      %sign3A_1084 = arith.extui %sign3A_1083 : i1 to i32
      %sign3A_1085 = arith.subi %sign3A_1081, %sign3A_1084 : i32
      %sign3A_1086 = arith.constant 0 : i32
      %sign3A_1087 = arith.cmpi sgt, %jit3A_1077, %sign3A_1086 : i32
      %sign3A_1088 = arith.extui %sign3A_1087 : i1 to i32
      %sign3A_1089 = arith.constant 0 : i32
      %sign3A_1090 = arith.cmpi slt, %jit3A_1077, %sign3A_1089 : i32
      %sign3A_1091 = arith.extui %sign3A_1090 : i1 to i32
      %sign3A_1092 = arith.subi %sign3A_1088, %sign3A_1091 : i32
      %ne3A_1093 = arith.cmpi ne, %sign3A_1085, %sign3A_1092 : i32
      %rem3A_1094 = arith.remsi %and3A_1076, %jit3A_1077 : i32
      %ne3A_1095 = arith.constant 0 : i32
      %ne3A_1096 = arith.cmpi ne, %rem3A_1094, %ne3A_1095 : i32
      %and3A_1097 = arith.andi %ne3A_1093, %ne3A_1096 : i1
      %sub3A_1098 = arith.constant 1 : i32
      %sub3A_1099 = arith.subi %div3A_1078, %sub3A_1098 : i32
      %select_n3A_1100 = arith.select %and3A_1097, %sub3A_1099, %div3A_1078 : i32
      %mul3A_1101 = arith.constant 32 : i32
      %mul3A_1102 = arith.muli %select_n3A_1100, %mul3A_1101 : i32
      %get3A_1103 = arith.index_cast %add3A_1072 : i32 to index
      %get3A_1104 = arith.index_cast %mul3A_1102 : i32 to index
      %get3A_1105 = tpu.vector_load %arg13[%get3A_1103, %get3A_1104] {strides = array<i32>} : memref<256x128xf32, #tpu.memory_space<vmem>>, vector<1x16xf32>,
      %get3A_1106 = vector.shape_cast %get3A_1105 : vector<1x16xf32> to vector<16xf32>
      %mul3A_1107 = arith.constant 32 : i32
      %mul3A_1108 = arith.muli %add3A_1072, %mul3A_1107 : i32
      %swap3A_1109 = arith.index_cast %mul3A_1108 : i32 to index
      %swap3A_1110 = tpu.vector_load %arg16[%swap3A_1109] {strides = array<i32>} : memref<8192xf32, #tpu.memory_space<vmem>>, vector<16xf32>,
      %swap3A_1111 = vector.shape_cast %swap3A_1110 : vector<16xf32> to vector<16xf32>
      %swap3A_1112 = vector.shape_cast %get3A_1106 : vector<16xf32> to vector<16xf32>
      tpu.vector_store %arg16[%swap3A_1109], %swap3A_1112 {strides = array<i32>} : memref<8192xf32, #tpu.memory_space<vmem>>, vector<16xf32>,
      %add3A_1113 = arith.constant 16 : i32
      %add3A_1114 = arith.addi %mul3A_1102, %add3A_1113 : i32
      %get3A_1115 = arith.index_cast %add3A_1072 : i32 to index
      %get3A_1116 = arith.index_cast %add3A_1114 : i32 to index
      %get3A_1117 = tpu.vector_load %arg13[%get3A_1115, %get3A_1116] {strides = array<i32>} : memref<256x128xf32, #tpu.memory_space<vmem>>, vector<1x16xf32>,
      %get3A_1118 = vector.shape_cast %get3A_1117 : vector<1x16xf32> to vector<16xf32>
      %mul3A_1119 = arith.constant 32 : i32
      %mul3A_1120 = arith.muli %add3A_1072, %mul3A_1119 : i32
      %add3A_1121 = arith.constant 16 : i32
      %add3A_1122 = arith.addi %mul3A_1120, %add3A_1121 : i32
      %swap3A_1123 = arith.index_cast %add3A_1122 : i32 to index
      %swap3A_1124 = tpu.vector_load %arg16[%swap3A_1123] {strides = array<i32>} : memref<8192xf32, #tpu.memory_space<vmem>>, vector<16xf32>,
      %swap3A_1125 = vector.shape_cast %swap3A_1124 : vector<16xf32> to vector<16xf32>
      %swap3A_1126 = vector.shape_cast %get3A_1118 : vector<16xf32> to vector<16xf32>
      tpu.vector_store %arg16[%swap3A_1123], %swap3A_1126 {strides = array<i32>} : memref<8192xf32, #tpu.memory_space<vmem>>, vector<16xf32>,
      %mul3A_1127 = arith.constant 16 : i32
      %mul3A_1128 = arith.muli %scan3A_914, %mul3A_1127 : i32
      %add3A_1129 = arith.constant 3 : i32
      %add3A_1130 = arith.addi %mul3A_1128, %add3A_1129 : i32
      %slice3A_1131 = vector.extract_strided_slice %get3A_954 {offsets = [3], sizes = [1], strides = [1]} : vector<16xi32> to vector<1xi32>
      %squeeze3A_1132 = vector.extract %slice3A_1131[0] : i32 from vector<1xi32>
      %and3A_1133 = arith.constant 2047 : i32
      %and3A_1134 = arith.andi %squeeze3A_1132, %and3A_1133 : i32
      %jit3A_1135 = arith.constant 512 : i32
      %div3A_1136 = arith.divsi %and3A_1134, %jit3A_1135 : i32
      %sign3A_1137 = arith.constant 0 : i32
      %sign3A_1138 = arith.cmpi sgt, %and3A_1134, %sign3A_1137 : i32
      %sign3A_1139 = arith.extui %sign3A_1138 : i1 to i32
      %sign3A_1140 = arith.constant 0 : i32
      %sign3A_1141 = arith.cmpi slt, %and3A_1134, %sign3A_1140 : i32
      %sign3A_1142 = arith.extui %sign3A_1141 : i1 to i32
      %sign3A_1143 = arith.subi %sign3A_1139, %sign3A_1142 : i32
      %sign3A_1144 = arith.constant 0 : i32
      %sign3A_1145 = arith.cmpi sgt, %jit3A_1135, %sign3A_1144 : i32
      %sign3A_1146 = arith.extui %sign3A_1145 : i1 to i32
      %sign3A_1147 = arith.constant 0 : i32
      %sign3A_1148 = arith.cmpi slt, %jit3A_1135, %sign3A_1147 : i32
      %sign3A_1149 = arith.extui %sign3A_1148 : i1 to i32
      %sign3A_1150 = arith.subi %sign3A_1146, %sign3A_1149 : i32
      %ne3A_1151 = arith.cmpi ne, %sign3A_1143, %sign3A_1150 : i32
      %rem3A_1152 = arith.remsi %and3A_1134, %jit3A_1135 : i32
      %ne3A_1153 = arith.constant 0 : i32
      %ne3A_1154 = arith.cmpi ne, %rem3A_1152, %ne3A_1153 : i32
      %and3A_1155 = arith.andi %ne3A_1151, %ne3A_1154 : i1
      %sub3A_1156 = arith.constant 1 : i32
      %sub3A_1157 = arith.subi %div3A_1136, %sub3A_1156 : i32
      %select_n3A_1158 = arith.select %and3A_1155, %sub3A_1157, %div3A_1136 : i32
      %mul3A_1159 = arith.constant 32 : i32
      %mul3A_1160 = arith.muli %select_n3A_1158, %mul3A_1159 : i32
      %get3A_1161 = arith.index_cast %add3A_1130 : i32 to index
      %get3A_1162 = arith.index_cast %mul3A_1160 : i32 to index
      %get3A_1163 = tpu.vector_load %arg13[%get3A_1161, %get3A_1162] {strides = array<i32>} : memref<256x128xf32, #tpu.memory_space<vmem>>, vector<1x16xf32>,
      %get3A_1164 = vector.shape_cast %get3A_1163 : vector<1x16xf32> to vector<16xf32>
      %mul3A_1165 = arith.constant 32 : i32
      %mul3A_1166 = arith.muli %add3A_1130, %mul3A_1165 : i32
      %swap3A_1167 = arith.index_cast %mul3A_1166 : i32 to index
      %swap3A_1168 = tpu.vector_load %arg16[%swap3A_1167] {strides = array<i32>} : memref<8192xf32, #tpu.memory_space<vmem>>, vector<16xf32>,
      %swap3A_1169 = vector.shape_cast %swap3A_1168 : vector<16xf32> to vector<16xf32>
      %swap3A_1170 = vector.shape_cast %get3A_1164 : vector<16xf32> to vector<16xf32>
      tpu.vector_store %arg16[%swap3A_1167], %swap3A_1170 {strides = array<i32>} : memref<8192xf32, #tpu.memory_space<vmem>>, vector<16xf32>,
      %add3A_1171 = arith.constant 16 : i32
      %add3A_1172 = arith.addi %mul3A_1160, %add3A_1171 : i32
      %get3A_1173 = arith.index_cast %add3A_1130 : i32 to index
      %get3A_1174 = arith.index_cast %add3A_1172 : i32 to index
      %get3A_1175 = tpu.vector_load %arg13[%get3A_1173, %get3A_1174] {strides = array<i32>} : memref<256x128xf32, #tpu.memory_space<vmem>>, vector<1x16xf32>,
      %get3A_1176 = vector.shape_cast %get3A_1175 : vector<1x16xf32> to vector<16xf32>
      %mul3A_1177 = arith.constant 32 : i32
      %mul3A_1178 = arith.muli %add3A_1130, %mul3A_1177 : i32
      %add3A_1179 = arith.constant 16 : i32
      %add3A_1180 = arith.addi %mul3A_1178, %add3A_1179 : i32
      %swap3A_1181 = arith.index_cast %add3A_1180 : i32 to index
      %swap3A_1182 = tpu.vector_load %arg16[%swap3A_1181] {strides = array<i32>} : memref<8192xf32, #tpu.memory_space<vmem>>, vector<16xf32>,
      %swap3A_1183 = vector.shape_cast %swap3A_1182 : vector<16xf32> to vector<16xf32>
      %swap3A_1184 = vector.shape_cast %get3A_1176 : vector<16xf32> to vector<16xf32>
      tpu.vector_store %arg16[%swap3A_1181], %swap3A_1184 {strides = array<i32>} : memref<8192xf32, #tpu.memory_space<vmem>>, vector<16xf32>,
      %mul3A_1185 = arith.constant 16 : i32
      %mul3A_1186 = arith.muli %scan3A_914, %mul3A_1185 : i32
      %add3A_1187 = arith.constant 4 : i32
      %add3A_1188 = arith.addi %mul3A_1186, %add3A_1187 : i32
      %slice3A_1189 = vector.extract_strided_slice %get3A_954 {offsets = [4], sizes = [1], strides = [1]} : vector<16xi32> to vector<1xi32>
      %squeeze3A_1190 = vector.extract %slice3A_1189[0] : i32 from vector<1xi32>
      %and3A_1191 = arith.constant 2047 : i32
      %and3A_1192 = arith.andi %squeeze3A_1190, %and3A_1191 : i32
      %jit3A_1193 = arith.constant 512 : i32
      %div3A_1194 = arith.divsi %and3A_1192, %jit3A_1193 : i32
      %sign3A_1195 = arith.constant 0 : i32
      %sign3A_1196 = arith.cmpi sgt, %and3A_1192, %sign3A_1195 : i32
      %sign3A_1197 = arith.extui %sign3A_1196 : i1 to i32
      %sign3A_1198 = arith.constant 0 : i32
      %sign3A_1199 = arith.cmpi slt, %and3A_1192, %sign3A_1198 : i32
      %sign3A_1200 = arith.extui %sign3A_1199 : i1 to i32
      %sign3A_1201 = arith.subi %sign3A_1197, %sign3A_1200 : i32
      %sign3A_1202 = arith.constant 0 : i32
      %sign3A_1203 = arith.cmpi sgt, %jit3A_1193, %sign3A_1202 : i32
      %sign3A_1204 = arith.extui %sign3A_1203 : i1 to i32
      %sign3A_1205 = arith.constant 0 : i32
      %sign3A_1206 = arith.cmpi slt, %jit3A_1193, %sign3A_1205 : i32
      %sign3A_1207 = arith.extui %sign3A_1206 : i1 to i32
      %sign3A_1208 = arith.subi %sign3A_1204, %sign3A_1207 : i32
      %ne3A_1209 = arith.cmpi ne, %sign3A_1201, %sign3A_1208 : i32
      %rem3A_1210 = arith.remsi %and3A_1192, %jit3A_1193 : i32
      %ne3A_1211 = arith.constant 0 : i32
      %ne3A_1212 = arith.cmpi ne, %rem3A_1210, %ne3A_1211 : i32
      %and3A_1213 = arith.andi %ne3A_1209, %ne3A_1212 : i1
      %sub3A_1214 = arith.constant 1 : i32
      %sub3A_1215 = arith.subi %div3A_1194, %sub3A_1214 : i32
      %select_n3A_1216 = arith.select %and3A_1213, %sub3A_1215, %div3A_1194 : i32
      %mul3A_1217 = arith.constant 32 : i32
      %mul3A_1218 = arith.muli %select_n3A_1216, %mul3A_1217 : i32
      %get3A_1219 = arith.index_cast %add3A_1188 : i32 to index
      %get3A_1220 = arith.index_cast %mul3A_1218 : i32 to index
      %get3A_1221 = tpu.vector_load %arg13[%get3A_1219, %get3A_1220] {strides = array<i32>} : memref<256x128xf32, #tpu.memory_space<vmem>>, vector<1x16xf32>,
      %get3A_1222 = vector.shape_cast %get3A_1221 : vector<1x16xf32> to vector<16xf32>
      %mul3A_1223 = arith.constant 32 : i32
      %mul3A_1224 = arith.muli %add3A_1188, %mul3A_1223 : i32
      %swap3A_1225 = arith.index_cast %mul3A_1224 : i32 to index
      %swap3A_1226 = tpu.vector_load %arg16[%swap3A_1225] {strides = array<i32>} : memref<8192xf32, #tpu.memory_space<vmem>>, vector<16xf32>,
      %swap3A_1227 = vector.shape_cast %swap3A_1226 : vector<16xf32> to vector<16xf32>
      %swap3A_1228 = vector.shape_cast %get3A_1222 : vector<16xf32> to vector<16xf32>
      tpu.vector_store %arg16[%swap3A_1225], %swap3A_1228 {strides = array<i32>} : memref<8192xf32, #tpu.memory_space<vmem>>, vector<16xf32>,
      %add3A_1229 = arith.constant 16 : i32
      %add3A_1230 = arith.addi %mul3A_1218, %add3A_1229 : i32
      %get3A_1231 = arith.index_cast %add3A_1188 : i32 to index
      %get3A_1232 = arith.index_cast %add3A_1230 : i32 to index
      %get3A_1233 = tpu.vector_load %arg13[%get3A_1231, %get3A_1232] {strides = array<i32>} : memref<256x128xf32, #tpu.memory_space<vmem>>, vector<1x16xf32>,
      %get3A_1234 = vector.shape_cast %get3A_1233 : vector<1x16xf32> to vector<16xf32>
      %mul3A_1235 = arith.constant 32 : i32
      %mul3A_1236 = arith.muli %add3A_1188, %mul3A_1235 : i32
      %add3A_1237 = arith.constant 16 : i32
      %add3A_1238 = arith.addi %mul3A_1236, %add3A_1237 : i32
      %swap3A_1239 = arith.index_cast %add3A_1238 : i32 to index
      %swap3A_1240 = tpu.vector_load %arg16[%swap3A_1239] {strides = array<i32>} : memref<8192xf32, #tpu.memory_space<vmem>>, vector<16xf32>,
      %swap3A_1241 = vector.shape_cast %swap3A_1240 : vector<16xf32> to vector<16xf32>
      %swap3A_1242 = vector.shape_cast %get3A_1234 : vector<16xf32> to vector<16xf32>
      tpu.vector_store %arg16[%swap3A_1239], %swap3A_1242 {strides = array<i32>} : memref<8192xf32, #tpu.memory_space<vmem>>, vector<16xf32>,
      %mul3A_1243 = arith.constant 16 : i32
      %mul3A_1244 = arith.muli %scan3A_914, %mul3A_1243 : i32
      %add3A_1245 = arith.constant 5 : i32
      %add3A_1246 = arith.addi %mul3A_1244, %add3A_1245 : i32
      %slice3A_1247 = vector.extract_strided_slice %get3A_954 {offsets = [5], sizes = [1], strides = [1]} : vector<16xi32> to vector<1xi32>
      %squeeze3A_1248 = vector.extract %slice3A_1247[0] : i32 from vector<1xi32>
      %and3A_1249 = arith.constant 2047 : i32
      %and3A_1250 = arith.andi %squeeze3A_1248, %and3A_1249 : i32
      %jit3A_1251 = arith.constant 512 : i32
      %div3A_1252 = arith.divsi %and3A_1250, %jit3A_1251 : i32
      %sign3A_1253 = arith.constant 0 : i32
      %sign3A_1254 = arith.cmpi sgt, %and3A_1250, %sign3A_1253 : i32
      %sign3A_1255 = arith.extui %sign3A_1254 : i1 to i32
      %sign3A_1256 = arith.constant 0 : i32
      %sign3A_1257 = arith.cmpi slt, %and3A_1250, %sign3A_1256 : i32
      %sign3A_1258 = arith.extui %sign3A_1257 : i1 to i32
      %sign3A_1259 = arith.subi %sign3A_1255, %sign3A_1258 : i32
      %sign3A_1260 = arith.constant 0 : i32
      %sign3A_1261 = arith.cmpi sgt, %jit3A_1251, %sign3A_1260 : i32
      %sign3A_1262 = arith.extui %sign3A_1261 : i1 to i32
      %sign3A_1263 = arith.constant 0 : i32
      %sign3A_1264 = arith.cmpi slt, %jit3A_1251, %sign3A_1263 : i32
      %sign3A_1265 = arith.extui %sign3A_1264 : i1 to i32
      %sign3A_1266 = arith.subi %sign3A_1262, %sign3A_1265 : i32
      %ne3A_1267 = arith.cmpi ne, %sign3A_1259, %sign3A_1266 : i32
      %rem3A_1268 = arith.remsi %and3A_1250, %jit3A_1251 : i32
      %ne3A_1269 = arith.constant 0 : i32
      %ne3A_1270 = arith.cmpi ne, %rem3A_1268, %ne3A_1269 : i32
      %and3A_1271 = arith.andi %ne3A_1267, %ne3A_1270 : i1
      %sub3A_1272 = arith.constant 1 : i32
      %sub3A_1273 = arith.subi %div3A_1252, %sub3A_1272 : i32
      %select_n3A_1274 = arith.select %and3A_1271, %sub3A_1273, %div3A_1252 : i32
      %mul3A_1275 = arith.constant 32 : i32
      %mul3A_1276 = arith.muli %select_n3A_1274, %mul3A_1275 : i32
      %get3A_1277 = arith.index_cast %add3A_1246 : i32 to index
      %get3A_1278 = arith.index_cast %mul3A_1276 : i32 to index
      %get3A_1279 = tpu.vector_load %arg13[%get3A_1277, %get3A_1278] {strides = array<i32>} : memref<256x128xf32, #tpu.memory_space<vmem>>, vector<1x16xf32>,
      %get3A_1280 = vector.shape_cast %get3A_1279 : vector<1x16xf32> to vector<16xf32>
      %mul3A_1281 = arith.constant 32 : i32
      %mul3A_1282 = arith.muli %add3A_1246, %mul3A_1281 : i32
      %swap3A_1283 = arith.index_cast %mul3A_1282 : i32 to index
      %swap3A_1284 = tpu.vector_load %arg16[%swap3A_1283] {strides = array<i32>} : memref<8192xf32, #tpu.memory_space<vmem>>, vector<16xf32>,
      %swap3A_1285 = vector.shape_cast %swap3A_1284 : vector<16xf32> to vector<16xf32>
      %swap3A_1286 = vector.shape_cast %get3A_1280 : vector<16xf32> to vector<16xf32>
      tpu.vector_store %arg16[%swap3A_1283], %swap3A_1286 {strides = array<i32>} : memref<8192xf32, #tpu.memory_space<vmem>>, vector<16xf32>,
      %add3A_1287 = arith.constant 16 : i32
      %add3A_1288 = arith.addi %mul3A_1276, %add3A_1287 : i32
      %get3A_1289 = arith.index_cast %add3A_1246 : i32 to index
      %get3A_1290 = arith.index_cast %add3A_1288 : i32 to index
      %get3A_1291 = tpu.vector_load %arg13[%get3A_1289, %get3A_1290] {strides = array<i32>} : memref<256x128xf32, #tpu.memory_space<vmem>>, vector<1x16xf32>,
      %get3A_1292 = vector.shape_cast %get3A_1291 : vector<1x16xf32> to vector<16xf32>
      %mul3A_1293 = arith.constant 32 : i32
      %mul3A_1294 = arith.muli %add3A_1246, %mul3A_1293 : i32
      %add3A_1295 = arith.constant 16 : i32
      %add3A_1296 = arith.addi %mul3A_1294, %add3A_1295 : i32
      %swap3A_1297 = arith.index_cast %add3A_1296 : i32 to index
      %swap3A_1298 = tpu.vector_load %arg16[%swap3A_1297] {strides = array<i32>} : memref<8192xf32, #tpu.memory_space<vmem>>, vector<16xf32>,
      %swap3A_1299 = vector.shape_cast %swap3A_1298 : vector<16xf32> to vector<16xf32>
      %swap3A_1300 = vector.shape_cast %get3A_1292 : vector<16xf32> to vector<16xf32>
      tpu.vector_store %arg16[%swap3A_1297], %swap3A_1300 {strides = array<i32>} : memref<8192xf32, #tpu.memory_space<vmem>>, vector<16xf32>,
      %mul3A_1301 = arith.constant 16 : i32
      %mul3A_1302 = arith.muli %scan3A_914, %mul3A_1301 : i32
      %add3A_1303 = arith.constant 6 : i32
      %add3A_1304 = arith.addi %mul3A_1302, %add3A_1303 : i32
      %slice3A_1305 = vector.extract_strided_slice %get3A_954 {offsets = [6], sizes = [1], strides = [1]} : vector<16xi32> to vector<1xi32>
      %squeeze3A_1306 = vector.extract %slice3A_1305[0] : i32 from vector<1xi32>
      %and3A_1307 = arith.constant 2047 : i32
      %and3A_1308 = arith.andi %squeeze3A_1306, %and3A_1307 : i32
      %jit3A_1309 = arith.constant 512 : i32
      %div3A_1310 = arith.divsi %and3A_1308, %jit3A_1309 : i32
      %sign3A_1311 = arith.constant 0 : i32
      %sign3A_1312 = arith.cmpi sgt, %and3A_1308, %sign3A_1311 : i32
      %sign3A_1313 = arith.extui %sign3A_1312 : i1 to i32
      %sign3A_1314 = arith.constant 0 : i32
      %sign3A_1315 = arith.cmpi slt, %and3A_1308, %sign3A_1314 : i32
      %sign3A_1316 = arith.extui %sign3A_1315 : i1 to i32
      %sign3A_1317 = arith.subi %sign3A_1313, %sign3A_1316 : i32
      %sign3A_1318 = arith.constant 0 : i32
      %sign3A_1319 = arith.cmpi sgt, %jit3A_1309, %sign3A_1318 : i32
      %sign3A_1320 = arith.extui %sign3A_1319 : i1 to i32
      %sign3A_1321 = arith.constant 0 : i32
      %sign3A_1322 = arith.cmpi slt, %jit3A_1309, %sign3A_1321 : i32
      %sign3A_1323 = arith.extui %sign3A_1322 : i1 to i32
      %sign3A_1324 = arith.subi %sign3A_1320, %sign3A_1323 : i32
      %ne3A_1325 = arith.cmpi ne, %sign3A_1317, %sign3A_1324 : i32
      %rem3A_1326 = arith.remsi %and3A_1308, %jit3A_1309 : i32
      %ne3A_1327 = arith.constant 0 : i32
      %ne3A_1328 = arith.cmpi ne, %rem3A_1326, %ne3A_1327 : i32
      %and3A_1329 = arith.andi %ne3A_1325, %ne3A_1328 : i1
      %sub3A_1330 = arith.constant 1 : i32
      %sub3A_1331 = arith.subi %div3A_1310, %sub3A_1330 : i32
      %select_n3A_1332 = arith.select %and3A_1329, %sub3A_1331, %div3A_1310 : i32
      %mul3A_1333 = arith.constant 32 : i32
      %mul3A_1334 = arith.muli %select_n3A_1332, %mul3A_1333 : i32
      %get3A_1335 = arith.index_cast %add3A_1304 : i32 to index
      %get3A_1336 = arith.index_cast %mul3A_1334 : i32 to index
      %get3A_1337 = tpu.vector_load %arg13[%get3A_1335, %get3A_1336] {strides = array<i32>} : memref<256x128xf32, #tpu.memory_space<vmem>>, vector<1x16xf32>,
      %get3A_1338 = vector.shape_cast %get3A_1337 : vector<1x16xf32> to vector<16xf32>
      %mul3A_1339 = arith.constant 32 : i32
      %mul3A_1340 = arith.muli %add3A_1304, %mul3A_1339 : i32
      %swap3A_1341 = arith.index_cast %mul3A_1340 : i32 to index
      %swap3A_1342 = tpu.vector_load %arg16[%swap3A_1341] {strides = array<i32>} : memref<8192xf32, #tpu.memory_space<vmem>>, vector<16xf32>,
      %swap3A_1343 = vector.shape_cast %swap3A_1342 : vector<16xf32> to vector<16xf32>
      %swap3A_1344 = vector.shape_cast %get3A_1338 : vector<16xf32> to vector<16xf32>
      tpu.vector_store %arg16[%swap3A_1341], %swap3A_1344 {strides = array<i32>} : memref<8192xf32, #tpu.memory_space<vmem>>, vector<16xf32>,
      %add3A_1345 = arith.constant 16 : i32
      %add3A_1346 = arith.addi %mul3A_1334, %add3A_1345 : i32
      %get3A_1347 = arith.index_cast %add3A_1304 : i32 to index
      %get3A_1348 = arith.index_cast %add3A_1346 : i32 to index
      %get3A_1349 = tpu.vector_load %arg13[%get3A_1347, %get3A_1348] {strides = array<i32>} : memref<256x128xf32, #tpu.memory_space<vmem>>, vector<1x16xf32>,
      %get3A_1350 = vector.shape_cast %get3A_1349 : vector<1x16xf32> to vector<16xf32>
      %mul3A_1351 = arith.constant 32 : i32
      %mul3A_1352 = arith.muli %add3A_1304, %mul3A_1351 : i32
      %add3A_1353 = arith.constant 16 : i32
      %add3A_1354 = arith.addi %mul3A_1352, %add3A_1353 : i32
      %swap3A_1355 = arith.index_cast %add3A_1354 : i32 to index
      %swap3A_1356 = tpu.vector_load %arg16[%swap3A_1355] {strides = array<i32>} : memref<8192xf32, #tpu.memory_space<vmem>>, vector<16xf32>,
      %swap3A_1357 = vector.shape_cast %swap3A_1356 : vector<16xf32> to vector<16xf32>
      %swap3A_1358 = vector.shape_cast %get3A_1350 : vector<16xf32> to vector<16xf32>
      tpu.vector_store %arg16[%swap3A_1355], %swap3A_1358 {strides = array<i32>} : memref<8192xf32, #tpu.memory_space<vmem>>, vector<16xf32>,
      %mul3A_1359 = arith.constant 16 : i32
      %mul3A_1360 = arith.muli %scan3A_914, %mul3A_1359 : i32
      %add3A_1361 = arith.constant 7 : i32
      %add3A_1362 = arith.addi %mul3A_1360, %add3A_1361 : i32
      %slice3A_1363 = vector.extract_strided_slice %get3A_954 {offsets = [7], sizes = [1], strides = [1]} : vector<16xi32> to vector<1xi32>
      %squeeze3A_1364 = vector.extract %slice3A_1363[0] : i32 from vector<1xi32>
      %and3A_1365 = arith.constant 2047 : i32
      %and3A_1366 = arith.andi %squeeze3A_1364, %and3A_1365 : i32
      %jit3A_1367 = arith.constant 512 : i32
      %div3A_1368 = arith.divsi %and3A_1366, %jit3A_1367 : i32
      %sign3A_1369 = arith.constant 0 : i32
      %sign3A_1370 = arith.cmpi sgt, %and3A_1366, %sign3A_1369 : i32
      %sign3A_1371 = arith.extui %sign3A_1370 : i1 to i32
      %sign3A_1372 = arith.constant 0 : i32
      %sign3A_1373 = arith.cmpi slt, %and3A_1366, %sign3A_1372 : i32
      %sign3A_1374 = arith.extui %sign3A_1373 : i1 to i32
      %sign3A_1375 = arith.subi %sign3A_1371, %sign3A_1374 : i32
      %sign3A_1376 = arith.constant 0 : i32
      %sign3A_1377 = arith.cmpi sgt, %jit3A_1367, %sign3A_1376 : i32
      %sign3A_1378 = arith.extui %sign3A_1377 : i1 to i32
      %sign3A_1379 = arith.constant 0 : i32
      %sign3A_1380 = arith.cmpi slt, %jit3A_1367, %sign3A_1379 : i32
      %sign3A_1381 = arith.extui %sign3A_1380 : i1 to i32
      %sign3A_1382 = arith.subi %sign3A_1378, %sign3A_1381 : i32
      %ne3A_1383 = arith.cmpi ne, %sign3A_1375, %sign3A_1382 : i32
      %rem3A_1384 = arith.remsi %and3A_1366, %jit3A_1367 : i32
      %ne3A_1385 = arith.constant 0 : i32
      %ne3A_1386 = arith.cmpi ne, %rem3A_1384, %ne3A_1385 : i32
      %and3A_1387 = arith.andi %ne3A_1383, %ne3A_1386 : i1
      %sub3A_1388 = arith.constant 1 : i32
      %sub3A_1389 = arith.subi %div3A_1368, %sub3A_1388 : i32
      %select_n3A_1390 = arith.select %and3A_1387, %sub3A_1389, %div3A_1368 : i32
      %mul3A_1391 = arith.constant 32 : i32
      %mul3A_1392 = arith.muli %select_n3A_1390, %mul3A_1391 : i32
      %get3A_1393 = arith.index_cast %add3A_1362 : i32 to index
      %get3A_1394 = arith.index_cast %mul3A_1392 : i32 to index
      %get3A_1395 = tpu.vector_load %arg13[%get3A_1393, %get3A_1394] {strides = array<i32>} : memref<256x128xf32, #tpu.memory_space<vmem>>, vector<1x16xf32>,
      %get3A_1396 = vector.shape_cast %get3A_1395 : vector<1x16xf32> to vector<16xf32>
      %mul3A_1397 = arith.constant 32 : i32
      %mul3A_1398 = arith.muli %add3A_1362, %mul3A_1397 : i32
      %swap3A_1399 = arith.index_cast %mul3A_1398 : i32 to index
      %swap3A_1400 = tpu.vector_load %arg16[%swap3A_1399] {strides = array<i32>} : memref<8192xf32, #tpu.memory_space<vmem>>, vector<16xf32>,
      %swap3A_1401 = vector.shape_cast %swap3A_1400 : vector<16xf32> to vector<16xf32>
      %swap3A_1402 = vector.shape_cast %get3A_1396 : vector<16xf32> to vector<16xf32>
      tpu.vector_store %arg16[%swap3A_1399], %swap3A_1402 {strides = array<i32>} : memref<8192xf32, #tpu.memory_space<vmem>>, vector<16xf32>,
      %add3A_1403 = arith.constant 16 : i32
      %add3A_1404 = arith.addi %mul3A_1392, %add3A_1403 : i32
      %get3A_1405 = arith.index_cast %add3A_1362 : i32 to index
      %get3A_1406 = arith.index_cast %add3A_1404 : i32 to index
      %get3A_1407 = tpu.vector_load %arg13[%get3A_1405, %get3A_1406] {strides = array<i32>} : memref<256x128xf32, #tpu.memory_space<vmem>>, vector<1x16xf32>,
      %get3A_1408 = vector.shape_cast %get3A_1407 : vector<1x16xf32> to vector<16xf32>
      %mul3A_1409 = arith.constant 32 : i32
      %mul3A_1410 = arith.muli %add3A_1362, %mul3A_1409 : i32
      %add3A_1411 = arith.constant 16 : i32
      %add3A_1412 = arith.addi %mul3A_1410, %add3A_1411 : i32
      %swap3A_1413 = arith.index_cast %add3A_1412 : i32 to index
      %swap3A_1414 = tpu.vector_load %arg16[%swap3A_1413] {strides = array<i32>} : memref<8192xf32, #tpu.memory_space<vmem>>, vector<16xf32>,
      %swap3A_1415 = vector.shape_cast %swap3A_1414 : vector<16xf32> to vector<16xf32>
      %swap3A_1416 = vector.shape_cast %get3A_1408 : vector<16xf32> to vector<16xf32>
      tpu.vector_store %arg16[%swap3A_1413], %swap3A_1416 {strides = array<i32>} : memref<8192xf32, #tpu.memory_space<vmem>>, vector<16xf32>,
      %mul3A_1417 = arith.constant 16 : i32
      %mul3A_1418 = arith.muli %scan3A_914, %mul3A_1417 : i32
      %add3A_1419 = arith.constant 8 : i32
      %add3A_1420 = arith.addi %mul3A_1418, %add3A_1419 : i32
      %slice3A_1421 = vector.extract_strided_slice %get3A_954 {offsets = [8], sizes = [1], strides = [1]} : vector<16xi32> to vector<1xi32>
      %squeeze3A_1422 = vector.extract %slice3A_1421[0] : i32 from vector<1xi32>
      %and3A_1423 = arith.constant 2047 : i32
      %and3A_1424 = arith.andi %squeeze3A_1422, %and3A_1423 : i32
      %jit3A_1425 = arith.constant 512 : i32
      %div3A_1426 = arith.divsi %and3A_1424, %jit3A_1425 : i32
      %sign3A_1427 = arith.constant 0 : i32
      %sign3A_1428 = arith.cmpi sgt, %and3A_1424, %sign3A_1427 : i32
      %sign3A_1429 = arith.extui %sign3A_1428 : i1 to i32
      %sign3A_1430 = arith.constant 0 : i32
      %sign3A_1431 = arith.cmpi slt, %and3A_1424, %sign3A_1430 : i32
      %sign3A_1432 = arith.extui %sign3A_1431 : i1 to i32
      %sign3A_1433 = arith.subi %sign3A_1429, %sign3A_1432 : i32
      %sign3A_1434 = arith.constant 0 : i32
      %sign3A_1435 = arith.cmpi sgt, %jit3A_1425, %sign3A_1434 : i32
      %sign3A_1436 = arith.extui %sign3A_1435 : i1 to i32
      %sign3A_1437 = arith.constant 0 : i32
      %sign3A_1438 = arith.cmpi slt, %jit3A_1425, %sign3A_1437 : i32
      %sign3A_1439 = arith.extui %sign3A_1438 : i1 to i32
      %sign3A_1440 = arith.subi %sign3A_1436, %sign3A_1439 : i32
      %ne3A_1441 = arith.cmpi ne, %sign3A_1433, %sign3A_1440 : i32
      %rem3A_1442 = arith.remsi %and3A_1424, %jit3A_1425 : i32
      %ne3A_1443 = arith.constant 0 : i32
      %ne3A_1444 = arith.cmpi ne, %rem3A_1442, %ne3A_1443 : i32
      %and3A_1445 = arith.andi %ne3A_1441, %ne3A_1444 : i1
      %sub3A_1446 = arith.constant 1 : i32
      %sub3A_1447 = arith.subi %div3A_1426, %sub3A_1446 : i32
      %select_n3A_1448 = arith.select %and3A_1445, %sub3A_1447, %div3A_1426 : i32
      %mul3A_1449 = arith.constant 32 : i32
      %mul3A_1450 = arith.muli %select_n3A_1448, %mul3A_1449 : i32
      %get3A_1451 = arith.index_cast %add3A_1420 : i32 to index
      %get3A_1452 = arith.index_cast %mul3A_1450 : i32 to index
      %get3A_1453 = tpu.vector_load %arg13[%get3A_1451, %get3A_1452] {strides = array<i32>} : memref<256x128xf32, #tpu.memory_space<vmem>>, vector<1x16xf32>,
      %get3A_1454 = vector.shape_cast %get3A_1453 : vector<1x16xf32> to vector<16xf32>
      %mul3A_1455 = arith.constant 32 : i32
      %mul3A_1456 = arith.muli %add3A_1420, %mul3A_1455 : i32
      %swap3A_1457 = arith.index_cast %mul3A_1456 : i32 to index
      %swap3A_1458 = tpu.vector_load %arg16[%swap3A_1457] {strides = array<i32>} : memref<8192xf32, #tpu.memory_space<vmem>>, vector<16xf32>,
      %swap3A_1459 = vector.shape_cast %swap3A_1458 : vector<16xf32> to vector<16xf32>
      %swap3A_1460 = vector.shape_cast %get3A_1454 : vector<16xf32> to vector<16xf32>
      tpu.vector_store %arg16[%swap3A_1457], %swap3A_1460 {strides = array<i32>} : memref<8192xf32, #tpu.memory_space<vmem>>, vector<16xf32>,
      %add3A_1461 = arith.constant 16 : i32
      %add3A_1462 = arith.addi %mul3A_1450, %add3A_1461 : i32
      %get3A_1463 = arith.index_cast %add3A_1420 : i32 to index
      %get3A_1464 = arith.index_cast %add3A_1462 : i32 to index
      %get3A_1465 = tpu.vector_load %arg13[%get3A_1463, %get3A_1464] {strides = array<i32>} : memref<256x128xf32, #tpu.memory_space<vmem>>, vector<1x16xf32>,
      %get3A_1466 = vector.shape_cast %get3A_1465 : vector<1x16xf32> to vector<16xf32>
      %mul3A_1467 = arith.constant 32 : i32
      %mul3A_1468 = arith.muli %add3A_1420, %mul3A_1467 : i32
      %add3A_1469 = arith.constant 16 : i32
      %add3A_1470 = arith.addi %mul3A_1468, %add3A_1469 : i32
      %swap3A_1471 = arith.index_cast %add3A_1470 : i32 to index
      %swap3A_1472 = tpu.vector_load %arg16[%swap3A_1471] {strides = array<i32>} : memref<8192xf32, #tpu.memory_space<vmem>>, vector<16xf32>,
      %swap3A_1473 = vector.shape_cast %swap3A_1472 : vector<16xf32> to vector<16xf32>
      %swap3A_1474 = vector.shape_cast %get3A_1466 : vector<16xf32> to vector<16xf32>
      tpu.vector_store %arg16[%swap3A_1471], %swap3A_1474 {strides = array<i32>} : memref<8192xf32, #tpu.memory_space<vmem>>, vector<16xf32>,
      %mul3A_1475 = arith.constant 16 : i32
      %mul3A_1476 = arith.muli %scan3A_914, %mul3A_1475 : i32
      %add3A_1477 = arith.constant 9 : i32
      %add3A_1478 = arith.addi %mul3A_1476, %add3A_1477 : i32
      %slice3A_1479 = vector.extract_strided_slice %get3A_954 {offsets = [9], sizes = [1], strides = [1]} : vector<16xi32> to vector<1xi32>
      %squeeze3A_1480 = vector.extract %slice3A_1479[0] : i32 from vector<1xi32>
      %and3A_1481 = arith.constant 2047 : i32
      %and3A_1482 = arith.andi %squeeze3A_1480, %and3A_1481 : i32
      %jit3A_1483 = arith.constant 512 : i32
      %div3A_1484 = arith.divsi %and3A_1482, %jit3A_1483 : i32
      %sign3A_1485 = arith.constant 0 : i32
      %sign3A_1486 = arith.cmpi sgt, %and3A_1482, %sign3A_1485 : i32
      %sign3A_1487 = arith.extui %sign3A_1486 : i1 to i32
      %sign3A_1488 = arith.constant 0 : i32
      %sign3A_1489 = arith.cmpi slt, %and3A_1482, %sign3A_1488 : i32
      %sign3A_1490 = arith.extui %sign3A_1489 : i1 to i32
      %sign3A_1491 = arith.subi %sign3A_1487, %sign3A_1490 : i32
      %sign3A_1492 = arith.constant 0 : i32
      %sign3A_1493 = arith.cmpi sgt, %jit3A_1483, %sign3A_1492 : i32
      %sign3A_1494 = arith.extui %sign3A_1493 : i1 to i32
      %sign3A_1495 = arith.constant 0 : i32
      %sign3A_1496 = arith.cmpi slt, %jit3A_1483, %sign3A_1495 : i32
      %sign3A_1497 = arith.extui %sign3A_1496 : i1 to i32
      %sign3A_1498 = arith.subi %sign3A_1494, %sign3A_1497 : i32
      %ne3A_1499 = arith.cmpi ne, %sign3A_1491, %sign3A_1498 : i32
      %rem3A_1500 = arith.remsi %and3A_1482, %jit3A_1483 : i32
      %ne3A_1501 = arith.constant 0 : i32
      %ne3A_1502 = arith.cmpi ne, %rem3A_1500, %ne3A_1501 : i32
      %and3A_1503 = arith.andi %ne3A_1499, %ne3A_1502 : i1
      %sub3A_1504 = arith.constant 1 : i32
      %sub3A_1505 = arith.subi %div3A_1484, %sub3A_1504 : i32
      %select_n3A_1506 = arith.select %and3A_1503, %sub3A_1505, %div3A_1484 : i32
      %mul3A_1507 = arith.constant 32 : i32
      %mul3A_1508 = arith.muli %select_n3A_1506, %mul3A_1507 : i32
      %get3A_1509 = arith.index_cast %add3A_1478 : i32 to index
      %get3A_1510 = arith.index_cast %mul3A_1508 : i32 to index
      %get3A_1511 = tpu.vector_load %arg13[%get3A_1509, %get3A_1510] {strides = array<i32>} : memref<256x128xf32, #tpu.memory_space<vmem>>, vector<1x16xf32>,
      %get3A_1512 = vector.shape_cast %get3A_1511 : vector<1x16xf32> to vector<16xf32>
      %mul3A_1513 = arith.constant 32 : i32
      %mul3A_1514 = arith.muli %add3A_1478, %mul3A_1513 : i32
      %swap3A_1515 = arith.index_cast %mul3A_1514 : i32 to index
      %swap3A_1516 = tpu.vector_load %arg16[%swap3A_1515] {strides = array<i32>} : memref<8192xf32, #tpu.memory_space<vmem>>, vector<16xf32>,
      %swap3A_1517 = vector.shape_cast %swap3A_1516 : vector<16xf32> to vector<16xf32>
      %swap3A_1518 = vector.shape_cast %get3A_1512 : vector<16xf32> to vector<16xf32>
      tpu.vector_store %arg16[%swap3A_1515], %swap3A_1518 {strides = array<i32>} : memref<8192xf32, #tpu.memory_space<vmem>>, vector<16xf32>,
      %add3A_1519 = arith.constant 16 : i32
      %add3A_1520 = arith.addi %mul3A_1508, %add3A_1519 : i32
      %get3A_1521 = arith.index_cast %add3A_1478 : i32 to index
      %get3A_1522 = arith.index_cast %add3A_1520 : i32 to index
      %get3A_1523 = tpu.vector_load %arg13[%get3A_1521, %get3A_1522] {strides = array<i32>} : memref<256x128xf32, #tpu.memory_space<vmem>>, vector<1x16xf32>,
      %get3A_1524 = vector.shape_cast %get3A_1523 : vector<1x16xf32> to vector<16xf32>
      %mul3A_1525 = arith.constant 32 : i32
      %mul3A_1526 = arith.muli %add3A_1478, %mul3A_1525 : i32
      %add3A_1527 = arith.constant 16 : i32
      %add3A_1528 = arith.addi %mul3A_1526, %add3A_1527 : i32
      %swap3A_1529 = arith.index_cast %add3A_1528 : i32 to index
      %swap3A_1530 = tpu.vector_load %arg16[%swap3A_1529] {strides = array<i32>} : memref<8192xf32, #tpu.memory_space<vmem>>, vector<16xf32>,
      %swap3A_1531 = vector.shape_cast %swap3A_1530 : vector<16xf32> to vector<16xf32>
      %swap3A_1532 = vector.shape_cast %get3A_1524 : vector<16xf32> to vector<16xf32>
      tpu.vector_store %arg16[%swap3A_1529], %swap3A_1532 {strides = array<i32>} : memref<8192xf32, #tpu.memory_space<vmem>>, vector<16xf32>,
      %mul3A_1533 = arith.constant 16 : i32
      %mul3A_1534 = arith.muli %scan3A_914, %mul3A_1533 : i32
      %add3A_1535 = arith.constant 10 : i32
      %add3A_1536 = arith.addi %mul3A_1534, %add3A_1535 : i32
      %slice3A_1537 = vector.extract_strided_slice %get3A_954 {offsets = [10], sizes = [1], strides = [1]} : vector<16xi32> to vector<1xi32>
      %squeeze3A_1538 = vector.extract %slice3A_1537[0] : i32 from vector<1xi32>
      %and3A_1539 = arith.constant 2047 : i32
      %and3A_1540 = arith.andi %squeeze3A_1538, %and3A_1539 : i32
      %jit3A_1541 = arith.constant 512 : i32
      %div3A_1542 = arith.divsi %and3A_1540, %jit3A_1541 : i32
      %sign3A_1543 = arith.constant 0 : i32
      %sign3A_1544 = arith.cmpi sgt, %and3A_1540, %sign3A_1543 : i32
      %sign3A_1545 = arith.extui %sign3A_1544 : i1 to i32
      %sign3A_1546 = arith.constant 0 : i32
      %sign3A_1547 = arith.cmpi slt, %and3A_1540, %sign3A_1546 : i32
      %sign3A_1548 = arith.extui %sign3A_1547 : i1 to i32
      %sign3A_1549 = arith.subi %sign3A_1545, %sign3A_1548 : i32
      %sign3A_1550 = arith.constant 0 : i32
      %sign3A_1551 = arith.cmpi sgt, %jit3A_1541, %sign3A_1550 : i32
      %sign3A_1552 = arith.extui %sign3A_1551 : i1 to i32
      %sign3A_1553 = arith.constant 0 : i32
      %sign3A_1554 = arith.cmpi slt, %jit3A_1541, %sign3A_1553 : i32
      %sign3A_1555 = arith.extui %sign3A_1554 : i1 to i32
      %sign3A_1556 = arith.subi %sign3A_1552, %sign3A_1555 : i32
      %ne3A_1557 = arith.cmpi ne, %sign3A_1549, %sign3A_1556 : i32
      %rem3A_1558 = arith.remsi %and3A_1540, %jit3A_1541 : i32
      %ne3A_1559 = arith.constant 0 : i32
      %ne3A_1560 = arith.cmpi ne, %rem3A_1558, %ne3A_1559 : i32
      %and3A_1561 = arith.andi %ne3A_1557, %ne3A_1560 : i1
      %sub3A_1562 = arith.constant 1 : i32
      %sub3A_1563 = arith.subi %div3A_1542, %sub3A_1562 : i32
      %select_n3A_1564 = arith.select %and3A_1561, %sub3A_1563, %div3A_1542 : i32
      %mul3A_1565 = arith.constant 32 : i32
      %mul3A_1566 = arith.muli %select_n3A_1564, %mul3A_1565 : i32
      %get3A_1567 = arith.index_cast %add3A_1536 : i32 to index
      %get3A_1568 = arith.index_cast %mul3A_1566 : i32 to index
      %get3A_1569 = tpu.vector_load %arg13[%get3A_1567, %get3A_1568] {strides = array<i32>} : memref<256x128xf32, #tpu.memory_space<vmem>>, vector<1x16xf32>,
      %get3A_1570 = vector.shape_cast %get3A_1569 : vector<1x16xf32> to vector<16xf32>
      %mul3A_1571 = arith.constant 32 : i32
      %mul3A_1572 = arith.muli %add3A_1536, %mul3A_1571 : i32
      %swap3A_1573 = arith.index_cast %mul3A_1572 : i32 to index
      %swap3A_1574 = tpu.vector_load %arg16[%swap3A_1573] {strides = array<i32>} : memref<8192xf32, #tpu.memory_space<vmem>>, vector<16xf32>,
      %swap3A_1575 = vector.shape_cast %swap3A_1574 : vector<16xf32> to vector<16xf32>
      %swap3A_1576 = vector.shape_cast %get3A_1570 : vector<16xf32> to vector<16xf32>
      tpu.vector_store %arg16[%swap3A_1573], %swap3A_1576 {strides = array<i32>} : memref<8192xf32, #tpu.memory_space<vmem>>, vector<16xf32>,
      %add3A_1577 = arith.constant 16 : i32
      %add3A_1578 = arith.addi %mul3A_1566, %add3A_1577 : i32
      %get3A_1579 = arith.index_cast %add3A_1536 : i32 to index
      %get3A_1580 = arith.index_cast %add3A_1578 : i32 to index
      %get3A_1581 = tpu.vector_load %arg13[%get3A_1579, %get3A_1580] {strides = array<i32>} : memref<256x128xf32, #tpu.memory_space<vmem>>, vector<1x16xf32>,
      %get3A_1582 = vector.shape_cast %get3A_1581 : vector<1x16xf32> to vector<16xf32>
      %mul3A_1583 = arith.constant 32 : i32
      %mul3A_1584 = arith.muli %add3A_1536, %mul3A_1583 : i32
      %add3A_1585 = arith.constant 16 : i32
      %add3A_1586 = arith.addi %mul3A_1584, %add3A_1585 : i32
      %swap3A_1587 = arith.index_cast %add3A_1586 : i32 to index
      %swap3A_1588 = tpu.vector_load %arg16[%swap3A_1587] {strides = array<i32>} : memref<8192xf32, #tpu.memory_space<vmem>>, vector<16xf32>,
      %swap3A_1589 = vector.shape_cast %swap3A_1588 : vector<16xf32> to vector<16xf32>
      %swap3A_1590 = vector.shape_cast %get3A_1582 : vector<16xf32> to vector<16xf32>
      tpu.vector_store %arg16[%swap3A_1587], %swap3A_1590 {strides = array<i32>} : memref<8192xf32, #tpu.memory_space<vmem>>, vector<16xf32>,
      %mul3A_1591 = arith.constant 16 : i32
      %mul3A_1592 = arith.muli %scan3A_914, %mul3A_1591 : i32
      %add3A_1593 = arith.constant 11 : i32
      %add3A_1594 = arith.addi %mul3A_1592, %add3A_1593 : i32
      %slice3A_1595 = vector.extract_strided_slice %get3A_954 {offsets = [11], sizes = [1], strides = [1]} : vector<16xi32> to vector<1xi32>
      %squeeze3A_1596 = vector.extract %slice3A_1595[0] : i32 from vector<1xi32>
      %and3A_1597 = arith.constant 2047 : i32
      %and3A_1598 = arith.andi %squeeze3A_1596, %and3A_1597 : i32
      %jit3A_1599 = arith.constant 512 : i32
      %div3A_1600 = arith.divsi %and3A_1598, %jit3A_1599 : i32
      %sign3A_1601 = arith.constant 0 : i32
      %sign3A_1602 = arith.cmpi sgt, %and3A_1598, %sign3A_1601 : i32
      %sign3A_1603 = arith.extui %sign3A_1602 : i1 to i32
      %sign3A_1604 = arith.constant 0 : i32
      %sign3A_1605 = arith.cmpi slt, %and3A_1598, %sign3A_1604 : i32
      %sign3A_1606 = arith.extui %sign3A_1605 : i1 to i32
      %sign3A_1607 = arith.subi %sign3A_1603, %sign3A_1606 : i32
      %sign3A_1608 = arith.constant 0 : i32
      %sign3A_1609 = arith.cmpi sgt, %jit3A_1599, %sign3A_1608 : i32
      %sign3A_1610 = arith.extui %sign3A_1609 : i1 to i32
      %sign3A_1611 = arith.constant 0 : i32
      %sign3A_1612 = arith.cmpi slt, %jit3A_1599, %sign3A_1611 : i32
      %sign3A_1613 = arith.extui %sign3A_1612 : i1 to i32
      %sign3A_1614 = arith.subi %sign3A_1610, %sign3A_1613 : i32
      %ne3A_1615 = arith.cmpi ne, %sign3A_1607, %sign3A_1614 : i32
      %rem3A_1616 = arith.remsi %and3A_1598, %jit3A_1599 : i32
      %ne3A_1617 = arith.constant 0 : i32
      %ne3A_1618 = arith.cmpi ne, %rem3A_1616, %ne3A_1617 : i32
      %and3A_1619 = arith.andi %ne3A_1615, %ne3A_1618 : i1
      %sub3A_1620 = arith.constant 1 : i32
      %sub3A_1621 = arith.subi %div3A_1600, %sub3A_1620 : i32
      %select_n3A_1622 = arith.select %and3A_1619, %sub3A_1621, %div3A_1600 : i32
      %mul3A_1623 = arith.constant 32 : i32
      %mul3A_1624 = arith.muli %select_n3A_1622, %mul3A_1623 : i32
      %get3A_1625 = arith.index_cast %add3A_1594 : i32 to index
      %get3A_1626 = arith.index_cast %mul3A_1624 : i32 to index
      %get3A_1627 = tpu.vector_load %arg13[%get3A_1625, %get3A_1626] {strides = array<i32>} : memref<256x128xf32, #tpu.memory_space<vmem>>, vector<1x16xf32>,
      %get3A_1628 = vector.shape_cast %get3A_1627 : vector<1x16xf32> to vector<16xf32>
      %mul3A_1629 = arith.constant 32 : i32
      %mul3A_1630 = arith.muli %add3A_1594, %mul3A_1629 : i32
      %swap3A_1631 = arith.index_cast %mul3A_1630 : i32 to index
      %swap3A_1632 = tpu.vector_load %arg16[%swap3A_1631] {strides = array<i32>} : memref<8192xf32, #tpu.memory_space<vmem>>, vector<16xf32>,
      %swap3A_1633 = vector.shape_cast %swap3A_1632 : vector<16xf32> to vector<16xf32>
      %swap3A_1634 = vector.shape_cast %get3A_1628 : vector<16xf32> to vector<16xf32>
      tpu.vector_store %arg16[%swap3A_1631], %swap3A_1634 {strides = array<i32>} : memref<8192xf32, #tpu.memory_space<vmem>>, vector<16xf32>,
      %add3A_1635 = arith.constant 16 : i32
      %add3A_1636 = arith.addi %mul3A_1624, %add3A_1635 : i32
      %get3A_1637 = arith.index_cast %add3A_1594 : i32 to index
      %get3A_1638 = arith.index_cast %add3A_1636 : i32 to index
      %get3A_1639 = tpu.vector_load %arg13[%get3A_1637, %get3A_1638] {strides = array<i32>} : memref<256x128xf32, #tpu.memory_space<vmem>>, vector<1x16xf32>,
      %get3A_1640 = vector.shape_cast %get3A_1639 : vector<1x16xf32> to vector<16xf32>
      %mul3A_1641 = arith.constant 32 : i32
      %mul3A_1642 = arith.muli %add3A_1594, %mul3A_1641 : i32
      %add3A_1643 = arith.constant 16 : i32
      %add3A_1644 = arith.addi %mul3A_1642, %add3A_1643 : i32
      %swap3A_1645 = arith.index_cast %add3A_1644 : i32 to index
      %swap3A_1646 = tpu.vector_load %arg16[%swap3A_1645] {strides = array<i32>} : memref<8192xf32, #tpu.memory_space<vmem>>, vector<16xf32>,
      %swap3A_1647 = vector.shape_cast %swap3A_1646 : vector<16xf32> to vector<16xf32>
      %swap3A_1648 = vector.shape_cast %get3A_1640 : vector<16xf32> to vector<16xf32>
      tpu.vector_store %arg16[%swap3A_1645], %swap3A_1648 {strides = array<i32>} : memref<8192xf32, #tpu.memory_space<vmem>>, vector<16xf32>,
      %mul3A_1649 = arith.constant 16 : i32
      %mul3A_1650 = arith.muli %scan3A_914, %mul3A_1649 : i32
      %add3A_1651 = arith.constant 12 : i32
      %add3A_1652 = arith.addi %mul3A_1650, %add3A_1651 : i32
      %slice3A_1653 = vector.extract_strided_slice %get3A_954 {offsets = [12], sizes = [1], strides = [1]} : vector<16xi32> to vector<1xi32>
      %squeeze3A_1654 = vector.extract %slice3A_1653[0] : i32 from vector<1xi32>
      %and3A_1655 = arith.constant 2047 : i32
      %and3A_1656 = arith.andi %squeeze3A_1654, %and3A_1655 : i32
      %jit3A_1657 = arith.constant 512 : i32
      %div3A_1658 = arith.divsi %and3A_1656, %jit3A_1657 : i32
      %sign3A_1659 = arith.constant 0 : i32
      %sign3A_1660 = arith.cmpi sgt, %and3A_1656, %sign3A_1659 : i32
      %sign3A_1661 = arith.extui %sign3A_1660 : i1 to i32
      %sign3A_1662 = arith.constant 0 : i32
      %sign3A_1663 = arith.cmpi slt, %and3A_1656, %sign3A_1662 : i32
      %sign3A_1664 = arith.extui %sign3A_1663 : i1 to i32
      %sign3A_1665 = arith.subi %sign3A_1661, %sign3A_1664 : i32
      %sign3A_1666 = arith.constant 0 : i32
      %sign3A_1667 = arith.cmpi sgt, %jit3A_1657, %sign3A_1666 : i32
      %sign3A_1668 = arith.extui %sign3A_1667 : i1 to i32
      %sign3A_1669 = arith.constant 0 : i32
      %sign3A_1670 = arith.cmpi slt, %jit3A_1657, %sign3A_1669 : i32
      %sign3A_1671 = arith.extui %sign3A_1670 : i1 to i32
      %sign3A_1672 = arith.subi %sign3A_1668, %sign3A_1671 : i32
      %ne3A_1673 = arith.cmpi ne, %sign3A_1665, %sign3A_1672 : i32
      %rem3A_1674 = arith.remsi %and3A_1656, %jit3A_1657 : i32
      %ne3A_1675 = arith.constant 0 : i32
      %ne3A_1676 = arith.cmpi ne, %rem3A_1674, %ne3A_1675 : i32
      %and3A_1677 = arith.andi %ne3A_1673, %ne3A_1676 : i1
      %sub3A_1678 = arith.constant 1 : i32
      %sub3A_1679 = arith.subi %div3A_1658, %sub3A_1678 : i32
      %select_n3A_1680 = arith.select %and3A_1677, %sub3A_1679, %div3A_1658 : i32
      %mul3A_1681 = arith.constant 32 : i32
      %mul3A_1682 = arith.muli %select_n3A_1680, %mul3A_1681 : i32
      %get3A_1683 = arith.index_cast %add3A_1652 : i32 to index
      %get3A_1684 = arith.index_cast %mul3A_1682 : i32 to index
      %get3A_1685 = tpu.vector_load %arg13[%get3A_1683, %get3A_1684] {strides = array<i32>} : memref<256x128xf32, #tpu.memory_space<vmem>>, vector<1x16xf32>,
      %get3A_1686 = vector.shape_cast %get3A_1685 : vector<1x16xf32> to vector<16xf32>
      %mul3A_1687 = arith.constant 32 : i32
      %mul3A_1688 = arith.muli %add3A_1652, %mul3A_1687 : i32
      %swap3A_1689 = arith.index_cast %mul3A_1688 : i32 to index
      %swap3A_1690 = tpu.vector_load %arg16[%swap3A_1689] {strides = array<i32>} : memref<8192xf32, #tpu.memory_space<vmem>>, vector<16xf32>,
      %swap3A_1691 = vector.shape_cast %swap3A_1690 : vector<16xf32> to vector<16xf32>
      %swap3A_1692 = vector.shape_cast %get3A_1686 : vector<16xf32> to vector<16xf32>
      tpu.vector_store %arg16[%swap3A_1689], %swap3A_1692 {strides = array<i32>} : memref<8192xf32, #tpu.memory_space<vmem>>, vector<16xf32>,
      %add3A_1693 = arith.constant 16 : i32
      %add3A_1694 = arith.addi %mul3A_1682, %add3A_1693 : i32
      %get3A_1695 = arith.index_cast %add3A_1652 : i32 to index
      %get3A_1696 = arith.index_cast %add3A_1694 : i32 to index
      %get3A_1697 = tpu.vector_load %arg13[%get3A_1695, %get3A_1696] {strides = array<i32>} : memref<256x128xf32, #tpu.memory_space<vmem>>, vector<1x16xf32>,
      %get3A_1698 = vector.shape_cast %get3A_1697 : vector<1x16xf32> to vector<16xf32>
      %mul3A_1699 = arith.constant 32 : i32
      %mul3A_1700 = arith.muli %add3A_1652, %mul3A_1699 : i32
      %add3A_1701 = arith.constant 16 : i32
      %add3A_1702 = arith.addi %mul3A_1700, %add3A_1701 : i32
      %swap3A_1703 = arith.index_cast %add3A_1702 : i32 to index
      %swap3A_1704 = tpu.vector_load %arg16[%swap3A_1703] {strides = array<i32>} : memref<8192xf32, #tpu.memory_space<vmem>>, vector<16xf32>,
      %swap3A_1705 = vector.shape_cast %swap3A_1704 : vector<16xf32> to vector<16xf32>
      %swap3A_1706 = vector.shape_cast %get3A_1698 : vector<16xf32> to vector<16xf32>
      tpu.vector_store %arg16[%swap3A_1703], %swap3A_1706 {strides = array<i32>} : memref<8192xf32, #tpu.memory_space<vmem>>, vector<16xf32>,
      %mul3A_1707 = arith.constant 16 : i32
      %mul3A_1708 = arith.muli %scan3A_914, %mul3A_1707 : i32
      %add3A_1709 = arith.constant 13 : i32
      %add3A_1710 = arith.addi %mul3A_1708, %add3A_1709 : i32
      %slice3A_1711 = vector.extract_strided_slice %get3A_954 {offsets = [13], sizes = [1], strides = [1]} : vector<16xi32> to vector<1xi32>
      %squeeze3A_1712 = vector.extract %slice3A_1711[0] : i32 from vector<1xi32>
      %and3A_1713 = arith.constant 2047 : i32
      %and3A_1714 = arith.andi %squeeze3A_1712, %and3A_1713 : i32
      %jit3A_1715 = arith.constant 512 : i32
      %div3A_1716 = arith.divsi %and3A_1714, %jit3A_1715 : i32
      %sign3A_1717 = arith.constant 0 : i32
      %sign3A_1718 = arith.cmpi sgt, %and3A_1714, %sign3A_1717 : i32
      %sign3A_1719 = arith.extui %sign3A_1718 : i1 to i32
      %sign3A_1720 = arith.constant 0 : i32
      %sign3A_1721 = arith.cmpi slt, %and3A_1714, %sign3A_1720 : i32
      %sign3A_1722 = arith.extui %sign3A_1721 : i1 to i32
      %sign3A_1723 = arith.subi %sign3A_1719, %sign3A_1722 : i32
      %sign3A_1724 = arith.constant 0 : i32
      %sign3A_1725 = arith.cmpi sgt, %jit3A_1715, %sign3A_1724 : i32
      %sign3A_1726 = arith.extui %sign3A_1725 : i1 to i32
      %sign3A_1727 = arith.constant 0 : i32
      %sign3A_1728 = arith.cmpi slt, %jit3A_1715, %sign3A_1727 : i32
      %sign3A_1729 = arith.extui %sign3A_1728 : i1 to i32
      %sign3A_1730 = arith.subi %sign3A_1726, %sign3A_1729 : i32
      %ne3A_1731 = arith.cmpi ne, %sign3A_1723, %sign3A_1730 : i32
      %rem3A_1732 = arith.remsi %and3A_1714, %jit3A_1715 : i32
      %ne3A_1733 = arith.constant 0 : i32
      %ne3A_1734 = arith.cmpi ne, %rem3A_1732, %ne3A_1733 : i32
      %and3A_1735 = arith.andi %ne3A_1731, %ne3A_1734 : i1
      %sub3A_1736 = arith.constant 1 : i32
      %sub3A_1737 = arith.subi %div3A_1716, %sub3A_1736 : i32
      %select_n3A_1738 = arith.select %and3A_1735, %sub3A_1737, %div3A_1716 : i32
      %mul3A_1739 = arith.constant 32 : i32
      %mul3A_1740 = arith.muli %select_n3A_1738, %mul3A_1739 : i32
      %get3A_1741 = arith.index_cast %add3A_1710 : i32 to index
      %get3A_1742 = arith.index_cast %mul3A_1740 : i32 to index
      %get3A_1743 = tpu.vector_load %arg13[%get3A_1741, %get3A_1742] {strides = array<i32>} : memref<256x128xf32, #tpu.memory_space<vmem>>, vector<1x16xf32>,
      %get3A_1744 = vector.shape_cast %get3A_1743 : vector<1x16xf32> to vector<16xf32>
      %mul3A_1745 = arith.constant 32 : i32
      %mul3A_1746 = arith.muli %add3A_1710, %mul3A_1745 : i32
      %swap3A_1747 = arith.index_cast %mul3A_1746 : i32 to index
      %swap3A_1748 = tpu.vector_load %arg16[%swap3A_1747] {strides = array<i32>} : memref<8192xf32, #tpu.memory_space<vmem>>, vector<16xf32>,
      %swap3A_1749 = vector.shape_cast %swap3A_1748 : vector<16xf32> to vector<16xf32>
      %swap3A_1750 = vector.shape_cast %get3A_1744 : vector<16xf32> to vector<16xf32>
      tpu.vector_store %arg16[%swap3A_1747], %swap3A_1750 {strides = array<i32>} : memref<8192xf32, #tpu.memory_space<vmem>>, vector<16xf32>,
      %add3A_1751 = arith.constant 16 : i32
      %add3A_1752 = arith.addi %mul3A_1740, %add3A_1751 : i32
      %get3A_1753 = arith.index_cast %add3A_1710 : i32 to index
      %get3A_1754 = arith.index_cast %add3A_1752 : i32 to index
      %get3A_1755 = tpu.vector_load %arg13[%get3A_1753, %get3A_1754] {strides = array<i32>} : memref<256x128xf32, #tpu.memory_space<vmem>>, vector<1x16xf32>,
      %get3A_1756 = vector.shape_cast %get3A_1755 : vector<1x16xf32> to vector<16xf32>
      %mul3A_1757 = arith.constant 32 : i32
      %mul3A_1758 = arith.muli %add3A_1710, %mul3A_1757 : i32
      %add3A_1759 = arith.constant 16 : i32
      %add3A_1760 = arith.addi %mul3A_1758, %add3A_1759 : i32
      %swap3A_1761 = arith.index_cast %add3A_1760 : i32 to index
      %swap3A_1762 = tpu.vector_load %arg16[%swap3A_1761] {strides = array<i32>} : memref<8192xf32, #tpu.memory_space<vmem>>, vector<16xf32>,
      %swap3A_1763 = vector.shape_cast %swap3A_1762 : vector<16xf32> to vector<16xf32>
      %swap3A_1764 = vector.shape_cast %get3A_1756 : vector<16xf32> to vector<16xf32>
      tpu.vector_store %arg16[%swap3A_1761], %swap3A_1764 {strides = array<i32>} : memref<8192xf32, #tpu.memory_space<vmem>>, vector<16xf32>,
      %mul3A_1765 = arith.constant 16 : i32
      %mul3A_1766 = arith.muli %scan3A_914, %mul3A_1765 : i32
      %add3A_1767 = arith.constant 14 : i32
      %add3A_1768 = arith.addi %mul3A_1766, %add3A_1767 : i32
      %slice3A_1769 = vector.extract_strided_slice %get3A_954 {offsets = [14], sizes = [1], strides = [1]} : vector<16xi32> to vector<1xi32>
      %squeeze3A_1770 = vector.extract %slice3A_1769[0] : i32 from vector<1xi32>
      %and3A_1771 = arith.constant 2047 : i32
      %and3A_1772 = arith.andi %squeeze3A_1770, %and3A_1771 : i32
      %jit3A_1773 = arith.constant 512 : i32
      %div3A_1774 = arith.divsi %and3A_1772, %jit3A_1773 : i32
      %sign3A_1775 = arith.constant 0 : i32
      %sign3A_1776 = arith.cmpi sgt, %and3A_1772, %sign3A_1775 : i32
      %sign3A_1777 = arith.extui %sign3A_1776 : i1 to i32
      %sign3A_1778 = arith.constant 0 : i32
      %sign3A_1779 = arith.cmpi slt, %and3A_1772, %sign3A_1778 : i32
      %sign3A_1780 = arith.extui %sign3A_1779 : i1 to i32
      %sign3A_1781 = arith.subi %sign3A_1777, %sign3A_1780 : i32
      %sign3A_1782 = arith.constant 0 : i32
      %sign3A_1783 = arith.cmpi sgt, %jit3A_1773, %sign3A_1782 : i32
      %sign3A_1784 = arith.extui %sign3A_1783 : i1 to i32
      %sign3A_1785 = arith.constant 0 : i32
      %sign3A_1786 = arith.cmpi slt, %jit3A_1773, %sign3A_1785 : i32
      %sign3A_1787 = arith.extui %sign3A_1786 : i1 to i32
      %sign3A_1788 = arith.subi %sign3A_1784, %sign3A_1787 : i32
      %ne3A_1789 = arith.cmpi ne, %sign3A_1781, %sign3A_1788 : i32
      %rem3A_1790 = arith.remsi %and3A_1772, %jit3A_1773 : i32
      %ne3A_1791 = arith.constant 0 : i32
      %ne3A_1792 = arith.cmpi ne, %rem3A_1790, %ne3A_1791 : i32
      %and3A_1793 = arith.andi %ne3A_1789, %ne3A_1792 : i1
      %sub3A_1794 = arith.constant 1 : i32
      %sub3A_1795 = arith.subi %div3A_1774, %sub3A_1794 : i32
      %select_n3A_1796 = arith.select %and3A_1793, %sub3A_1795, %div3A_1774 : i32
      %mul3A_1797 = arith.constant 32 : i32
      %mul3A_1798 = arith.muli %select_n3A_1796, %mul3A_1797 : i32
      %get3A_1799 = arith.index_cast %add3A_1768 : i32 to index
      %get3A_1800 = arith.index_cast %mul3A_1798 : i32 to index
      %get3A_1801 = tpu.vector_load %arg13[%get3A_1799, %get3A_1800] {strides = array<i32>} : memref<256x128xf32, #tpu.memory_space<vmem>>, vector<1x16xf32>,
      %get3A_1802 = vector.shape_cast %get3A_1801 : vector<1x16xf32> to vector<16xf32>
      %mul3A_1803 = arith.constant 32 : i32
      %mul3A_1804 = arith.muli %add3A_1768, %mul3A_1803 : i32
      %swap3A_1805 = arith.index_cast %mul3A_1804 : i32 to index
      %swap3A_1806 = tpu.vector_load %arg16[%swap3A_1805] {strides = array<i32>} : memref<8192xf32, #tpu.memory_space<vmem>>, vector<16xf32>,
      %swap3A_1807 = vector.shape_cast %swap3A_1806 : vector<16xf32> to vector<16xf32>
      %swap3A_1808 = vector.shape_cast %get3A_1802 : vector<16xf32> to vector<16xf32>
      tpu.vector_store %arg16[%swap3A_1805], %swap3A_1808 {strides = array<i32>} : memref<8192xf32, #tpu.memory_space<vmem>>, vector<16xf32>,
      %add3A_1809 = arith.constant 16 : i32
      %add3A_1810 = arith.addi %mul3A_1798, %add3A_1809 : i32
      %get3A_1811 = arith.index_cast %add3A_1768 : i32 to index
      %get3A_1812 = arith.index_cast %add3A_1810 : i32 to index
      %get3A_1813 = tpu.vector_load %arg13[%get3A_1811, %get3A_1812] {strides = array<i32>} : memref<256x128xf32, #tpu.memory_space<vmem>>, vector<1x16xf32>,
      %get3A_1814 = vector.shape_cast %get3A_1813 : vector<1x16xf32> to vector<16xf32>
      %mul3A_1815 = arith.constant 32 : i32
      %mul3A_1816 = arith.muli %add3A_1768, %mul3A_1815 : i32
      %add3A_1817 = arith.constant 16 : i32
      %add3A_1818 = arith.addi %mul3A_1816, %add3A_1817 : i32
      %swap3A_1819 = arith.index_cast %add3A_1818 : i32 to index
      %swap3A_1820 = tpu.vector_load %arg16[%swap3A_1819] {strides = array<i32>} : memref<8192xf32, #tpu.memory_space<vmem>>, vector<16xf32>,
      %swap3A_1821 = vector.shape_cast %swap3A_1820 : vector<16xf32> to vector<16xf32>
      %swap3A_1822 = vector.shape_cast %get3A_1814 : vector<16xf32> to vector<16xf32>
      tpu.vector_store %arg16[%swap3A_1819], %swap3A_1822 {strides = array<i32>} : memref<8192xf32, #tpu.memory_space<vmem>>, vector<16xf32>,
      %mul3A_1823 = arith.constant 16 : i32
      %mul3A_1824 = arith.muli %scan3A_914, %mul3A_1823 : i32
      %add3A_1825 = arith.constant 15 : i32
      %add3A_1826 = arith.addi %mul3A_1824, %add3A_1825 : i32
      %slice3A_1827 = vector.extract_strided_slice %get3A_954 {offsets = [15], sizes = [1], strides = [1]} : vector<16xi32> to vector<1xi32>
      %squeeze3A_1828 = vector.extract %slice3A_1827[0] : i32 from vector<1xi32>
      %and3A_1829 = arith.constant 2047 : i32
      %and3A_1830 = arith.andi %squeeze3A_1828, %and3A_1829 : i32
      %jit3A_1831 = arith.constant 512 : i32
      %div3A_1832 = arith.divsi %and3A_1830, %jit3A_1831 : i32
      %sign3A_1833 = arith.constant 0 : i32
      %sign3A_1834 = arith.cmpi sgt, %and3A_1830, %sign3A_1833 : i32
      %sign3A_1835 = arith.extui %sign3A_1834 : i1 to i32
      %sign3A_1836 = arith.constant 0 : i32
      %sign3A_1837 = arith.cmpi slt, %and3A_1830, %sign3A_1836 : i32
      %sign3A_1838 = arith.extui %sign3A_1837 : i1 to i32
      %sign3A_1839 = arith.subi %sign3A_1835, %sign3A_1838 : i32
      %sign3A_1840 = arith.constant 0 : i32
      %sign3A_1841 = arith.cmpi sgt, %jit3A_1831, %sign3A_1840 : i32
      %sign3A_1842 = arith.extui %sign3A_1841 : i1 to i32
      %sign3A_1843 = arith.constant 0 : i32
      %sign3A_1844 = arith.cmpi slt, %jit3A_1831, %sign3A_1843 : i32
      %sign3A_1845 = arith.extui %sign3A_1844 : i1 to i32
      %sign3A_1846 = arith.subi %sign3A_1842, %sign3A_1845 : i32
      %ne3A_1847 = arith.cmpi ne, %sign3A_1839, %sign3A_1846 : i32
      %rem3A_1848 = arith.remsi %and3A_1830, %jit3A_1831 : i32
      %ne3A_1849 = arith.constant 0 : i32
      %ne3A_1850 = arith.cmpi ne, %rem3A_1848, %ne3A_1849 : i32
      %and3A_1851 = arith.andi %ne3A_1847, %ne3A_1850 : i1
      %sub3A_1852 = arith.constant 1 : i32
      %sub3A_1853 = arith.subi %div3A_1832, %sub3A_1852 : i32
      %select_n3A_1854 = arith.select %and3A_1851, %sub3A_1853, %div3A_1832 : i32
      %mul3A_1855 = arith.constant 32 : i32
      %mul3A_1856 = arith.muli %select_n3A_1854, %mul3A_1855 : i32
      %get3A_1857 = arith.index_cast %add3A_1826 : i32 to index
      %get3A_1858 = arith.index_cast %mul3A_1856 : i32 to index
      %get3A_1859 = tpu.vector_load %arg13[%get3A_1857, %get3A_1858] {strides = array<i32>} : memref<256x128xf32, #tpu.memory_space<vmem>>, vector<1x16xf32>,
      %get3A_1860 = vector.shape_cast %get3A_1859 : vector<1x16xf32> to vector<16xf32>
      %mul3A_1861 = arith.constant 32 : i32
      %mul3A_1862 = arith.muli %add3A_1826, %mul3A_1861 : i32
      %swap3A_1863 = arith.index_cast %mul3A_1862 : i32 to index
      %swap3A_1864 = tpu.vector_load %arg16[%swap3A_1863] {strides = array<i32>} : memref<8192xf32, #tpu.memory_space<vmem>>, vector<16xf32>,
      %swap3A_1865 = vector.shape_cast %swap3A_1864 : vector<16xf32> to vector<16xf32>
      %swap3A_1866 = vector.shape_cast %get3A_1860 : vector<16xf32> to vector<16xf32>
      tpu.vector_store %arg16[%swap3A_1863], %swap3A_1866 {strides = array<i32>} : memref<8192xf32, #tpu.memory_space<vmem>>, vector<16xf32>,
      %add3A_1867 = arith.constant 16 : i32
      %add3A_1868 = arith.addi %mul3A_1856, %add3A_1867 : i32
      %get3A_1869 = arith.index_cast %add3A_1826 : i32 to index
      %get3A_1870 = arith.index_cast %add3A_1868 : i32 to index
      %get3A_1871 = tpu.vector_load %arg13[%get3A_1869, %get3A_1870] {strides = array<i32>} : memref<256x128xf32, #tpu.memory_space<vmem>>, vector<1x16xf32>,
      %get3A_1872 = vector.shape_cast %get3A_1871 : vector<1x16xf32> to vector<16xf32>
      %mul3A_1873 = arith.constant 32 : i32
      %mul3A_1874 = arith.muli %add3A_1826, %mul3A_1873 : i32
      %add3A_1875 = arith.constant 16 : i32
      %add3A_1876 = arith.addi %mul3A_1874, %add3A_1875 : i32
      %swap3A_1877 = arith.index_cast %add3A_1876 : i32 to index
      %swap3A_1878 = tpu.vector_load %arg16[%swap3A_1877] {strides = array<i32>} : memref<8192xf32, #tpu.memory_space<vmem>>, vector<16xf32>,
      %swap3A_1879 = vector.shape_cast %swap3A_1878 : vector<16xf32> to vector<16xf32>
      %swap3A_1880 = vector.shape_cast %get3A_1872 : vector<16xf32> to vector<16xf32>
      tpu.vector_store %arg16[%swap3A_1877], %swap3A_1880 {strides = array<i32>} : memref<8192xf32, #tpu.memory_space<vmem>>, vector<16xf32>,
      %scan3A_1881 = arith.constant 0 : i32
      scf.yield %scan3A_1881 : i32
    }
    %scan3A_837 = arith.constant 16 : i32
    %add3A_838 = arith.constant 256 : i32
    %add3A_839 = arith.addi %mul3A_2, %add3A_838 : i32
    %mul3A_840 = arith.constant 32 : i32
    %mul3A_841 = arith.muli %add3A_839, %mul3A_840 : i32
    "tpu.region"() ({
      %run_scoped3A = tpu.sem_alloc : memref<!tpu.dma_semaphore, #tpu.memory_space<semaphore_mem>>
      %dma_start3A_914 = tpu.memref_slice %arg7[%mul3A_841] : memref<524288xf32, #tpu.memory_space<hbm>> -> memref<8192xf32, #tpu.memory_space<hbm>>
      %dma_start3A_915 = tpu.memref_slice %arg7[%mul3A_841] : memref<524288xf32, #tpu.memory_space<hbm>> -> memref<8192xf32, #tpu.memory_space<hbm>>
      tpu.enqueue_dma source(%arg16 : memref<8192xf32, #tpu.memory_space<vmem>>) target(%dma_start3A_915 : memref<8192xf32, #tpu.memory_space<hbm>>) target_semaphore(%run_scoped3A : memref<!tpu.dma_semaphore, #tpu.memory_space<semaphore_mem>>)
      %dma_wait3A_916 = tpu.memref_slice %arg7[%mul3A_841] : memref<524288xf32, #tpu.memory_space<hbm>> -> memref<8192xf32, #tpu.memory_space<hbm>>
      %dma_wait3A_917 = tpu.memref_slice %arg7[%mul3A_841] : memref<524288xf32, #tpu.memory_space<hbm>> -> memref<8192xf32, #tpu.memory_space<hbm>>
      tpu.wait_dma2 semaphore(%run_scoped3A : memref<!tpu.dma_semaphore, #tpu.memory_space<semaphore_mem>>) src(%arg16 : memref<8192xf32, #tpu.memory_space<vmem>>) dst(%dma_wait3A_917 : memref<8192xf32, #tpu.memory_space<hbm>>)
      tpu.yield
    }) : () -> ()
    %dma_wait3A_842 = arith.constant 0 : i32
    %dma_wait3A_843 = arith.constant 0 : i32
    %dma_wait3A_844 = arith.constant 0 : i32
    %dma_wait3A_845 = tpu.memref_slice %arg14[%dma_wait3A_843, %dma_wait3A_844] : memref<512x32xf32, #tpu.memory_space<vmem>> -> memref<128x32xf32, #tpu.memory_space<vmem>>
    %dma_wait3A_846 = arith.constant 0 : i32
    %dma_wait3A_847 = tpu.memref_slice %arg11[%dma_wait3A_842, %dma_wait3A_846] : memref<4x128xi32, #tpu.memory_space<vmem>> -> memref<1x128xi32, #tpu.memory_space<vmem>>
    %dma_wait3A_848 = tpu.memref_squeeze %dma_wait3A_847 : memref<1x128xi32, #tpu.memory_space<vmem>> -> memref<128xi32, #tpu.memory_space<vmem>>
    %dma_wait3A_849 = arith.constant 0 : i32
    %dma_wait3A_850 = arith.constant 0 : i32
    %dma_wait3A_851 = tpu.memref_slice %arg5[%dma_wait3A_849, %dma_wait3A_850] : memref<1000000x32xf32, #tpu.memory_space<hbm>> -> memref<1000000x32xf32, #tpu.memory_space<hbm>>
    tpu.wait_indirect_dma semaphore(%arg17 : memref<!tpu.dma_semaphore, #tpu.memory_space<semaphore_mem>>) src(%dma_wait3A_851 : memref<1000000x32xf32, #tpu.memory_space<hbm>>) dst(%dma_wait3A_845 : memref<128x32xf32, #tpu.memory_space<vmem>>)
    %dma_wait3A_852 = arith.constant 0 : i32
    %dma_wait3A_853 = arith.constant 0 : i32
    %dma_wait3A_854 = tpu.memref_slice %arg15[%dma_wait3A_853] : memref<512xf32, #tpu.memory_space<vmem>> -> memref<128xf32, #tpu.memory_space<vmem>>
    %dma_wait3A_855 = arith.constant 0 : i32
    %dma_wait3A_856 = tpu.memref_slice %arg11[%dma_wait3A_852, %dma_wait3A_855] : memref<4x128xi32, #tpu.memory_space<vmem>> -> memref<1x128xi32, #tpu.memory_space<vmem>>
    %dma_wait3A_857 = tpu.memref_squeeze %dma_wait3A_856 : memref<1x128xi32, #tpu.memory_space<vmem>> -> memref<128xi32, #tpu.memory_space<vmem>>
    %dma_wait3A_858 = arith.constant 0 : i32
    %dma_wait3A_859 = tpu.memref_slice %arg6[%dma_wait3A_858] : memref<1000000xf32, #tpu.memory_space<hbm>> -> memref<1000000xf32, #tpu.memory_space<hbm>>
    tpu.wait_indirect_dma semaphore(%arg17 : memref<!tpu.dma_semaphore, #tpu.memory_space<semaphore_mem>>) src(%dma_wait3A_859 : memref<1000000xf32, #tpu.memory_space<hbm>>) dst(%dma_wait3A_854 : memref<128xf32, #tpu.memory_space<vmem>>)
    %dma_wait3A_860 = arith.constant 1 : i32
    %dma_wait3A_861 = arith.constant 128 : i32
    %dma_wait3A_862 = arith.constant 0 : i32
    %dma_wait3A_863 = tpu.memref_slice %arg14[%dma_wait3A_861, %dma_wait3A_862] : memref<512x32xf32, #tpu.memory_space<vmem>> -> memref<128x32xf32, #tpu.memory_space<vmem>>
    %dma_wait3A_864 = arith.constant 0 : i32
    %dma_wait3A_865 = tpu.memref_slice %arg11[%dma_wait3A_860, %dma_wait3A_864] : memref<4x128xi32, #tpu.memory_space<vmem>> -> memref<1x128xi32, #tpu.memory_space<vmem>>
    %dma_wait3A_866 = tpu.memref_squeeze %dma_wait3A_865 : memref<1x128xi32, #tpu.memory_space<vmem>> -> memref<128xi32, #tpu.memory_space<vmem>>
    %dma_wait3A_867 = arith.constant 0 : i32
    %dma_wait3A_868 = arith.constant 0 : i32
    %dma_wait3A_869 = tpu.memref_slice %arg5[%dma_wait3A_867, %dma_wait3A_868] : memref<1000000x32xf32, #tpu.memory_space<hbm>> -> memref<1000000x32xf32, #tpu.memory_space<hbm>>
    tpu.wait_indirect_dma semaphore(%arg17 : memref<!tpu.dma_semaphore, #tpu.memory_space<semaphore_mem>>) src(%dma_wait3A_869 : memref<1000000x32xf32, #tpu.memory_space<hbm>>) dst(%dma_wait3A_863 : memref<128x32xf32, #tpu.memory_space<vmem>>)
    %dma_wait3A_870 = arith.constant 1 : i32
    %dma_wait3A_871 = arith.constant 128 : i32
    %dma_wait3A_872 = tpu.memref_slice %arg15[%dma_wait3A_871] : memref<512xf32, #tpu.memory_space<vmem>> -> memref<128xf32, #tpu.memory_space<vmem>>
    %dma_wait3A_873 = arith.constant 0 : i32
    %dma_wait3A_874 = tpu.memref_slice %arg11[%dma_wait3A_870, %dma_wait3A_873] : memref<4x128xi32, #tpu.memory_space<vmem>> -> memref<1x128xi32, #tpu.memory_space<vmem>>
    %dma_wait3A_875 = tpu.memref_squeeze %dma_wait3A_874 : memref<1x128xi32, #tpu.memory_space<vmem>> -> memref<128xi32, #tpu.memory_space<vmem>>
    %dma_wait3A_876 = arith.constant 0 : i32
    %dma_wait3A_877 = tpu.memref_slice %arg6[%dma_wait3A_876] : memref<1000000xf32, #tpu.memory_space<hbm>> -> memref<1000000xf32, #tpu.memory_space<hbm>>
    tpu.wait_indirect_dma semaphore(%arg17 : memref<!tpu.dma_semaphore, #tpu.memory_space<semaphore_mem>>) src(%dma_wait3A_877 : memref<1000000xf32, #tpu.memory_space<hbm>>) dst(%dma_wait3A_872 : memref<128xf32, #tpu.memory_space<vmem>>)
    %dma_wait3A_878 = arith.constant 2 : i32
    %dma_wait3A_879 = arith.constant 256 : i32
    %dma_wait3A_880 = arith.constant 0 : i32
    %dma_wait3A_881 = tpu.memref_slice %arg14[%dma_wait3A_879, %dma_wait3A_880] : memref<512x32xf32, #tpu.memory_space<vmem>> -> memref<128x32xf32, #tpu.memory_space<vmem>>
    %dma_wait3A_882 = arith.constant 0 : i32
    %dma_wait3A_883 = tpu.memref_slice %arg11[%dma_wait3A_878, %dma_wait3A_882] : memref<4x128xi32, #tpu.memory_space<vmem>> -> memref<1x128xi32, #tpu.memory_space<vmem>>
    %dma_wait3A_884 = tpu.memref_squeeze %dma_wait3A_883 : memref<1x128xi32, #tpu.memory_space<vmem>> -> memref<128xi32, #tpu.memory_space<vmem>>
    %dma_wait3A_885 = arith.constant 0 : i32
    %dma_wait3A_886 = arith.constant 0 : i32
    %dma_wait3A_887 = tpu.memref_slice %arg5[%dma_wait3A_885, %dma_wait3A_886] : memref<1000000x32xf32, #tpu.memory_space<hbm>> -> memref<1000000x32xf32, #tpu.memory_space<hbm>>
    tpu.wait_indirect_dma semaphore(%arg17 : memref<!tpu.dma_semaphore, #tpu.memory_space<semaphore_mem>>) src(%dma_wait3A_887 : memref<1000000x32xf32, #tpu.memory_space<hbm>>) dst(%dma_wait3A_881 : memref<128x32xf32, #tpu.memory_space<vmem>>)
    %dma_wait3A_888 = arith.constant 2 : i32
    %dma_wait3A_889 = arith.constant 256 : i32
    %dma_wait3A_890 = tpu.memref_slice %arg15[%dma_wait3A_889] : memref<512xf32, #tpu.memory_space<vmem>> -> memref<128xf32, #tpu.memory_space<vmem>>
    %dma_wait3A_891 = arith.constant 0 : i32
    %dma_wait3A_892 = tpu.memref_slice %arg11[%dma_wait3A_888, %dma_wait3A_891] : memref<4x128xi32, #tpu.memory_space<vmem>> -> memref<1x128xi32, #tpu.memory_space<vmem>>
    %dma_wait3A_893 = tpu.memref_squeeze %dma_wait3A_892 : memref<1x128xi32, #tpu.memory_space<vmem>> -> memref<128xi32, #tpu.memory_space<vmem>>
    %dma_wait3A_894 = arith.constant 0 : i32
    %dma_wait3A_895 = tpu.memref_slice %arg6[%dma_wait3A_894] : memref<1000000xf32, #tpu.memory_space<hbm>> -> memref<1000000xf32, #tpu.memory_space<hbm>>
    tpu.wait_indirect_dma semaphore(%arg17 : memref<!tpu.dma_semaphore, #tpu.memory_space<semaphore_mem>>) src(%dma_wait3A_895 : memref<1000000xf32, #tpu.memory_space<hbm>>) dst(%dma_wait3A_890 : memref<128xf32, #tpu.memory_space<vmem>>)
    %dma_wait3A_896 = arith.constant 3 : i32
    %dma_wait3A_897 = arith.constant 384 : i32
    %dma_wait3A_898 = arith.constant 0 : i32
    %dma_wait3A_899 = tpu.memref_slice %arg14[%dma_wait3A_897, %dma_wait3A_898] : memref<512x32xf32, #tpu.memory_space<vmem>> -> memref<128x32xf32, #tpu.memory_space<vmem>>
    %dma_wait3A_900 = arith.constant 0 : i32
    %dma_wait3A_901 = tpu.memref_slice %arg11[%dma_wait3A_896, %dma_wait3A_900] : memref<4x128xi32, #tpu.memory_space<vmem>> -> memref<1x128xi32, #tpu.memory_space<vmem>>
    %dma_wait3A_902 = tpu.memref_squeeze %dma_wait3A_901 : memref<1x128xi32, #tpu.memory_space<vmem>> -> memref<128xi32, #tpu.memory_space<vmem>>
    %dma_wait3A_903 = arith.constant 0 : i32
    %dma_wait3A_904 = arith.constant 0 : i32
    %dma_wait3A_905 = tpu.memref_slice %arg5[%dma_wait3A_903, %dma_wait3A_904] : memref<1000000x32xf32, #tpu.memory_space<hbm>> -> memref<1000000x32xf32, #tpu.memory_space<hbm>>
    tpu.wait_indirect_dma semaphore(%arg17 : memref<!tpu.dma_semaphore, #tpu.memory_space<semaphore_mem>>) src(%dma_wait3A_905 : memref<1000000x32xf32, #tpu.memory_space<hbm>>) dst(%dma_wait3A_899 : memref<128x32xf32, #tpu.memory_space<vmem>>)
    %dma_wait3A_906 = arith.constant 3 : i32
    %dma_wait3A_907 = arith.constant 384 : i32
    %dma_wait3A_908 = tpu.memref_slice %arg15[%dma_wait3A_907] : memref<512xf32, #tpu.memory_space<vmem>> -> memref<128xf32, #tpu.memory_space<vmem>>
    %dma_wait3A_909 = arith.constant 0 : i32
    %dma_wait3A_910 = tpu.memref_slice %arg11[%dma_wait3A_906, %dma_wait3A_909] : memref<4x128xi32, #tpu.memory_space<vmem>> -> memref<1x128xi32, #tpu.memory_space<vmem>>
    %dma_wait3A_911 = tpu.memref_squeeze %dma_wait3A_910 : memref<1x128xi32, #tpu.memory_space<vmem>> -> memref<128xi32, #tpu.memory_space<vmem>>
    %dma_wait3A_912 = arith.constant 0 : i32
    %dma_wait3A_913 = tpu.memref_slice %arg6[%dma_wait3A_912] : memref<1000000xf32, #tpu.memory_space<hbm>> -> memref<1000000xf32, #tpu.memory_space<hbm>>
    tpu.wait_indirect_dma semaphore(%arg17 : memref<!tpu.dma_semaphore, #tpu.memory_space<semaphore_mem>>) src(%dma_wait3A_913 : memref<1000000xf32, #tpu.memory_space<hbm>>) dst(%dma_wait3A_908 : memref<128xf32, #tpu.memory_space<vmem>>)
    "tpu.region"() ({
      %run_scoped3A = tpu.sem_alloc : memref<!tpu.dma_semaphore, #tpu.memory_space<semaphore_mem>>
      %dma_start3A_914 = arith.constant 0 : i32
      %dma_start3A_915 = tpu.memref_slice %arg8[%mul3A_2, %dma_start3A_914] : memref<16384x32xf32, #tpu.memory_space<hbm>> -> memref<512x32xf32, #tpu.memory_space<hbm>>
      %dma_start3A_916 = arith.constant 0 : i32
      %dma_start3A_917 = tpu.memref_slice %arg8[%mul3A_2, %dma_start3A_916] : memref<16384x32xf32, #tpu.memory_space<hbm>> -> memref<512x32xf32, #tpu.memory_space<hbm>>
      tpu.enqueue_dma source(%arg14 : memref<512x32xf32, #tpu.memory_space<vmem>>) target(%dma_start3A_917 : memref<512x32xf32, #tpu.memory_space<hbm>>) target_semaphore(%run_scoped3A : memref<!tpu.dma_semaphore, #tpu.memory_space<semaphore_mem>>)
      %dma_wait3A_918 = arith.constant 0 : i32
      %dma_wait3A_919 = tpu.memref_slice %arg8[%mul3A_2, %dma_wait3A_918] : memref<16384x32xf32, #tpu.memory_space<hbm>> -> memref<512x32xf32, #tpu.memory_space<hbm>>
      %dma_wait3A_920 = arith.constant 0 : i32
      %dma_wait3A_921 = tpu.memref_slice %arg8[%mul3A_2, %dma_wait3A_920] : memref<16384x32xf32, #tpu.memory_space<hbm>> -> memref<512x32xf32, #tpu.memory_space<hbm>>
      tpu.wait_dma2 semaphore(%run_scoped3A : memref<!tpu.dma_semaphore, #tpu.memory_space<semaphore_mem>>) src(%arg14 : memref<512x32xf32, #tpu.memory_space<vmem>>) dst(%dma_wait3A_921 : memref<512x32xf32, #tpu.memory_space<hbm>>)
      tpu.yield
    }) : () -> ()
    "tpu.region"() ({
      %run_scoped3A = tpu.sem_alloc : memref<!tpu.dma_semaphore, #tpu.memory_space<semaphore_mem>>
      %dma_start3A_914 = tpu.memref_slice %arg9[%mul3A_2] : memref<16384xf32, #tpu.memory_space<hbm>> -> memref<512xf32, #tpu.memory_space<hbm>>
      %dma_start3A_915 = tpu.memref_slice %arg9[%mul3A_2] : memref<16384xf32, #tpu.memory_space<hbm>> -> memref<512xf32, #tpu.memory_space<hbm>>
      tpu.enqueue_dma source(%arg15 : memref<512xf32, #tpu.memory_space<vmem>>) target(%dma_start3A_915 : memref<512xf32, #tpu.memory_space<hbm>>) target_semaphore(%run_scoped3A : memref<!tpu.dma_semaphore, #tpu.memory_space<semaphore_mem>>)
      %dma_wait3A_916 = tpu.memref_slice %arg9[%mul3A_2] : memref<16384xf32, #tpu.memory_space<hbm>> -> memref<512xf32, #tpu.memory_space<hbm>>
      %dma_wait3A_917 = tpu.memref_slice %arg9[%mul3A_2] : memref<16384xf32, #tpu.memory_space<hbm>> -> memref<512xf32, #tpu.memory_space<hbm>>
      tpu.wait_dma2 semaphore(%run_scoped3A : memref<!tpu.dma_semaphore, #tpu.memory_space<semaphore_mem>>) src(%arg15 : memref<512xf32, #tpu.memory_space<vmem>>) dst(%dma_wait3A_917 : memref<512xf32, #tpu.memory_space<hbm>>)
      tpu.yield
    }) : () -> ()
    return
  }
}

module attributes {stable_mosaic.version = 14 : i64} {
  func.func @_relayout_body(%arg0: i32, %arg1: memref<32x2048xf32, #tpu.memory_space<vmem>>, %arg2: memref<512x128xf32, #tpu.memory_space<vmem>>) attributes {dimension_semantics = [#tpu.dimension_semantics<arbitrary>], iteration_bounds = array<i64: 489>, scalar_prefetch = 0 : i64, scratch_operands = 0 : i64, tpu.core_type = #tpu.core_type<tc>, window_params = [{transform_indices = @transform_0, window_bounds = array<i64: 32, 2048>}, {transform_indices = @transform_1, window_bounds = array<i64: 512, 128>}]} {
    %get3A = arith.constant 0 : index
    %get3A_0 = arith.constant 0 : index
    %get3A_1 = vector.load %arg1[%get3A, %get3A_0] : memref<32x2048xf32, #tpu.memory_space<vmem>>, vector<32x2048xf32>
    %transpose3A = tpu.transpose %get3A_1, [1, 0] : vector<32x2048xf32> -> vector<2048x32xf32>
    %slice3A = vector.extract_strided_slice %transpose3A {offsets = [0, 0], sizes = [512, 32], strides = [1, 1]} : vector<2048x32xf32> to vector<512x32xf32>
    %slice3A_2 = vector.extract_strided_slice %transpose3A {offsets = [512, 0], sizes = [512, 32], strides = [1, 1]} : vector<2048x32xf32> to vector<512x32xf32>
    %slice3A_3 = vector.extract_strided_slice %transpose3A {offsets = [1024, 0], sizes = [512, 32], strides = [1, 1]} : vector<2048x32xf32> to vector<512x32xf32>
    %slice3A_4 = vector.extract_strided_slice %transpose3A {offsets = [1536, 0], sizes = [512, 32], strides = [1, 1]} : vector<2048x32xf32> to vector<512x32xf32>
    %concatenate3A = tpu.concatenate %slice3A, %slice3A_2, %slice3A_3, %slice3A_4 in 1 : vector<512x32xf32>, vector<512x32xf32>, vector<512x32xf32>, vector<512x32xf32> -> vector<512x128xf32>
    %swap3A = arith.constant 0 : index
    %swap3A_5 = arith.constant 0 : index
    %swap3A_6 = vector.load %arg2[%swap3A, %swap3A_5] : memref<512x128xf32, #tpu.memory_space<vmem>>, vector<512x128xf32>
    tpu.vector_store %arg2[%swap3A, %swap3A_5], %concatenate3A {strides = array<i32>} : memref<512x128xf32, #tpu.memory_space<vmem>>, vector<512x128xf32>,
    return
  }
  func.func @transform_0(%arg0: i32) -> (i32, i32) {
    %c0_i32 = arith.constant 0 : i32
    %c0_i32_0 = arith.constant 0 : i32
    return %c0_i32, %arg0 : i32, i32
  }
  func.func @transform_1(%arg0: i32) -> (i32, i32) {
    %c0_i32 = arith.constant 0 : i32
    %c0_i32_0 = arith.constant 0 : i32
    return %arg0, %c0_i32 : i32, i32
  }
}

module attributes {stable_mosaic.version = 14 : i64} {
  func.func @_compute_body(%arg0: i32, %arg1: memref<2048x32xf32, #tpu.memory_space<vmem>>, %arg2: memref<2048x32xf32, #tpu.memory_space<vmem>>, %arg3: memref<8x256xf32, #tpu.memory_space<vmem>>, %arg4: memref<8x256xf32, #tpu.memory_space<vmem>>) attributes {dimension_semantics = [#tpu.dimension_semantics<arbitrary>], iteration_bounds = array<i64: 8>, scalar_prefetch = 0 : i64, scratch_operands = 0 : i64, tpu.core_type = #tpu.core_type<tc>, window_params = [{transform_indices = @transform_0, window_bounds = array<i64: 2048, 32>}, {transform_indices = @transform_1, window_bounds = array<i64: 2048, 32>}, {transform_indices = @transform_2, window_bounds = array<i64: 8, 256>}, {transform_indices = @transform_3, window_bounds = array<i64: 8, 256>}]} {
    %get3A = arith.constant 0 : index
    %get3A_0 = arith.constant 0 : index
    %get3A_1 = vector.load %arg1[%get3A, %get3A_0] : memref<2048x32xf32, #tpu.memory_space<vmem>>, vector<2048x32xf32>
    %get3A_2 = arith.constant 0 : index
    %get3A_3 = arith.constant 0 : index
    %get3A_4 = vector.load %arg2[%get3A_2, %get3A_3] : memref<2048x32xf32, #tpu.memory_space<vmem>>, vector<2048x32xf32>
    %get3A_5 = arith.constant 0 : index
    %get3A_6 = arith.constant 0 : index
    %get3A_7 = vector.load %arg3[%get3A_5, %get3A_6] : memref<8x256xf32, #tpu.memory_space<vmem>>, vector<8x256xf32>
    %logistic3A = arith.negf %get3A_4 : vector<2048x32xf32>
    %logistic3A_8 = math.exp %logistic3A : vector<2048x32xf32>
    %logistic3A_9 = arith.constant 1.000000e+00 : f32
    %logistic3A_10 = vector.broadcast %logistic3A_9 : f32 to vector<2048x32xf32>
    %logistic3A_11 = arith.addf %logistic3A_10, %logistic3A_8 : vector<2048x32xf32>
    %logistic3A_12 = arith.divf %logistic3A_10, %logistic3A_11 : vector<2048x32xf32>
    %mul3A = arith.mulf %logistic3A_12, %get3A_1 : vector<2048x32xf32>
    %reduce_sum3A = arith.constant dense<0.000000e+00> : vector<2048xf32>
    %reduce_sum3A_13 = vector.multi_reduction <add>, %mul3A, %reduce_sum3A [1] : vector<2048x32xf32> to vector<2048xf32>
    %reshape3A = vector.shape_cast %reduce_sum3A_13 : vector<2048xf32> to vector<8x256xf32>
    %sub3A = arith.subf %reshape3A, %get3A_7 : vector<8x256xf32>
    %logistic3A_14 = arith.negf %sub3A : vector<8x256xf32>
    %logistic3A_15 = math.exp %logistic3A_14 : vector<8x256xf32>
    %logistic3A_16 = arith.constant 1.000000e+00 : f32
    %logistic3A_17 = vector.broadcast %logistic3A_16 : f32 to vector<8x256xf32>
    %logistic3A_18 = arith.addf %logistic3A_17, %logistic3A_15 : vector<8x256xf32>
    %logistic3A_19 = arith.divf %logistic3A_17, %logistic3A_18 : vector<8x256xf32>
    %swap3A = arith.constant 0 : index
    %swap3A_20 = arith.constant 0 : index
    %swap3A_21 = vector.load %arg4[%swap3A, %swap3A_20] : memref<8x256xf32, #tpu.memory_space<vmem>>, vector<8x256xf32>
    tpu.vector_store %arg4[%swap3A, %swap3A_20], %logistic3A_19 {strides = array<i32>} : memref<8x256xf32, #tpu.memory_space<vmem>>, vector<8x256xf32>,
    return
  }
  func.func @transform_0(%arg0: i32) -> (i32, i32) {
    %c0_i32 = arith.constant 0 : i32
    %c0_i32_0 = arith.constant 0 : i32
    return %arg0, %c0_i32 : i32, i32
  }
  func.func @transform_1(%arg0: i32) -> (i32, i32) {
    %c0_i32 = arith.constant 0 : i32
    %c0_i32_0 = arith.constant 0 : i32
    return %arg0, %c0_i32 : i32, i32
  }
  func.func @transform_2(%arg0: i32) -> (i32, i32) {
    %c0_i32 = arith.constant 0 : i32
    %c0_i32_0 = arith.constant 0 : i32
    return %arg0, %c0_i32 : i32, i32
  }
  func.func @transform_3(%arg0: i32) -> (i32, i32) {
    %c0_i32 = arith.constant 0 : i32
    %c0_i32_0 = arith.constant 0 : i32
    return %arg0, %c0_i32 : i32, i32
  }
}

</mosaic_0001>

<sc_bundles>
// kernel: _mirt.5.cloned.1.call-start
scs
__scs_entry_jumppad:
0x0: {  	(pc) =	sbr.rel $0x88, $3  }
0x1: {  	(tag) =	ssettag $0x0;
	lr =	simm.s32 $0x1  }
0x2: {  	[smem:$0x3F9C] =	sst lr;
	_ =	strace $0xD0000000  }
0x3: {  	_ = 	snop  }
0x4: {  	_ = 	snop  }
0x5: {  	_ = 	snop  }
0x6: {  	_ = 	snop  }
0x7: {  	_ = 	snop  }
__scs_overlays_trampoline_lowered:
0x8: {  	[smem:$0x3FAB] =	sst s0  }
0x9: {  	[smem:$0x3FAC] =	sst s1  }
0xa: {  	[smem:$0x3FAD] =	sst s2  }
0xb: {  	[smem:$0x3FAE] =	sst s3  }
0xc: {  	[smem:$0x3FAF] =	sst s4  }
0xd: {  	[smem:$0x3FB0] =	sst s5  }
0xe: {  	[smem:$0x3FB1] =	sst s6  }
0xf: {  	[smem:$0x3FB2] =	sst s7  }
0x10: {  	[smem:$0x3FB3] =	sst s8  }
0x11: {  	[smem:$0x3FB4] =	sst s9;
	s0 =	simm.s32 @!p0 $0x0  }
0x12: {  	s1 =	sld [smem:$0x3F9A];
	s0 =	simm.s32 @p0 $0x1  }
0x13: {  	[smem:$0x3FB5] =	sst s0;
	s0 =	simm.s32 @!p1 $0x0  }
0x14: {  	s2 =	sld [smem:$0x3F99];
	s0 =	simm.s32 @p1 $0x1  }
0x15: {  	[smem:$0x3FB6] =	sst s0;
	s0 =	simm.s32 @!p2 $0x0  }
0x16: {  	s3 =	sld [smem:$0x3FDB];
	s0 =	simm.s32 @p2 $0x1  }
0x17: {  	s4 =	simm.s32 $0x1BF5;
	[smem:$0x3FB8] =	sst s0  }
0x18: {  	s0 =	sld [smem:$0x3F9B];
	_ =	swait.ge [sflag:s4], $0x0  }
0x19: {  	s7 =	sld [smem:$0x3F9C]  }
0x1a: {  	s8 =	sadd.s32 $0xFFFFE003, lr  }
0x1b: {  	s9 =	sadd.s32 $0xFFFFFEF7, lr;
	s5 =	simm.s32 $0xFFFFFFFF;
	p2 =	slt.u32 s8, $0xFFFFF086  }
0x1c: {  	p1 =	slt.u32 s9, $0xF7A;
	s5 =	simm.s32 @!p2 $0x0  }
0x1d: {  	s5 =	simm.s32 @p1 $0x1;
	p0 =	seq.s32 s7, s2  }
0x1e: {  	s7 =	smul.u32 @!p0 $0xF7A, s2;
	p2 =	seq.s32 @!p0 s5, $0x0  }
0x1f: {  	s9 =	smul.u32 $0xF7A, s1;
	s8 =	simm.s32 @!p0 $0x1BF5;
	p2 =	por !p2, p0  }
0x20: {  	[sflag:s8] =	ssyncset.s32 @!p0 $0xFFFFF086;
	s6 =	sadd.s32 @!p0 s3, s7;
	s7 =	simm.s32 @!p0 $0x108  }
0x21: {  	s3 =	sadd.s32 s3, s9;
	s6 =	sadd.s32 @!p0 $0x88, s6;
	s7 =	simm.s32 @p2 $0x1082  }
0x22: {  	[simem:s7], [sflag:s8] =	dma.local @!p0 [hbm:s6], $0xF7A  }
0x23: {  	s9 =	sor.u32 $0xD0000000, s2;
	s6 =	simm.s32 $0x108;
	_ =	swait.ge @!p0 [sflag:s8], $0x0  }
0x24: {  	s3 =	sadd.s32 $0x88, s3;
	s6 =	simm.s32 @!p1 $0x1082;
	[sflag:s4] =	ssyncset.s32 $0xFFFFF086  }
0x25: {  	[simem:s6], [sflag:s4] =	dma.local [hbm:s3], $0xF7A  }
0x26: {  	[smem:$0x3F9C] =	sst s1;
	(tag) =	ssettag s2;
	_ =	strace s9  }
0x27: {  	s1 =	sld [smem:$0x3FAC]  }
0x28: {  	s2 =	sld [smem:$0x3FAD]  }
0x29: {  	s4 =	sld [smem:$0x3FAF]  }
0x2a: {  	p0 =	seq.s32 s5, $0x0;
	s5 =	sld [smem:$0x3FB0]  }
0x2b: {  	s6 =	sld [smem:$0x3FB1]  }
0x2c: {  	s7 =	sld [smem:$0x3FB2]  }
0x2d: {  	s3 =	simm.s32 $0x108;
	s8 =	sld [smem:$0x3FB3]  }
0x2e: {  	s3 =	simm.s32 @!p0 $0x1082;
	s9 =	sld [smem:$0x3FB4]  }
0x2f: {  	lr =	sadd.s32 s0, s3;
	s0 =	sld [smem:$0x3FAB]  }
0x30: {  	s3 =	sld [smem:$0x3FAE]  }
0x31: {  	[smem:$0x3FB7] =	sst s10  }
0x32: {  	s10 =	sld [smem:$0x3FB5];
	_ =	sdelay $0x3  }
0x33: {  	p0 =	seq.s32 s10, $0x1;
	s10 =	sld [smem:$0x3FB7];
	_ =	sdelay $0x3  }
0x34: {  	[smem:$0x3FB7] =	sst s10  }
0x35: {  	s10 =	sld [smem:$0x3FB6];
	_ =	sdelay $0x3  }
0x36: {  	p1 =	seq.s32 s10, $0x1;
	s10 =	sld [smem:$0x3FB7];
	_ =	sdelay $0x3  }
0x37: {  	[smem:$0x3FB7] =	sst s10  }
0x38: {  	s10 =	sld [smem:$0x3FB8]  }
0x39: {  	_ = 	snop;
	(pc) =	sbr.ind lr, $3  }
0x3a: {  	_ = 	snop  }
0x3b: {  	_ = 	snop  }
0x3c: {  	p2 =	seq.s32 s10, $0x1;
	s10 =	sld [smem:$0x3FB7]  }
0x3d: {  	_ =	shalt  }
0x3e: {  	_ =	shalt  }
0x3f: {  	_ =	shalt  }
0x40: {  	_ =	shalt  }
0x41: {  	_ =	shalt  }
0x42: {  	_ =	shalt  }
0x43: {  	_ =	shalt  }
0x44: {  	_ =	shalt  }
0x45: {  	_ =	shalt  }
0x46: {  	_ =	shalt  }
0x47: {  	_ =	shalt  }
0x48: {  	_ =	shalt  }
0x49: {  	_ =	shalt  }
0x4a: {  	_ =	shalt  }
0x4b: {  	_ =	shalt  }
0x4c: {  	_ =	shalt  }
0x4d: {  	_ =	shalt  }
0x4e: {  	_ =	shalt  }
0x4f: {  	_ =	shalt  }
0x50: {  	_ =	shalt  }
0x51: {  	_ =	shalt  }
0x52: {  	_ =	shalt  }
0x53: {  	_ =	shalt  }
0x54: {  	_ =	shalt  }
0x55: {  	_ =	shalt  }
0x56: {  	_ =	shalt  }
0x57: {  	_ =	shalt  }
0x58: {  	_ =	shalt  }
0x59: {  	_ =	shalt  }
0x5a: {  	_ =	shalt  }
0x5b: {  	_ =	shalt  }
0x5c: {  	_ =	shalt  }
0x5d: {  	_ =	shalt  }
0x5e: {  	_ =	shalt  }
0x5f: {  	_ =	shalt  }
0x60: {  	_ =	shalt  }
0x61: {  	_ =	shalt  }
0x62: {  	_ =	shalt  }
0x63: {  	_ =	shalt  }
0x64: {  	_ =	shalt  }
0x65: {  	_ =	shalt  }
0x66: {  	_ =	shalt  }
0x67: {  	_ =	shalt  }
0x68: {  	_ =	shalt  }
0x69: {  	_ =	shalt  }
0x6a: {  	_ =	shalt  }
0x6b: {  	_ =	shalt  }
0x6c: {  	_ =	shalt  }
0x6d: {  	_ =	shalt  }
0x6e: {  	_ =	shalt  }
0x6f: {  	_ =	shalt  }
0x70: {  	_ =	shalt  }
0x71: {  	_ =	shalt  }
0x72: {  	_ =	shalt  }
0x73: {  	_ =	shalt  }
0x74: {  	_ =	shalt  }
0x75: {  	_ =	shalt  }
0x76: {  	_ =	shalt  }
0x77: {  	_ =	shalt  }
0x78: {  	_ =	shalt  }
0x79: {  	_ =	shalt  }
0x7a: {  	_ =	shalt  }
0x7b: {  	_ =	shalt  }
0x7c: {  	_ =	shalt  }
0x7d: {  	_ =	shalt  }
0x7e: {  	_ =	shalt  }
0x7f: {  	_ =	shalt  }
0x80: {  	_ =	shalt  }
0x81: {  	_ =	shalt  }
0x82: {  	_ =	shalt  }
0x83: {  	_ =	shalt  }
0x84: {  	_ =	shalt  }
0x85: {  	_ =	shalt  }
0x86: {  	_ =	shalt  }
0x87: {  	_ =	shalt  }
.Lfunc_end0:
.L_simem_size_0:
called_computation_lowered:
.L_overlay_start_0:
0x88: {  	s2 =	sld [smem:$0x3FD9]  }
0x89: {  	s3 =	sld [smem:$0x3FFE];
	_ =	sdelay $0x1  }
0x8a: {  	s1 =	srdreg.scid  }
0x8b: {  	s0 =	sand.u32 $0x1, s1  }
0x8c: {  	s17 =	sshll.u32 s0, $0xA;
	s2 =	sadd.s32 s3, s2  }
0x8d: {  	s2 =	sadd.s32 s2, s17  }
0x8e: {  	[smem:$0x3FC3] =	sst s2  }
0x8f: {  	_ = 	snop  }
0x90: {  	s2 =	sld [smem:$0x3FC9]  }
0x91: {  	s18 =	sld [smem:$0x3FC8]  }
0x92: {  	s4 =	sld [smem:$0x3FC5]  }
0x93: {  	s5 =	sld [smem:$0x3FD0];
	(tm) =	ssettm $0x1  }
0x94: {  	s6 =	sld [smem:$0x3FFB];
	_ =	sdelay $0x3  }
0x95: {  	_ =	strace s6  }
0x96: {  	s6 =	sld [smem:$0x3FFC];
	_ =	sdelay $0x3  }
0x97: {  	_ =	strace s6  }
0x98: {  	s6 =	sld [smem:$0x3FFD];
	_ =	sdelay $0x3  }
0x99: {  	_ =	strace s6  }
0x9a: {  	_ =	strace $0x8FFFFFFF  }
0x9b: {  	s19 =	sld [smem:$0x3FDB];
	_ =	sdelay $0x1  }
0x9c: {  	s7 =	simm.s32 $_scs_section_size  }
0x9d: {  	s8 =	simm.s32 $_size__tile_overlayer_lowered;
	s9 =	simm.s32 $_tile_overlayer_lowered  }
0x9e: {  	s22 =	simm.s32 $0x1BFF;
	s21 =	sshll.u32 s9, $0x1;
	s6 =	sadd.s32 s7, s19  }
0x9f: {  	s10 =	simm.s32 $0x0;
	s20 =	sshll.u32 s8, $0x1;
	s8 =	sadd.s32 s21, s6  }
0xa0: {  	[timem:s10], [sflag:s22] =	dma.local [hbm:s8], s20  }
0xa1: {  	_ =	swait.ge [sflag:s22], s20  }
0xa2: {  	s7 =	ssub.s32 $0x0, s20;
	[sflag:s22] =	ssyncset.done $0x0  }
0xa3: {  	[sflag:s22] =	ssyncadd.s32 s7;
	_ =	sdelay $0x1  }
0xa4: {  	s23 =	simm.s32 $0x1B8B  }
0xa5: {  	_ =	swait.ge [sflag:s23], $0x1  }
0xa6: {  	[sflag:s23] =	ssyncset.done $0x0  }
0xa7: {  	s25 =	simm.s32 $0x1B8E;
	s24 =	sld [smem:$0x3FFE];
	[sflag:s23] =	ssyncadd.s32 $0xFFFFFFFF  }
0xa8: {  	s26 =	simm.s32 $execute0_lowered;
	[smem:$0x3FD2] =	sst s25  }
0xa9: {  	s8 =	sshll.u32 s26, $0x1;
	_ =	strace $0x80000046;
	[dreg:$0x1] =	wrdreg $0xFFFFFFFF  }
0xaa: {  	s28 =	simm.s32 $_size_execute0_lowered;
	s6 =	sadd.s32 s6, s8;
	[dreg:$0x0] =	wrdreg $0x0  }
0xab: {  	s8 =	sshll.u32 s28, $0x1;
	[dreg:$0x2] =	wrdreg s6  }
0xac: {  	[dreg:$0x3] =	wrdreg s8  }
0xad: {  	[dreg:$0x4] =	wrdreg $0xC0  }
0xae: {  	_ =	task [dreg:s10], $0x5FFFF  }
0xaf: {  	[dreg:$0x1] =	wrdreg $0xFFFFFFFF  }
0xb0: {  	[dreg:$0x0] =	wrdreg $0x60  }
0xb1: {  	[dreg:$0x2] =	wrdreg s2  }
0xb2: {  	[dreg:$0x3] =	wrdreg s18  }
0xb3: {  	[dreg:$0x4] =	wrdreg s24  }
0xb4: {  	[dreg:$0x5] =	wrdreg s4  }
0xb5: {  	[dreg:$0x6] =	wrdreg s5  }
0xb6: {  	[dreg:$0x7] =	wrdreg $0x9  }
0xb7: {  	_ =	task.clear_ibuf [dreg:s10], $0x8FFFF;
	_ =	strace $0x90000046  }
0xb8: {  	s29 =	simm.s32 $0x9;
	_ =	strace $0x80000048  }
0xb9: {  	_ =	swait.ge [sflag:s29], $0x1  }
0xba: {  	[sflag:s29] =	ssyncadd.s32 $0xFFFFFFFF  }
0xbb: {  	_ =	strace $0x90000048  }
0xbc: {  	_ =	sfence  }
0xbd: {  	s30 =	sld [smem:$0x0];
	_ =	sdelay $0x2  }
0xbe: {  	s31 =	sshll.u32 s1, $0xD;
	s1 =	sshrl.u32 s1, $0x2  }
0xbf: {  	s3 =	sand.u32 $0x4000, s31;
	s1 =	sadd.s32 s1, s30  }
0xc0: {  	s0 =	sor.u32 s3, s0;
	s1 =	sshll.u32 s1, $0x11  }
0xc1: {  	s0 =	sor.u32 s1, s0  }
0xc2: {  	s0 =	sadd.s32 $0x8F2B, s0  }
0xc3: {  	[sflag:s0] =	ssyncadd.remote.s32 $0x1  }
0xc4: {  	_ =	sfence.sel $0xFFFF  }
0xc5: {  	[dreg:$0x0] =	wrdreg $0xFFFFFFFF;
	(pc) =	sbr.abs _section_cstart, $3  }
0xc6: {  	[dreg:$0x1] =	wrdreg $0xFFFFFFFF  }
0xc7: {  	_ =	task.clear_ibuf [dreg:s10], $0x2FFFF;
	_ =	strace $0x9FFFFFFF  }
0xc8: {  	(tm) =	ssettm $0x7FFFFFFF  }
0xc9: {  	_ =	shalt  }
tec
execute0_lowered:
.L_overlay_start_1:
0x0: {  	(tag) =	ssettag $0x1  }
0x1: {  	s0 =	rddreg [dreg:$0x0]  }
0x2: {  	s2 =	rddreg [dreg:$0x1]  }
0x3: {  	s6 =	rddreg [dreg:$0x2]  }
0x4: {  	s1 =	rddreg [dreg:$0x3]  }
0x5: {  	s7 =	rddreg [dreg:$0x4];
	s3 =	simm.s32 $0x0;
	s4 =	srdreg.scid  }
0x6: {  	s8 =	stileid.u32;
	s13 =	simm.s32 $0x2;
	s14 =	simm.s32 $0x200  }
0x7: {  	s15 =	simm.s32 $0x80;
	s5 =	sand.u32 $0x1, s4;
	s8 =	sshll.u32 s8, $0x1  }
0x8: {  	s12 =	simm.s32 $0x600;
	[smem:$0x7FF] =	sst s3;
	s8 =	sor.u32 s5, s8  }
0x9: {  	s4 =	sadd.s32 $0x800, s6;
	s10 =	sshll.u32 s8, $0xB;
	s8 =	sshll.u32 s8, $0x6  }
0xa: {  	_ =	strace $0x80000047;
	s9 =	ssub.s32 $0x2, s5;
	s0 =	sadd.s32 s0, s8  }
0xb: {  	s5 =	sadd.s32 $0xF42C00, s6;
	s25 =	sadd.s32 s2, s8;
	[dreg:$0x6] =	wrdreg s0  }
0xc: {  	s6 =	sadd.s32 s10, s6;
	s30 =	sadd.s32 s7, s8;
	[dreg:$0x7] =	wrdreg s25  }
0xd: {  	s22 =	simm.s32 $0x0;
	s26 =	sadd.s32 $0x3E2800, s6;
	[dreg:$0xb] =	wrdreg s30  }
0xe: {  	s11 =	sshrl.u32 s9, $0x1;
	s28 =	sadd.s32 $0x3E2C00, s6;
	[dreg:$0x8] =	wrdreg s26  }
0xf: {  	s9 =	ssub.s32 s9, s11;
	s29 =	sadd.s32 $0x3D2800, s6;
	[dreg:$0x9] =	wrdreg s28  }
0x10: {  	s7 =	simm.s32 $0xC600;
	s31 =	smax.u32 s9, $0x1;
	[dreg:$0xa] =	wrdreg s29  }
0x11: {  	s6 =	simm.s32 $0x8600;
	s0 =	simm.s32 $0x1;
	[dreg:$0xc] =	wrdreg s31  }
.LBB2_1:
0x12: {  	s2 =	rddreg [dreg:$0x6]  }
0x13: {  	[tilespmem:s3], [sflag:$0x2] =	stream.linear.gather [hbm4b:s2+s3], $0x200, $0x38;
	[tilespmem:$0xE800] =	vst v63  }
0x14: {  	_ =	swait.ge [sflag:s13], $0x200  }
0x15: {  	[sflag:s13] =	ssyncset.done $0x0  }
0x16: {  	s9 =	rddreg [dreg:$0x7];
	[sflag:s13] =	ssyncadd.s32 $0xFFFFFE00  }
0x17: {  	[tilespmem:s14], [sflag:$0x2] =	stream.linear.gather [hbm4b:s9+s3], $0x200, $0x38;
	[tilespmem:$0xE800] =	vst v63  }
0x18: {  	_ =	swait.ge [sflag:s13], $0x200  }
0x19: {  	[sflag:s13] =	ssyncset.done $0x0  }
0x1a: {  	[sflag:s13] =	ssyncadd.s32 $0xFFFFFE00  }
0x1b: {  	v0 =	vld [tilespmem:$0x0]  }
0x1c: {  	v1 =	vld [tilespmem:$0x10]  }
0x1d: {  	v2 =	vld [tilespmem:$0x20]  }
0x1e: {  	v3 =	vld [tilespmem:$0x30]  }
0x1f: {  	v5 =	vld [tilespmem:$0x40]  }
0x20: {  	v7 =	vld [tilespmem:$0x50]  }
0x21: {  	v8 =	vld [tilespmem:$0x60]  }
0x22: {  	v49 =	vld [tilespmem:$0x70]  }
0x23: {  	v10 =	vld [tilespmem:$0x80]  }
0x24: {  	v11 =	vld [tilespmem:$0x90]  }
0x25: {  	v54 =	vld [tilespmem:$0xA0]  }
0x26: {  	v13 =	vld [tilespmem:$0xB0]  }
0x27: {  	v14 =	vld [tilespmem:$0xC0];
	v4 =	vshrl.u32 v0, $0x2  }
0x28: {  	v59 =	vld [tilespmem:$0xD0];
	v0 =	vand.u32 $0x1FF, v0;
	v6 =	vshrl.u32 v1, $0x2;
	v47 =	vshrl.u32 v2, $0x2  }
0x29: {  	v15 =	vld [tilespmem:$0xE0];
	v1 =	vand.u32 $0x1FF, v1;
	v2 =	vand.u32 $0x1FF, v2;
	v48 =	vshrl.u32 v3, $0x2  }
0x2a: {  	v16 =	vld [tilespmem:$0xF0];
	v3 =	vand.u32 $0x1FF, v3;
	v9 =	vshrl.u32 v5, $0x2;
	v51 =	vshrl.u32 v7, $0x2  }
0x2b: {  	v17 =	vld [tilespmem:$0x100];
	v5 =	vand.u32 $0x1FF, v5;
	v7 =	vand.u32 $0x1FF, v7;
	v53 =	vshrl.u32 v8, $0x2  }
0x2c: {  	v20 =	vld [tilespmem:$0x110];
	v8 =	vand.u32 $0x1FF, v8;
	v12 =	vshrl.u32 v49, $0x2;
	v56 =	vshrl.u32 v10, $0x2  }
0x2d: {  	v25 =	vld [tilespmem:$0x120];
	v10 =	vand.u32 $0x1FF, v10;
	v58 =	vshrl.u32 v11, $0x2;
	v60 =	vand.u32 $0x1FF, v11  }
0x2e: {  	v61 =	vshrl.u32 v54, $0x2;
	v62 =	vshrl.u32 v13, $0x2;
	v13 =	vand.u32 $0x1FF, v13  }
0x2f: {  	v27 =	vld [tilespmem:$0x130];
	v18 =	vand.u32 $0x1FF, v14;
	v19 =	vshrl.u32 v59, $0x2;
	v22 =	vshrl.u32 v15, $0x2  }
0x30: {  	v23 =	vand.u32 $0x1FF, v59;
	v24 =	vand.u32 $0x1FF, v15;
	v26 =	vshrl.u32 v16, $0x2  }
0x31: {  	v28 =	vand.u32 $0x1FF, v16;
	v29 =	vshrl.u32 v17, $0x2;
	v32 =	vshrl.u32 v20, $0x2  }
0x32: {  	v30 =	vld [tilespmem:$0x140];
	v33 =	vand.u32 $0x1FF, v20;
	v35 =	vshrl.u32 v25, $0x2;
	v4 =	vand.u32 $0x3FFFFE00, v4  }
0x33: {  	v37 =	vand.u32 $0x1FF, v25;
	v46 =	vand.u32 $0x3FFFFE00, v6;
	v0 =	vor.u32 v0, v4  }
0x34: {  	v38 =	vshrl.u32 v27, $0x2;
	v6 =	vand.u32 $0x3FFFFE00, v47;
	v1 =	vor.u32 v1, v46;
	[tilespmem:$0x400] =	vst v0  }
0x35: {  	v50 =	vand.u32 $0x3FFFFE00, v9;
	v9 =	vand.u32 $0x3FFFFE00, v51;
	v2 =	vor.u32 v2, v6;
	[tilespmem:$0x410] =	vst v1  }
0x36: {  	v55 =	vand.u32 $0x3FFFFE00, v12;
	v12 =	vand.u32 $0x3FFFFE00, v56;
	v52 =	vor.u32 v7, v9;
	[tilespmem:$0x420] =	vst v2  }
0x37: {  	v41 =	vshrl.u32 v30, $0x2;
	v4 =	vand.u32 $0x3FFFFE00, v48;
	v57 =	vor.u32 v10, v12;
	[tilespmem:$0x450] =	vst v52  }
0x38: {  	v39 =	vld [tilespmem:$0x170];
	v42 =	vand.u32 $0x1FF, v27;
	v43 =	vand.u32 $0x1FF, v30;
	v3 =	vor.u32 v3, v4;
	[tilespmem:$0x480] =	vst v57  }
0x39: {  	v34 =	vld [tilespmem:$0x150];
	v63 =	vand.u32 $0x3FFFFE00, v62;
	v7 =	vand.u32 $0x3FFFFE00, v53;
	v4 =	vor.u32 v5, v50;
	[tilespmem:$0x430] =	vst v3  }
0x3a: {  	v36 =	vld [tilespmem:$0x160];
	v21 =	vand.u32 $0x3FFFFE00, v19;
	v6 =	vand.u32 $0x1FF, v49;
	v7 =	vor.u32 v8, v7;
	[tilespmem:$0x440] =	vst v4  }
0x3b: {  	v31 =	vand.u32 $0x3FFFFE00, v29;
	v6 =	vor.u32 v6, v55;
	v0 =	vand.u32 $0x3FFFFE00, v58;
	[tilespmem:$0x460] =	vst v7  }
0x3c: {  	v1 =	vand.u32 $0x3FFFFE00, v61;
	v2 =	vand.u32 $0x1FF, v54;
	v0 =	vor.u32 v60, v0;
	[tilespmem:$0x470] =	vst v6  }
0x3d: {  	v44 =	vld [tilespmem:$0x180];
	v40 =	vand.u32 $0x3FFFFE00, v38;
	v51 =	vshrl.u32 v39, $0x2;
	v1 =	vor.u32 v2, v1;
	[tilespmem:$0x490] =	vst v0  }
0x3e: {  	v46 =	vshrl.u32 v34, $0x2;
	v48 =	vand.u32 $0x1FF, v34;
	v2 =	vor.u32 v13, v63;
	[tilespmem:$0x4A0] =	vst v1  }
0x3f: {  	v49 =	vshrl.u32 v36, $0x2;
	v5 =	vand.u32 $0x3FFFFE00, v22;
	v4 =	vor.u32 v23, v21;
	[tilespmem:$0x4B0] =	vst v2  }
0x40: {  	v8 =	vand.u32 $0x3FFFFE00, v32;
	v5 =	vor.u32 v24, v5;
	v6 =	vand.u32 $0x3FFFFE00, v26;
	[tilespmem:$0x4D0] =	vst v4  }
0x41: {  	v47 =	vld [tilespmem:$0x190];
	v52 =	vand.u32 $0x1FF, v39;
	v3 =	vshrl.u32 v14, $0x2;
	v0 =	vor.u32 v28, v6;
	[tilespmem:$0x4E0] =	vst v5  }
0x42: {  	v50 =	vld [tilespmem:$0x1A0];
	v55 =	vand.u32 $0x1FF, v44;
	v3 =	vand.u32 $0x3FFFFE00, v3;
	v2 =	vor.u32 v33, v8;
	[tilespmem:$0x4F0] =	vst v0  }
0x43: {  	v1 =	vand.u32 $0x1FF, v17;
	v6 =	vand.u32 $0x3FFFFE00, v41;
	v3 =	vor.u32 v18, v3;
	[tilespmem:$0x510] =	vst v2  }
0x44: {  	v54 =	vld [tilespmem:$0x1C0];
	v5 =	vand.u32 $0x3FFFFE00, v51;
	v1 =	vor.u32 v1, v31;
	v0 =	vor.u32 v42, v40;
	[tilespmem:$0x4C0] =	vst v3  }
0x45: {  	v53 =	vld [tilespmem:$0x1B0];
	v45 =	vor.u32 v43, v6;
	v2 =	vand.u32 $0x3FFFFE00, v49;
	v3 =	vand.u32 $0x3FFFFE00, v35;
	[tilespmem:$0x500] =	vst v1  }
0x46: {  	v57 =	vld [tilespmem:$0x1D0];
	v56 =	vshrl.u32 v47, $0x2;
	v1 =	vand.u32 $0x3FFFFE00, v46;
	[tilespmem:$0x530] =	vst v0;
	v3 =	vor.u32 v37, v3  }
0x47: {  	v1 =	vor.u32 v48, v1;
	v58 =	vshrl.u32 v50, $0x2;
	[tilespmem:$0x520] =	vst v3;
	v3 =	vand.u32 $0x1FF, v36  }
0x48: {  	[tilespmem:$0x540] =	vst v45;
	v59 =	vand.u32 $0x1FF, v50;
	v0 =	vor.u32 v3, v2;
	v3 =	vshrl.u32 v44, $0x2  }
0x49: {  	v62 =	vshrl.u32 v54, $0x2;
	[tilespmem:$0x550] =	vst v1;
	v2 =	vor.u32 v52, v5;
	v3 =	vand.u32 $0x3FFFFE00, v3  }
0x4a: {  	v60 =	vld [tilespmem:$0x1E0];
	[tilespmem:$0x560] =	vst v0;
	v0 =	vand.u32 $0x1FF, v47;
	v1 =	vor.u32 v55, v3;
	v3 =	vand.u32 $0x3FFFFE00, v56  }
0x4b: {  	v61 =	vld [tilespmem:$0x1F0];
	v63 =	vand.u32 $0x1FF, v57;
	[tilespmem:$0x570] =	vst v2;
	v0 =	vor.u32 v0, v3;
	v3 =	vshrl.u32 v53, $0x2  }
0x4c: {  	v4 =	vand.u32 $0x3FFFFE00, v58;
	[tilespmem:$0x580] =	vst v1;
	v1 =	vand.u32 $0x3FFFFE00, v3;
	v3 =	vand.u32 $0x1FF, v53  }
0x4d: {  	v2 =	vor.u32 v59, v4;
	[tilespmem:$0x590] =	vst v0;
	v0 =	vor.u32 v3, v1;
	v3 =	vshrl.u32 v57, $0x2  }
0x4e: {  	[tilespmem:$0x5A0] =	vst v2;
	v2 =	vand.u32 $0x1FF, v54;
	v1 =	vand.u32 $0x3FFFFE00, v62;
	v3 =	vand.u32 $0x3FFFFE00, v3  }
0x4f: {  	[tilespmem:$0x5B0] =	vst v0;
	v0 =	vor.u32 v2, v1;
	v2 =	vshrl.u32 v60, $0x2;
	v1 =	vor.u32 v63, v3  }
0x50: {  	[tilespmem:$0x5C0] =	vst v0;
	v0 =	vand.u32 $0x3FFFFE00, v2;
	v2 =	vand.u32 $0x1FF, v60;
	v3 =	vshrl.u32 v61, $0x2  }
0x51: {  	[tilespmem:$0x5D0] =	vst v1;
	v0 =	vor.u32 v2, v0;
	v1 =	vand.u32 $0x3FFFFE00, v3;
	v2 =	vand.u32 $0x1FF, v61  }
0x52: {  	[tilespmem:$0x5E0] =	vst v0;
	v0 =	vor.u32 v2, v1  }
0x53: {  	[tilespmem:$0x5F0] =	vst v0  }
0x54: {  	[tilespmem:s6], [sflag:$0x1] =	stream.indirect.gather [hbm4b:s5+s15], $0x20, s14, s15, $0xb8;
	[tilespmem:$0xE800] =	vst v63  }
0x55: {  	_ = 	snop  }
0x56: {  	[tilespmem:s7], [sflag:$0x1] =	stream.indirect.gather [hbm4b:s1+s15], $0x1, s14, s15, $0xb8;
	[tilespmem:$0xE800] =	vst v63  }
0x57: {  	s10 =	simm.s32 $0x280;
	s11 =	simm.s32 $0x9600  }
0x58: {  	[tilespmem:s11], [sflag:$0x1] =	stream.indirect.gather [hbm4b:s5+s15], $0x20, s10, s15, $0xb8;
	[tilespmem:$0xE800] =	vst v63  }
0x59: {  	s16 =	simm.s32 $0xC680  }
0x5a: {  	[tilespmem:s16], [sflag:$0x1] =	stream.indirect.gather [hbm4b:s1+s15], $0x1, s10, s15, $0xb8;
	[tilespmem:$0xE800] =	vst v63  }
0x5b: {  	s17 =	simm.s32 $0x300;
	s18 =	simm.s32 $0xA600  }
0x5c: {  	[tilespmem:s18], [sflag:$0x1] =	stream.indirect.gather [hbm4b:s5+s15], $0x20, s17, s15, $0xb8;
	[tilespmem:$0xE800] =	vst v63  }
0x5d: {  	s19 =	simm.s32 $0xC700  }
0x5e: {  	[tilespmem:s19], [sflag:$0x1] =	stream.indirect.gather [hbm4b:s1+s15], $0x1, s17, s15, $0xb8;
	[tilespmem:$0xE800] =	vst v63  }
0x5f: {  	s20 =	simm.s32 $0x380;
	s21 =	simm.s32 $0xB600  }
0x60: {  	[tilespmem:s21], [sflag:$0x1] =	stream.indirect.gather [hbm4b:s5+s15], $0x20, s20, s15, $0xb8;
	[tilespmem:$0xE800] =	vst v63  }
0x61: {  	s23 =	simm.s32 $0xC780  }
0x62: {  	[tilespmem:s23], [sflag:$0x1] =	stream.indirect.gather [hbm4b:s1+s15], $0x1, s20, s15, $0xb8;
	[tilespmem:$0xE800] =	vst v63  }
0x63: {  	s24 =	simm.s32 $0x400  }
0x64: {  	[tilespmem:s12], [sflag:$0x1] =	stream.indirect.gather [hbm4b:s4+s15], $0x80, s24, s15, $0xb8;
	[tilespmem:$0xE800] =	vst v63  }
0x65: {  	s25 =	simm.s32 $0x480;
	s26 =	simm.s32 $0x4600  }
0x66: {  	[tilespmem:s26], [sflag:$0x1] =	stream.indirect.gather [hbm4b:s4+s15], $0x80, s25, s15, $0xb8;
	[tilespmem:$0xE800] =	vst v63  }
0x67: {  	_ =	swait.ge [sflag:s0], $0x4000  }
0x68: {  	[sflag:s0] =	ssyncset.done $0x0  }
0x69: {  	[sflag:s0] =	ssyncadd.s32 $0xFFFFC000  }
0x6a: {  	s29 =	sand.u32 $0x200, s3;
	_ =	swait.ge [sflag:s0], $0x4000  }
0x6b: {  	s31 =	sand.u32 $0x70, s3;
	s2 =	sshrl.u32 s29, $0x2;
	[sflag:s0] =	ssyncset.done $0x0  }
0x6c: {  	s2 =	sor.u32 s31, s2;
	[sflag:s0] =	ssyncadd.s32 $0xFFFFC000  }
0x6d: {  	v0 =	vld [tilespmem:s2+$0x0];
	_ =	sdelay $0x4  }
0x6e: {  	v0 =	vshrl.u32 v0, $0x4  }
0x6f: {  	(v2sf) =	vpush v0, $0x0;
	_ =	sdelay $0xb  }
0x70: {  	(v2sf) =	vpush v0, $0x1;
	_ =	sdelay $0x2  }
0x71: {  	s6 =	spop (v2sf)  }
0x72: {  	s2 =	sand.u32 $0x60, s6  }
0x73: {  	s2 =	sadd.s32 $0x0, s2  }
0x74: {  	v1 =	vld [tilespmem:s2+$0x600];
	_ =	sdelay $0x3  }
0x75: {  	s23 =	simm.s32 $0xC900  }
0x76: {  	[tilespmem:s23+$0xFFFFFF00] =	vst v1  }
0x77: {  	(v2sf) =	vpush v0, $0x2;
	v1 =	vld [tilespmem:s2+$0x610];
	_ =	sdelay $0x2  }
0x78: {  	s7 =	spop (v2sf)  }
0x79: {  	s2 =	sand.u32 $0x60, s7  }
0x7a: {  	s2 =	sadd.s32 $0x0, s2;
	[tilespmem:s23+$0xFFFFFF10] =	vst v1  }
0x7b: {  	v1 =	vld [tilespmem:s2+$0x680];
	_ =	sdelay $0x4  }
0x7c: {  	[tilespmem:s23+$0xFFFFFF20] =	vst v1  }
0x7d: {  	(v2sf) =	vpush v0, $0x3;
	v1 =	vld [tilespmem:s2+$0x690];
	_ =	sdelay $0x2  }
0x7e: {  	s8 =	spop (v2sf)  }
0x7f: {  	s2 =	sand.u32 $0x60, s8  }
0x80: {  	s2 =	sadd.s32 $0x0, s2;
	[tilespmem:s23+$0xFFFFFF30] =	vst v1  }
0x81: {  	v1 =	vld [tilespmem:s2+$0x700];
	_ =	sdelay $0x4  }
0x82: {  	[tilespmem:s23+$0xFFFFFF40] =	vst v1  }
0x83: {  	(v2sf) =	vpush v0, $0x4;
	v1 =	vld [tilespmem:s2+$0x710];
	_ =	sdelay $0x2  }
0x84: {  	s9 =	spop (v2sf)  }
0x85: {  	s2 =	sand.u32 $0x60, s9  }
0x86: {  	s2 =	sadd.s32 $0x0, s2;
	[tilespmem:s23+$0xFFFFFF50] =	vst v1  }
0x87: {  	v1 =	vld [tilespmem:s2+$0x780];
	_ =	sdelay $0x4  }
0x88: {  	[tilespmem:s23+$0xFFFFFF60] =	vst v1  }
0x89: {  	(v2sf) =	vpush v0, $0x5;
	v1 =	vld [tilespmem:s2+$0x790];
	_ =	sdelay $0x2  }
0x8a: {  	s10 =	spop (v2sf)  }
0x8b: {  	s2 =	sand.u32 $0x60, s10  }
0x8c: {  	s2 =	sadd.s32 $0x0, s2;
	[tilespmem:s23+$0xFFFFFF70] =	vst v1  }
0x8d: {  	v1 =	vld [tilespmem:s2+$0x800];
	_ =	sdelay $0x4  }
0x8e: {  	[tilespmem:s23+$0xFFFFFF80] =	vst v1  }
0x8f: {  	(v2sf) =	vpush v0, $0x6;
	v1 =	vld [tilespmem:s2+$0x810];
	_ =	sdelay $0x2  }
0x90: {  	s11 =	spop (v2sf)  }
0x91: {  	s2 =	sand.u32 $0x60, s11  }
0x92: {  	s2 =	sadd.s32 $0x0, s2;
	[tilespmem:s23+$0xFFFFFF90] =	vst v1  }
0x93: {  	v1 =	vld [tilespmem:s2+$0x880];
	_ =	sdelay $0x4  }
0x94: {  	[tilespmem:s23+$0xFFFFFFA0] =	vst v1  }
0x95: {  	(v2sf) =	vpush v0, $0x7;
	v1 =	vld [tilespmem:s2+$0x890];
	_ =	sdelay $0x2  }
0x96: {  	s16 =	spop (v2sf)  }
0x97: {  	s2 =	sand.u32 $0x60, s16  }
0x98: {  	s2 =	sadd.s32 $0x0, s2;
	[tilespmem:s23+$0xFFFFFFB0] =	vst v1  }
0x99: {  	v1 =	vld [tilespmem:s2+$0x900];
	_ =	sdelay $0x4  }
0x9a: {  	[tilespmem:s23+$0xFFFFFFC0] =	vst v1  }
0x9b: {  	(v2sf) =	vpush v0, $0x8;
	v1 =	vld [tilespmem:s2+$0x910];
	_ =	sdelay $0x2  }
0x9c: {  	s17 =	spop (v2sf)  }
0x9d: {  	s2 =	sand.u32 $0x60, s17  }
0x9e: {  	s2 =	sadd.s32 $0x0, s2;
	[tilespmem:s23+$0xFFFFFFD0] =	vst v1  }
0x9f: {  	v1 =	vld [tilespmem:s2+$0x980];
	_ =	sdelay $0x4  }
0xa0: {  	[tilespmem:s23+$0xFFFFFFE0] =	vst v1  }
0xa1: {  	(v2sf) =	vpush v0, $0x9;
	v1 =	vld [tilespmem:s2+$0x990];
	_ =	sdelay $0x2  }
0xa2: {  	s18 =	spop (v2sf)  }
0xa3: {  	s2 =	sand.u32 $0x60, s18  }
0xa4: {  	s2 =	sadd.s32 $0x0, s2;
	[tilespmem:s23+$0xFFFFFFF0] =	vst v1  }
0xa5: {  	v1 =	vld [tilespmem:s2+$0xA00];
	_ =	sdelay $0x4  }
0xa6: {  	[tilespmem:s23+$0x0] =	vst v1  }
0xa7: {  	(v2sf) =	vpush v0, $0xA;
	v1 =	vld [tilespmem:s2+$0xA10];
	_ =	sdelay $0x2  }
0xa8: {  	s19 =	spop (v2sf)  }
0xa9: {  	s2 =	sand.u32 $0x60, s19  }
0xaa: {  	s2 =	sadd.s32 $0x0, s2;
	[tilespmem:s23+$0x10] =	vst v1  }
0xab: {  	v1 =	vld [tilespmem:s2+$0xA80];
	_ =	sdelay $0x4  }
0xac: {  	[tilespmem:s23+$0x20] =	vst v1  }
0xad: {  	(v2sf) =	vpush v0, $0xB;
	v1 =	vld [tilespmem:s2+$0xA90];
	_ =	sdelay $0x2  }
0xae: {  	s20 =	spop (v2sf)  }
0xaf: {  	s2 =	sand.u32 $0x60, s20  }
0xb0: {  	s2 =	sadd.s32 $0x0, s2;
	[tilespmem:s23+$0x30] =	vst v1  }
0xb1: {  	v1 =	vld [tilespmem:s2+$0xB00];
	_ =	sdelay $0x4  }
0xb2: {  	[tilespmem:s23+$0x40] =	vst v1  }
0xb3: {  	(v2sf) =	vpush v0, $0xC;
	v1 =	vld [tilespmem:s2+$0xB10];
	_ =	sdelay $0x2  }
0xb4: {  	s21 =	spop (v2sf)  }
0xb5: {  	s2 =	sand.u32 $0x60, s21  }
0xb6: {  	s2 =	sadd.s32 $0x0, s2;
	[tilespmem:s23+$0x50] =	vst v1  }
0xb7: {  	v1 =	vld [tilespmem:s2+$0xB80];
	_ =	sdelay $0x4  }
0xb8: {  	[tilespmem:s23+$0x60] =	vst v1  }
0xb9: {  	(v2sf) =	vpush v0, $0xD;
	v1 =	vld [tilespmem:s2+$0xB90];
	_ =	sdelay $0x2  }
0xba: {  	s24 =	spop (v2sf)  }
0xbb: {  	s2 =	sand.u32 $0x60, s24  }
0xbc: {  	s2 =	sadd.s32 $0x0, s2;
	[tilespmem:s23+$0x70] =	vst v1  }
0xbd: {  	v1 =	vld [tilespmem:s2+$0xC00];
	_ =	sdelay $0x4  }
0xbe: {  	[tilespmem:s23+$0x80] =	vst v1  }
0xbf: {  	(v2sf) =	vpush v0, $0xE;
	v1 =	vld [tilespmem:s2+$0xC10];
	_ =	sdelay $0x2  }
0xc0: {  	s25 =	spop (v2sf)  }
0xc1: {  	s2 =	sand.u32 $0x60, s25  }
0xc2: {  	s2 =	sadd.s32 $0x0, s2;
	[tilespmem:s23+$0x90] =	vst v1  }
0xc3: {  	v1 =	vld [tilespmem:s2+$0xC80];
	_ =	sdelay $0x4  }
0xc4: {  	[tilespmem:s23+$0xA0] =	vst v1  }
0xc5: {  	(v2sf) =	vpush v0, $0xF;
	v0 =	vld [tilespmem:s2+$0xC90];
	_ =	sdelay $0x2  }
0xc6: {  	s26 =	spop (v2sf)  }
0xc7: {  	s2 =	sand.u32 $0x60, s26  }
0xc8: {  	s2 =	sadd.s32 $0x0, s2;
	[tilespmem:s23+$0xB0] =	vst v0  }
0xc9: {  	v0 =	vld [tilespmem:s2+$0xD00];
	_ =	sdelay $0x4  }
0xca: {  	[tilespmem:s23+$0xC0] =	vst v0  }
0xcb: {  	v0 =	vld [tilespmem:s2+$0xD10];
	_ =	sdelay $0x2  }
0xcc: {  	s29 =	spop (v2sf)  }
0xcd: {  	s2 =	sand.u32 $0x60, s29  }
0xce: {  	s2 =	sadd.s32 $0x0, s2;
	[tilespmem:s23+$0xD0] =	vst v0  }
0xcf: {  	v0 =	vld [tilespmem:s2+$0xD80];
	_ =	sdelay $0x4  }
0xd0: {  	[tilespmem:s23+$0xE0] =	vst v0  }
0xd1: {  	v0 =	vld [tilespmem:s2+$0xD90];
	_ =	sdelay $0x1  }
0xd2: {  	s25 =	simm.s32 $0x40  }
0xd3: {  	s28 =	simm.s32 $0x10;
	s30 =	simm.s32 $0x4000;
	s31 =	sand.u32 $0x200, s25  }
0xd4: {  	s6 =	sshrl.u32 s31, $0x2;
	s26 =	simm.s32 $0x2000;
	s2 =	sand.u32 $0x70, s28  }
.LBB2_2:
0xd5: {  	p0 =	sne.s32 s30, $0x1E000;
	s2 =	sor.u32 s2, s6;
	[tilespmem:s23+$0xF0] =	vst v0;
	s23 =	sadd.s32 $0x200, s23  }
0xd6: {  	v0 =	vld [tilespmem:s2+$0x0];
	s2 =	smov.u32 s30;
	s30 =	sadd.s32 $0x2000, s30;
	_ =	sdelay $0x4  }
0xd7: {  	v0 =	vshrl.u32 v0, $0x4  }
0xd8: {  	(v2sf) =	vpush v0, $0x0  }
0xd9: {  	(v2sf) =	vpush v0, $0x1  }
0xda: {  	(v2sf) =	vpush v0, $0x2  }
0xdb: {  	(v2sf) =	vpush v0, $0x3  }
0xdc: {  	(v2sf) =	vpush v0, $0x4  }
0xdd: {  	(v2sf) =	vpush v0, $0x5  }
0xde: {  	(v2sf) =	vpush v0, $0x6  }
0xdf: {  	(v2sf) =	vpush v0, $0x7  }
0xe0: {  	(v2sf) =	vpush v0, $0x8  }
0xe1: {  	(v2sf) =	vpush v0, $0x9  }
0xe2: {  	(v2sf) =	vpush v0, $0xA  }
0xe3: {  	(v2sf) =	vpush v0, $0xB  }
0xe4: {  	(v2sf) =	vpush v0, $0xC  }
0xe5: {  	(v2sf) =	vpush v0, $0xD  }
0xe6: {  	(v2sf) =	vpush v0, $0xE  }
0xe7: {  	s6 =	spop (v2sf);
	(v2sf) =	vpush v0, $0xF  }
0xe8: {  	s19 =	sshra.s32 s26, $0x2;
	s6 =	sand.u32 $0x60, s6;
	s7 =	spop (v2sf)  }
0xe9: {  	s16 =	sadd.s32 s19, s6;
	s17 =	sand.u32 $0x60, s7;
	s6 =	spop (v2sf)  }
0xea: {  	s26 =	smov.u32 s2;
	v0 =	vld [tilespmem:s16+$0x600];
	s10 =	sand.u32 $0x60, s6;
	s6 =	spop (v2sf)  }
0xeb: {  	s9 =	sand.u32 $0x60, s6;
	s2 =	spop (v2sf)  }
0xec: {  	s8 =	sand.u32 $0x60, s2;
	s2 =	spop (v2sf)  }
0xed: {  	s2 =	sand.u32 $0x60, s2;
	s6 =	spop (v2sf)  }
0xee: {  	s7 =	sand.u32 $0x60, s6;
	s6 =	spop (v2sf)  }
0xef: {  	[tilespmem:s23+$0xFFFFFF00] =	vst v0;
	s6 =	sand.u32 $0x60, s6;
	s18 =	spop (v2sf)  }
0xf0: {  	v0 =	vld [tilespmem:s16+$0x610];
	s31 =	sand.u32 $0x60, s18;
	s16 =	spop (v2sf)  }
0xf1: {  	s29 =	sand.u32 $0x60, s16;
	s16 =	spop (v2sf)  }
0xf2: {  	s24 =	sand.u32 $0x60, s16;
	s16 =	spop (v2sf)  }
0xf3: {  	s21 =	sand.u32 $0x60, s16;
	s16 =	spop (v2sf)  }
0xf4: {  	s18 =	sand.u32 $0x60, s16;
	s16 =	spop (v2sf)  }
0xf5: {  	s11 =	sadd.s32 s19, s17;
	[tilespmem:s23+$0xFFFFFF10] =	vst v0;
	s17 =	sand.u32 $0x60, s16;
	s16 =	spop (v2sf)  }
0xf6: {  	v0 =	vld [tilespmem:s11+$0x680];
	s16 =	sand.u32 $0x60, s16;
	s20 =	spop (v2sf)  }
0xf7: {  	s20 =	sand.u32 $0x60, s20;
	_ =	sdelay $0x3  }
0xf8: {  	[tilespmem:s23+$0xFFFFFF20] =	vst v0  }
0xf9: {  	v0 =	vld [tilespmem:s11+$0x690];
	_ =	sdelay $0x4  }
0xfa: {  	s10 =	sadd.s32 s19, s10;
	[tilespmem:s23+$0xFFFFFF30] =	vst v0  }
0xfb: {  	v0 =	vld [tilespmem:s10+$0x700];
	_ =	sdelay $0x4  }
0xfc: {  	[tilespmem:s23+$0xFFFFFF40] =	vst v0  }
0xfd: {  	v0 =	vld [tilespmem:s10+$0x710];
	_ =	sdelay $0x4  }
0xfe: {  	s9 =	sadd.s32 s19, s9;
	[tilespmem:s23+$0xFFFFFF50] =	vst v0  }
0xff: {  	v0 =	vld [tilespmem:s9+$0x780];
	_ =	sdelay $0x4  }
0x100: {  	[tilespmem:s23+$0xFFFFFF60] =	vst v0  }
0x101: {  	v0 =	vld [tilespmem:s9+$0x790];
	_ =	sdelay $0x4  }
0x102: {  	s8 =	sadd.s32 s19, s8;
	[tilespmem:s23+$0xFFFFFF70] =	vst v0  }
0x103: {  	v0 =	vld [tilespmem:s8+$0x800];
	_ =	sdelay $0x4  }
0x104: {  	[tilespmem:s23+$0xFFFFFF80] =	vst v0  }
0x105: {  	v0 =	vld [tilespmem:s8+$0x810];
	_ =	sdelay $0x4  }
0x106: {  	s2 =	sadd.s32 s19, s2;
	[tilespmem:s23+$0xFFFFFF90] =	vst v0  }
0x107: {  	v0 =	vld [tilespmem:s2+$0x880];
	_ =	sdelay $0x4  }
0x108: {  	[tilespmem:s23+$0xFFFFFFA0] =	vst v0  }
0x109: {  	v0 =	vld [tilespmem:s2+$0x890];
	_ =	sdelay $0x4  }
0x10a: {  	s2 =	sadd.s32 s19, s7;
	[tilespmem:s23+$0xFFFFFFB0] =	vst v0  }
0x10b: {  	v0 =	vld [tilespmem:s2+$0x900];
	_ =	sdelay $0x4  }
0x10c: {  	[tilespmem:s23+$0xFFFFFFC0] =	vst v0  }
0x10d: {  	v0 =	vld [tilespmem:s2+$0x910];
	_ =	sdelay $0x4  }
0x10e: {  	s2 =	sadd.s32 s19, s6;
	[tilespmem:s23+$0xFFFFFFD0] =	vst v0  }
0x10f: {  	v0 =	vld [tilespmem:s2+$0x980];
	_ =	sdelay $0x4  }
0x110: {  	[tilespmem:s23+$0xFFFFFFE0] =	vst v0  }
0x111: {  	v0 =	vld [tilespmem:s2+$0x990];
	_ =	sdelay $0x4  }
0x112: {  	s2 =	sadd.s32 s19, s31;
	[tilespmem:s23+$0xFFFFFFF0] =	vst v0  }
0x113: {  	v0 =	vld [tilespmem:s2+$0xA00];
	_ =	sdelay $0x4  }
0x114: {  	[tilespmem:s23+$0x0] =	vst v0  }
0x115: {  	v0 =	vld [tilespmem:s2+$0xA10];
	_ =	sdelay $0x4  }
0x116: {  	s2 =	sadd.s32 s19, s29;
	[tilespmem:s23+$0x10] =	vst v0  }
0x117: {  	v0 =	vld [tilespmem:s2+$0xA80];
	_ =	sdelay $0x4  }
0x118: {  	[tilespmem:s23+$0x20] =	vst v0  }
0x119: {  	v0 =	vld [tilespmem:s2+$0xA90];
	_ =	sdelay $0x4  }
0x11a: {  	s2 =	sadd.s32 s19, s24;
	[tilespmem:s23+$0x30] =	vst v0  }
0x11b: {  	v0 =	vld [tilespmem:s2+$0xB00];
	_ =	sdelay $0x4  }
0x11c: {  	[tilespmem:s23+$0x40] =	vst v0  }
0x11d: {  	v0 =	vld [tilespmem:s2+$0xB10];
	_ =	sdelay $0x4  }
0x11e: {  	s2 =	sadd.s32 s19, s21;
	[tilespmem:s23+$0x50] =	vst v0  }
0x11f: {  	v0 =	vld [tilespmem:s2+$0xB80];
	_ =	sdelay $0x4  }
0x120: {  	[tilespmem:s23+$0x60] =	vst v0  }
0x121: {  	v0 =	vld [tilespmem:s2+$0xB90];
	_ =	sdelay $0x4  }
0x122: {  	s2 =	sadd.s32 s19, s18;
	[tilespmem:s23+$0x70] =	vst v0  }
0x123: {  	v0 =	vld [tilespmem:s2+$0xC00];
	_ =	sdelay $0x4  }
0x124: {  	[tilespmem:s23+$0x80] =	vst v0  }
0x125: {  	v0 =	vld [tilespmem:s2+$0xC10];
	_ =	sdelay $0x4  }
0x126: {  	s2 =	sadd.s32 s19, s17;
	[tilespmem:s23+$0x90] =	vst v0  }
0x127: {  	v0 =	vld [tilespmem:s2+$0xC80];
	_ =	sdelay $0x4  }
0x128: {  	[tilespmem:s23+$0xA0] =	vst v0  }
0x129: {  	v0 =	vld [tilespmem:s2+$0xC90];
	_ =	sdelay $0x4  }
0x12a: {  	s2 =	sadd.s32 s19, s16;
	[tilespmem:s23+$0xB0] =	vst v0  }
0x12b: {  	v0 =	vld [tilespmem:s2+$0xD00];
	_ =	sdelay $0x4  }
0x12c: {  	[tilespmem:s23+$0xC0] =	vst v0  }
0x12d: {  	v0 =	vld [tilespmem:s2+$0xD10];
	_ =	sdelay $0x4  }
0x12e: {  	s2 =	sadd.s32 s19, s20;
	[tilespmem:s23+$0xD0] =	vst v0  }
0x12f: {  	v0 =	vld [tilespmem:s2+$0xD80];
	_ =	sdelay $0x4  }
0x130: {  	[tilespmem:s23+$0xE0] =	vst v0  }
.Ltmp0:
0x131: {  	v0 =	vld [tilespmem:s2+$0xD90];
	(pc) =	sbr.rel @p0 .LBB2_2-.Ltmp0, $4  }
0x132: {  	_ = 	snop  }
0x133: {  	s25 =	sadd.s32 $0x40, s25  }
0x134: {  	s28 =	sadd.s32 $0x10, s28;
	s6 =	sand.u32 $0x200, s25  }
0x135: {  	s6 =	sshrl.u32 s6, $0x2;
	s2 =	sand.u32 $0x70, s28  }
0x136: {  	s2 =	sor.u32 s2, s6;
	[tilespmem:s23+$0xF0] =	vst v0  }
0x137: {  	v0 =	vld [tilespmem:s2+$0x0];
	_ =	sdelay $0x4  }
0x138: {  	v0 =	vshrl.u32 v0, $0x4  }
0x139: {  	(v2sf) =	vpush v0, $0x0;
	_ =	sdelay $0xb  }
0x13a: {  	(v2sf) =	vpush v0, $0x1;
	_ =	sdelay $0x2  }
0x13b: {  	s21 =	spop (v2sf)  }
0x13c: {  	s16 =	sshra.s32 s26, $0x2;
	s2 =	sand.u32 $0x60, s21  }
0x13d: {  	s2 =	sadd.s32 s16, s2  }
0x13e: {  	v1 =	vld [tilespmem:s2+$0x600];
	_ =	sdelay $0x3  }
0x13f: {  	s23 =	sadd.s32 $0x200, s23  }
0x140: {  	[tilespmem:s23+$0xFFFFFF00] =	vst v1  }
0x141: {  	(v2sf) =	vpush v0, $0x2;
	v1 =	vld [tilespmem:s2+$0x610];
	_ =	sdelay $0x2  }
0x142: {  	s24 =	spop (v2sf)  }
0x143: {  	s2 =	sand.u32 $0x60, s24  }
0x144: {  	s2 =	sadd.s32 s16, s2;
	[tilespmem:s23+$0xFFFFFF10] =	vst v1  }
0x145: {  	v1 =	vld [tilespmem:s2+$0x680];
	_ =	sdelay $0x4  }
0x146: {  	[tilespmem:s23+$0xFFFFFF20] =	vst v1  }
0x147: {  	(v2sf) =	vpush v0, $0x3;
	v1 =	vld [tilespmem:s2+$0x690];
	_ =	sdelay $0x2  }
0x148: {  	s25 =	spop (v2sf)  }
0x149: {  	s2 =	sand.u32 $0x60, s25  }
0x14a: {  	s2 =	sadd.s32 s16, s2;
	[tilespmem:s23+$0xFFFFFF30] =	vst v1  }
0x14b: {  	v1 =	vld [tilespmem:s2+$0x700];
	_ =	sdelay $0x4  }
0x14c: {  	[tilespmem:s23+$0xFFFFFF40] =	vst v1  }
0x14d: {  	(v2sf) =	vpush v0, $0x4;
	v1 =	vld [tilespmem:s2+$0x710];
	_ =	sdelay $0x2  }
0x14e: {  	s26 =	spop (v2sf)  }
0x14f: {  	s2 =	sand.u32 $0x60, s26  }
0x150: {  	s2 =	sadd.s32 s16, s2;
	[tilespmem:s23+$0xFFFFFF50] =	vst v1  }
0x151: {  	v1 =	vld [tilespmem:s2+$0x780];
	_ =	sdelay $0x4  }
0x152: {  	[tilespmem:s23+$0xFFFFFF60] =	vst v1  }
0x153: {  	(v2sf) =	vpush v0, $0x5;
	v1 =	vld [tilespmem:s2+$0x790];
	_ =	sdelay $0x2  }
0x154: {  	s29 =	spop (v2sf)  }
0x155: {  	s2 =	sand.u32 $0x60, s29  }
0x156: {  	s2 =	sadd.s32 s16, s2;
	[tilespmem:s23+$0xFFFFFF70] =	vst v1  }
0x157: {  	v1 =	vld [tilespmem:s2+$0x800];
	_ =	sdelay $0x4  }
0x158: {  	[tilespmem:s23+$0xFFFFFF80] =	vst v1  }
0x159: {  	(v2sf) =	vpush v0, $0x6;
	v1 =	vld [tilespmem:s2+$0x810];
	_ =	sdelay $0x2  }
0x15a: {  	s31 =	spop (v2sf)  }
0x15b: {  	s2 =	sand.u32 $0x60, s31  }
0x15c: {  	s2 =	sadd.s32 s16, s2;
	[tilespmem:s23+$0xFFFFFF90] =	vst v1  }
0x15d: {  	v1 =	vld [tilespmem:s2+$0x880];
	_ =	sdelay $0x4  }
0x15e: {  	[tilespmem:s23+$0xFFFFFFA0] =	vst v1  }
0x15f: {  	(v2sf) =	vpush v0, $0x7;
	v1 =	vld [tilespmem:s2+$0x890];
	_ =	sdelay $0x2  }
0x160: {  	s7 =	spop (v2sf)  }
0x161: {  	s2 =	sand.u32 $0x60, s7  }
0x162: {  	s2 =	sadd.s32 s16, s2;
	[tilespmem:s23+$0xFFFFFFB0] =	vst v1  }
0x163: {  	v1 =	vld [tilespmem:s2+$0x900];
	_ =	sdelay $0x4  }
0x164: {  	[tilespmem:s23+$0xFFFFFFC0] =	vst v1  }
0x165: {  	(v2sf) =	vpush v0, $0x8;
	v1 =	vld [tilespmem:s2+$0x910];
	_ =	sdelay $0x2  }
0x166: {  	s8 =	spop (v2sf)  }
0x167: {  	s2 =	sand.u32 $0x60, s8  }
0x168: {  	s2 =	sadd.s32 s16, s2;
	[tilespmem:s23+$0xFFFFFFD0] =	vst v1  }
0x169: {  	v1 =	vld [tilespmem:s2+$0x980];
	_ =	sdelay $0x4  }
0x16a: {  	[tilespmem:s23+$0xFFFFFFE0] =	vst v1  }
0x16b: {  	(v2sf) =	vpush v0, $0x9;
	v1 =	vld [tilespmem:s2+$0x990];
	_ =	sdelay $0x2  }
0x16c: {  	s9 =	spop (v2sf)  }
0x16d: {  	s2 =	sand.u32 $0x60, s9  }
0x16e: {  	s2 =	sadd.s32 s16, s2;
	[tilespmem:s23+$0xFFFFFFF0] =	vst v1  }
0x16f: {  	v1 =	vld [tilespmem:s2+$0xA00];
	_ =	sdelay $0x4  }
0x170: {  	[tilespmem:s23+$0x0] =	vst v1  }
0x171: {  	(v2sf) =	vpush v0, $0xA;
	v1 =	vld [tilespmem:s2+$0xA10];
	_ =	sdelay $0x2  }
0x172: {  	s10 =	spop (v2sf)  }
0x173: {  	s2 =	sand.u32 $0x60, s10  }
0x174: {  	s2 =	sadd.s32 s16, s2;
	[tilespmem:s23+$0x10] =	vst v1  }
0x175: {  	v1 =	vld [tilespmem:s2+$0xA80];
	_ =	sdelay $0x4  }
0x176: {  	[tilespmem:s23+$0x20] =	vst v1  }
0x177: {  	(v2sf) =	vpush v0, $0xB;
	v1 =	vld [tilespmem:s2+$0xA90];
	_ =	sdelay $0x2  }
0x178: {  	s11 =	spop (v2sf)  }
0x179: {  	s2 =	sand.u32 $0x60, s11  }
0x17a: {  	s2 =	sadd.s32 s16, s2;
	[tilespmem:s23+$0x30] =	vst v1  }
0x17b: {  	v1 =	vld [tilespmem:s2+$0xB00];
	_ =	sdelay $0x4  }
0x17c: {  	[tilespmem:s23+$0x40] =	vst v1  }
0x17d: {  	(v2sf) =	vpush v0, $0xC;
	v1 =	vld [tilespmem:s2+$0xB10];
	_ =	sdelay $0x2  }
0x17e: {  	s17 =	spop (v2sf)  }
0x17f: {  	s2 =	sand.u32 $0x60, s17  }
0x180: {  	s2 =	sadd.s32 s16, s2;
	[tilespmem:s23+$0x50] =	vst v1  }
0x181: {  	v1 =	vld [tilespmem:s2+$0xB80];
	_ =	sdelay $0x4  }
0x182: {  	[tilespmem:s23+$0x60] =	vst v1  }
0x183: {  	(v2sf) =	vpush v0, $0xD;
	v1 =	vld [tilespmem:s2+$0xB90];
	_ =	sdelay $0x2  }
0x184: {  	s18 =	spop (v2sf)  }
0x185: {  	s2 =	sand.u32 $0x60, s18  }
0x186: {  	s2 =	sadd.s32 s16, s2;
	[tilespmem:s23+$0x70] =	vst v1  }
0x187: {  	v1 =	vld [tilespmem:s2+$0xC00];
	_ =	sdelay $0x4  }
0x188: {  	[tilespmem:s23+$0x80] =	vst v1  }
0x189: {  	(v2sf) =	vpush v0, $0xE;
	v1 =	vld [tilespmem:s2+$0xC10];
	_ =	sdelay $0x2  }
0x18a: {  	s19 =	spop (v2sf)  }
0x18b: {  	s2 =	sand.u32 $0x60, s19  }
0x18c: {  	s2 =	sadd.s32 s16, s2;
	[tilespmem:s23+$0x90] =	vst v1  }
0x18d: {  	v1 =	vld [tilespmem:s2+$0xC80];
	_ =	sdelay $0x4  }
0x18e: {  	[tilespmem:s23+$0xA0] =	vst v1  }
0x18f: {  	(v2sf) =	vpush v0, $0xF;
	v0 =	vld [tilespmem:s2+$0xC90];
	_ =	sdelay $0x2  }
0x190: {  	s20 =	spop (v2sf)  }
0x191: {  	s2 =	sand.u32 $0x60, s20  }
0x192: {  	s2 =	sadd.s32 s16, s2;
	[tilespmem:s23+$0xB0] =	vst v0  }
0x193: {  	v0 =	vld [tilespmem:s2+$0xD00];
	_ =	sdelay $0x4  }
0x194: {  	[tilespmem:s23+$0xC0] =	vst v0  }
0x195: {  	v0 =	vld [tilespmem:s2+$0xD10];
	_ =	sdelay $0x2  }
0x196: {  	s21 =	spop (v2sf)  }
0x197: {  	s2 =	sand.u32 $0x60, s21  }
0x198: {  	s2 =	sadd.s32 s16, s2;
	[tilespmem:s23+$0xD0] =	vst v0  }
0x199: {  	v0 =	vld [tilespmem:s2+$0xD80];
	_ =	sdelay $0x4  }
0x19a: {  	[tilespmem:s23+$0xE0] =	vst v0  }
0x19b: {  	v0 =	vld [tilespmem:s2+$0xD90];
	_ =	sdelay $0x4  }
0x19c: {  	s24 =	rddreg [dreg:$0x8];
	s7 =	simm.s32 $0xC800;
	[tilespmem:s23+$0xF0] =	vst v0;
	s23 =	simm.s32 $0x0  }
0x19d: {  	[hbm4b:s24+s23] =	stream.linear.scatter [tilespmem:s7], [sflag:$0x2], $0x2000, $0x38;
	[tilespmem:$0xE800] =	vst v63  }
0x19e: {  	_ =	swait.ge [sflag:s13], $0x2000  }
0x19f: {  	[sflag:s13] =	ssyncset.done $0x0  }
0x1a0: {  	s25 =	simm.s32 $0x500;
	[sflag:s13] =	ssyncadd.s32 $0xFFFFE000  }
0x1a1: {  	[tilespmem:s12], [sflag:$0x1] =	stream.indirect.gather [hbm4b:s4+s15], $0x80, s25, s15, $0xb8;
	[tilespmem:$0xE800] =	vst v63  }
0x1a2: {  	s26 =	simm.s32 $0x4600;
	s29 =	simm.s32 $0x580  }
0x1a3: {  	[tilespmem:s26], [sflag:$0x1] =	stream.indirect.gather [hbm4b:s4+s15], $0x80, s29, s15, $0xb8;
	[tilespmem:$0xE800] =	vst v63  }
0x1a4: {  	_ =	swait.ge [sflag:s0], $0x4000  }
0x1a5: {  	[sflag:s0] =	ssyncset.done $0x0  }
0x1a6: {  	[sflag:s0] =	ssyncadd.s32 $0xFFFFC000  }
0x1a7: {  	s31 =	sand.u32 $0x200, s23;
	_ =	swait.ge [sflag:s0], $0x4000  }
0x1a8: {  	s2 =	sand.u32 $0x70, s23;
	s6 =	sshrl.u32 s31, $0x2;
	[sflag:s0] =	ssyncset.done $0x0  }
0x1a9: {  	s2 =	sor.u32 s2, s6;
	[sflag:s0] =	ssyncadd.s32 $0xFFFFC000  }
0x1aa: {  	v0 =	vld [tilespmem:s2+$0x100];
	_ =	sdelay $0x4  }
0x1ab: {  	v0 =	vshrl.u32 v0, $0x4  }
0x1ac: {  	(v2sf) =	vpush v0, $0x0;
	_ =	sdelay $0xb  }
0x1ad: {  	(v2sf) =	vpush v0, $0x1;
	_ =	sdelay $0x2  }
0x1ae: {  	s7 =	spop (v2sf)  }
0x1af: {  	s2 =	sand.u32 $0x60, s7  }
0x1b0: {  	s2 =	sadd.s32 $0x0, s2  }
0x1b1: {  	v1 =	vld [tilespmem:s2+$0x600];
	_ =	sdelay $0x3  }
0x1b2: {  	s23 =	simm.s32 $0xC900  }
0x1b3: {  	[tilespmem:s23+$0xFFFFFF00] =	vst v1  }
0x1b4: {  	(v2sf) =	vpush v0, $0x2;
	v1 =	vld [tilespmem:s2+$0x610];
	_ =	sdelay $0x2  }
0x1b5: {  	s8 =	spop (v2sf)  }
0x1b6: {  	s2 =	sand.u32 $0x60, s8  }
0x1b7: {  	s2 =	sadd.s32 $0x0, s2;
	[tilespmem:s23+$0xFFFFFF10] =	vst v1  }
0x1b8: {  	v1 =	vld [tilespmem:s2+$0x680];
	_ =	sdelay $0x4  }
0x1b9: {  	[tilespmem:s23+$0xFFFFFF20] =	vst v1  }
0x1ba: {  	(v2sf) =	vpush v0, $0x3;
	v1 =	vld [tilespmem:s2+$0x690];
	_ =	sdelay $0x2  }
0x1bb: {  	s9 =	spop (v2sf)  }
0x1bc: {  	s2 =	sand.u32 $0x60, s9  }
0x1bd: {  	s2 =	sadd.s32 $0x0, s2;
	[tilespmem:s23+$0xFFFFFF30] =	vst v1  }
0x1be: {  	v1 =	vld [tilespmem:s2+$0x700];
	_ =	sdelay $0x4  }
0x1bf: {  	[tilespmem:s23+$0xFFFFFF40] =	vst v1  }
0x1c0: {  	(v2sf) =	vpush v0, $0x4;
	v1 =	vld [tilespmem:s2+$0x710];
	_ =	sdelay $0x2  }
0x1c1: {  	s10 =	spop (v2sf)  }
0x1c2: {  	s2 =	sand.u32 $0x60, s10  }
0x1c3: {  	s2 =	sadd.s32 $0x0, s2;
	[tilespmem:s23+$0xFFFFFF50] =	vst v1  }
0x1c4: {  	v1 =	vld [tilespmem:s2+$0x780];
	_ =	sdelay $0x4  }
0x1c5: {  	[tilespmem:s23+$0xFFFFFF60] =	vst v1  }
0x1c6: {  	(v2sf) =	vpush v0, $0x5;
	v1 =	vld [tilespmem:s2+$0x790];
	_ =	sdelay $0x2  }
0x1c7: {  	s11 =	spop (v2sf)  }
0x1c8: {  	s2 =	sand.u32 $0x60, s11  }
0x1c9: {  	s2 =	sadd.s32 $0x0, s2;
	[tilespmem:s23+$0xFFFFFF70] =	vst v1  }
0x1ca: {  	v1 =	vld [tilespmem:s2+$0x800];
	_ =	sdelay $0x4  }
0x1cb: {  	[tilespmem:s23+$0xFFFFFF80] =	vst v1  }
0x1cc: {  	(v2sf) =	vpush v0, $0x6;
	v1 =	vld [tilespmem:s2+$0x810];
	_ =	sdelay $0x2  }
0x1cd: {  	s12 =	spop (v2sf)  }
0x1ce: {  	s2 =	sand.u32 $0x60, s12  }
0x1cf: {  	s2 =	sadd.s32 $0x0, s2;
	[tilespmem:s23+$0xFFFFFF90] =	vst v1  }
0x1d0: {  	v1 =	vld [tilespmem:s2+$0x880];
	_ =	sdelay $0x4  }
0x1d1: {  	[tilespmem:s23+$0xFFFFFFA0] =	vst v1  }
0x1d2: {  	(v2sf) =	vpush v0, $0x7;
	v1 =	vld [tilespmem:s2+$0x890];
	_ =	sdelay $0x2  }
0x1d3: {  	s16 =	spop (v2sf)  }
0x1d4: {  	s2 =	sand.u32 $0x60, s16  }
0x1d5: {  	s2 =	sadd.s32 $0x0, s2;
	[tilespmem:s23+$0xFFFFFFB0] =	vst v1  }
0x1d6: {  	v1 =	vld [tilespmem:s2+$0x900];
	_ =	sdelay $0x4  }
0x1d7: {  	[tilespmem:s23+$0xFFFFFFC0] =	vst v1  }
0x1d8: {  	(v2sf) =	vpush v0, $0x8;
	v1 =	vld [tilespmem:s2+$0x910];
	_ =	sdelay $0x2  }
0x1d9: {  	s17 =	spop (v2sf)  }
0x1da: {  	s2 =	sand.u32 $0x60, s17  }
0x1db: {  	s2 =	sadd.s32 $0x0, s2;
	[tilespmem:s23+$0xFFFFFFD0] =	vst v1  }
0x1dc: {  	v1 =	vld [tilespmem:s2+$0x980];
	_ =	sdelay $0x4  }
0x1dd: {  	[tilespmem:s23+$0xFFFFFFE0] =	vst v1  }
0x1de: {  	(v2sf) =	vpush v0, $0x9;
	v1 =	vld [tilespmem:s2+$0x990];
	_ =	sdelay $0x2  }
0x1df: {  	s18 =	spop (v2sf)  }
0x1e0: {  	s2 =	sand.u32 $0x60, s18  }
0x1e1: {  	s2 =	sadd.s32 $0x0, s2;
	[tilespmem:s23+$0xFFFFFFF0] =	vst v1  }
0x1e2: {  	v1 =	vld [tilespmem:s2+$0xA00];
	_ =	sdelay $0x4  }
0x1e3: {  	[tilespmem:s23+$0x0] =	vst v1  }
0x1e4: {  	(v2sf) =	vpush v0, $0xA;
	v1 =	vld [tilespmem:s2+$0xA10];
	_ =	sdelay $0x2  }
0x1e5: {  	s19 =	spop (v2sf)  }
0x1e6: {  	s2 =	sand.u32 $0x60, s19  }
0x1e7: {  	s2 =	sadd.s32 $0x0, s2;
	[tilespmem:s23+$0x10] =	vst v1  }
0x1e8: {  	v1 =	vld [tilespmem:s2+$0xA80];
	_ =	sdelay $0x4  }
0x1e9: {  	[tilespmem:s23+$0x20] =	vst v1  }
0x1ea: {  	(v2sf) =	vpush v0, $0xB;
	v1 =	vld [tilespmem:s2+$0xA90];
	_ =	sdelay $0x2  }
0x1eb: {  	s20 =	spop (v2sf)  }
0x1ec: {  	s2 =	sand.u32 $0x60, s20  }
0x1ed: {  	s2 =	sadd.s32 $0x0, s2;
	[tilespmem:s23+$0x30] =	vst v1  }
0x1ee: {  	v1 =	vld [tilespmem:s2+$0xB00];
	_ =	sdelay $0x4  }
0x1ef: {  	[tilespmem:s23+$0x40] =	vst v1  }
0x1f0: {  	(v2sf) =	vpush v0, $0xC;
	v1 =	vld [tilespmem:s2+$0xB10];
	_ =	sdelay $0x2  }
0x1f1: {  	s21 =	spop (v2sf)  }
0x1f2: {  	s2 =	sand.u32 $0x60, s21  }
0x1f3: {  	s2 =	sadd.s32 $0x0, s2;
	[tilespmem:s23+$0x50] =	vst v1  }
0x1f4: {  	v1 =	vld [tilespmem:s2+$0xB80];
	_ =	sdelay $0x4  }
0x1f5: {  	[tilespmem:s23+$0x60] =	vst v1  }
0x1f6: {  	(v2sf) =	vpush v0, $0xD;
	v1 =	vld [tilespmem:s2+$0xB90];
	_ =	sdelay $0x2  }
0x1f7: {  	s24 =	spop (v2sf)  }
0x1f8: {  	s2 =	sand.u32 $0x60, s24  }
0x1f9: {  	s2 =	sadd.s32 $0x0, s2;
	[tilespmem:s23+$0x70] =	vst v1  }
0x1fa: {  	v1 =	vld [tilespmem:s2+$0xC00];
	_ =	sdelay $0x4  }
0x1fb: {  	[tilespmem:s23+$0x80] =	vst v1  }
0x1fc: {  	(v2sf) =	vpush v0, $0xE;
	v1 =	vld [tilespmem:s2+$0xC10];
	_ =	sdelay $0x2  }
0x1fd: {  	s25 =	spop (v2sf)  }
0x1fe: {  	s2 =	sand.u32 $0x60, s25  }
0x1ff: {  	s2 =	sadd.s32 $0x0, s2;
	[tilespmem:s23+$0x90] =	vst v1  }
0x200: {  	v1 =	vld [tilespmem:s2+$0xC80];
	_ =	sdelay $0x4  }
0x201: {  	[tilespmem:s23+$0xA0] =	vst v1  }
0x202: {  	(v2sf) =	vpush v0, $0xF;
	v0 =	vld [tilespmem:s2+$0xC90];
	_ =	sdelay $0x2  }
0x203: {  	s26 =	spop (v2sf)  }
0x204: {  	s2 =	sand.u32 $0x60, s26  }
0x205: {  	s2 =	sadd.s32 $0x0, s2;
	[tilespmem:s23+$0xB0] =	vst v0  }
0x206: {  	v0 =	vld [tilespmem:s2+$0xD00];
	_ =	sdelay $0x4  }
0x207: {  	[tilespmem:s23+$0xC0] =	vst v0  }
0x208: {  	v0 =	vld [tilespmem:s2+$0xD10];
	_ =	sdelay $0x2  }
0x209: {  	s29 =	spop (v2sf)  }
0x20a: {  	s2 =	sand.u32 $0x60, s29  }
0x20b: {  	s2 =	sadd.s32 $0x0, s2;
	[tilespmem:s23+$0xD0] =	vst v0  }
0x20c: {  	v0 =	vld [tilespmem:s2+$0xD80];
	_ =	sdelay $0x4  }
0x20d: {  	[tilespmem:s23+$0xE0] =	vst v0  }
0x20e: {  	v0 =	vld [tilespmem:s2+$0xD90];
	_ =	sdelay $0x1  }
0x20f: {  	s25 =	simm.s32 $0x40  }
0x210: {  	s28 =	simm.s32 $0x10;
	s30 =	simm.s32 $0x4000;
	s31 =	sand.u32 $0x200, s25  }
0x211: {  	s6 =	sshrl.u32 s31, $0x2;
	s26 =	simm.s32 $0x2000;
	s2 =	sand.u32 $0x70, s28  }
.LBB2_4:
0x212: {  	p0 =	sne.s32 s30, $0x1E000;
	s2 =	sor.u32 s2, s6;
	[tilespmem:s23+$0xF0] =	vst v0;
	s23 =	sadd.s32 $0x200, s23  }
0x213: {  	v0 =	vld [tilespmem:s2+$0x100];
	s2 =	smov.u32 s30;
	s30 =	sadd.s32 $0x2000, s30;
	_ =	sdelay $0x4  }
0x214: {  	v0 =	vshrl.u32 v0, $0x4  }
0x215: {  	(v2sf) =	vpush v0, $0x0  }
0x216: {  	(v2sf) =	vpush v0, $0x1  }
0x217: {  	(v2sf) =	vpush v0, $0x2  }
0x218: {  	(v2sf) =	vpush v0, $0x3  }
0x219: {  	(v2sf) =	vpush v0, $0x4  }
0x21a: {  	(v2sf) =	vpush v0, $0x5  }
0x21b: {  	(v2sf) =	vpush v0, $0x6  }
0x21c: {  	(v2sf) =	vpush v0, $0x7  }
0x21d: {  	(v2sf) =	vpush v0, $0x8  }
0x21e: {  	(v2sf) =	vpush v0, $0x9  }
0x21f: {  	(v2sf) =	vpush v0, $0xA  }
0x220: {  	(v2sf) =	vpush v0, $0xB  }
0x221: {  	(v2sf) =	vpush v0, $0xC  }
0x222: {  	(v2sf) =	vpush v0, $0xD  }
0x223: {  	(v2sf) =	vpush v0, $0xE  }
0x224: {  	s6 =	spop (v2sf);
	(v2sf) =	vpush v0, $0xF  }
0x225: {  	s19 =	sshra.s32 s26, $0x2;
	s6 =	sand.u32 $0x60, s6;
	s7 =	spop (v2sf)  }
0x226: {  	s10 =	sadd.s32 s19, s6;
	s11 =	sand.u32 $0x60, s7;
	s6 =	spop (v2sf)  }
0x227: {  	s26 =	smov.u32 s2;
	v0 =	vld [tilespmem:s10+$0x600];
	s12 =	sand.u32 $0x60, s6;
	s6 =	spop (v2sf)  }
0x228: {  	s9 =	sand.u32 $0x60, s6;
	s2 =	spop (v2sf)  }
0x229: {  	s8 =	sand.u32 $0x60, s2;
	s2 =	spop (v2sf)  }
0x22a: {  	s2 =	sand.u32 $0x60, s2;
	s6 =	spop (v2sf)  }
0x22b: {  	s7 =	sand.u32 $0x60, s6;
	s6 =	spop (v2sf)  }
0x22c: {  	[tilespmem:s23+$0xFFFFFF00] =	vst v0;
	s6 =	sand.u32 $0x60, s6;
	s16 =	spop (v2sf)  }
0x22d: {  	v0 =	vld [tilespmem:s10+$0x610];
	s31 =	sand.u32 $0x60, s16;
	s10 =	spop (v2sf)  }
0x22e: {  	s29 =	sand.u32 $0x60, s10;
	s10 =	spop (v2sf)  }
0x22f: {  	s24 =	sand.u32 $0x60, s10;
	s10 =	spop (v2sf)  }
0x230: {  	s21 =	sand.u32 $0x60, s10;
	s10 =	spop (v2sf)  }
0x231: {  	s18 =	sand.u32 $0x60, s10;
	s10 =	spop (v2sf)  }
0x232: {  	s11 =	sadd.s32 s19, s11;
	[tilespmem:s23+$0xFFFFFF10] =	vst v0;
	s17 =	sand.u32 $0x60, s10;
	s10 =	spop (v2sf)  }
0x233: {  	v0 =	vld [tilespmem:s11+$0x680];
	s16 =	sand.u32 $0x60, s10;
	s10 =	spop (v2sf)  }
0x234: {  	s20 =	sand.u32 $0x60, s10;
	_ =	sdelay $0x3  }
0x235: {  	[tilespmem:s23+$0xFFFFFF20] =	vst v0  }
0x236: {  	v0 =	vld [tilespmem:s11+$0x690];
	_ =	sdelay $0x4  }
0x237: {  	s10 =	sadd.s32 s19, s12;
	[tilespmem:s23+$0xFFFFFF30] =	vst v0  }
0x238: {  	v0 =	vld [tilespmem:s10+$0x700];
	_ =	sdelay $0x4  }
0x239: {  	[tilespmem:s23+$0xFFFFFF40] =	vst v0  }
0x23a: {  	v0 =	vld [tilespmem:s10+$0x710];
	_ =	sdelay $0x4  }
0x23b: {  	s9 =	sadd.s32 s19, s9;
	[tilespmem:s23+$0xFFFFFF50] =	vst v0  }
0x23c: {  	v0 =	vld [tilespmem:s9+$0x780];
	_ =	sdelay $0x4  }
0x23d: {  	[tilespmem:s23+$0xFFFFFF60] =	vst v0  }
0x23e: {  	v0 =	vld [tilespmem:s9+$0x790];
	_ =	sdelay $0x4  }
0x23f: {  	s8 =	sadd.s32 s19, s8;
	[tilespmem:s23+$0xFFFFFF70] =	vst v0  }
0x240: {  	v0 =	vld [tilespmem:s8+$0x800];
	_ =	sdelay $0x4  }
0x241: {  	[tilespmem:s23+$0xFFFFFF80] =	vst v0  }
0x242: {  	v0 =	vld [tilespmem:s8+$0x810];
	_ =	sdelay $0x4  }
0x243: {  	s2 =	sadd.s32 s19, s2;
	[tilespmem:s23+$0xFFFFFF90] =	vst v0  }
0x244: {  	v0 =	vld [tilespmem:s2+$0x880];
	_ =	sdelay $0x4  }
0x245: {  	[tilespmem:s23+$0xFFFFFFA0] =	vst v0  }
0x246: {  	v0 =	vld [tilespmem:s2+$0x890];
	_ =	sdelay $0x4  }
0x247: {  	s2 =	sadd.s32 s19, s7;
	[tilespmem:s23+$0xFFFFFFB0] =	vst v0  }
0x248: {  	v0 =	vld [tilespmem:s2+$0x900];
	_ =	sdelay $0x4  }
0x249: {  	[tilespmem:s23+$0xFFFFFFC0] =	vst v0  }
0x24a: {  	v0 =	vld [tilespmem:s2+$0x910];
	_ =	sdelay $0x4  }
0x24b: {  	s2 =	sadd.s32 s19, s6;
	[tilespmem:s23+$0xFFFFFFD0] =	vst v0  }
0x24c: {  	v0 =	vld [tilespmem:s2+$0x980];
	_ =	sdelay $0x4  }
0x24d: {  	[tilespmem:s23+$0xFFFFFFE0] =	vst v0  }
0x24e: {  	v0 =	vld [tilespmem:s2+$0x990];
	_ =	sdelay $0x4  }
0x24f: {  	s2 =	sadd.s32 s19, s31;
	[tilespmem:s23+$0xFFFFFFF0] =	vst v0  }
0x250: {  	v0 =	vld [tilespmem:s2+$0xA00];
	_ =	sdelay $0x4  }
0x251: {  	[tilespmem:s23+$0x0] =	vst v0  }
0x252: {  	v0 =	vld [tilespmem:s2+$0xA10];
	_ =	sdelay $0x4  }
0x253: {  	s2 =	sadd.s32 s19, s29;
	[tilespmem:s23+$0x10] =	vst v0  }
0x254: {  	v0 =	vld [tilespmem:s2+$0xA80];
	_ =	sdelay $0x4  }
0x255: {  	[tilespmem:s23+$0x20] =	vst v0  }
0x256: {  	v0 =	vld [tilespmem:s2+$0xA90];
	_ =	sdelay $0x4  }
0x257: {  	s2 =	sadd.s32 s19, s24;
	[tilespmem:s23+$0x30] =	vst v0  }
0x258: {  	v0 =	vld [tilespmem:s2+$0xB00];
	_ =	sdelay $0x4  }
0x259: {  	[tilespmem:s23+$0x40] =	vst v0  }
0x25a: {  	v0 =	vld [tilespmem:s2+$0xB10];
	_ =	sdelay $0x4  }
0x25b: {  	s2 =	sadd.s32 s19, s21;
	[tilespmem:s23+$0x50] =	vst v0  }
0x25c: {  	v0 =	vld [tilespmem:s2+$0xB80];
	_ =	sdelay $0x4  }
0x25d: {  	[tilespmem:s23+$0x60] =	vst v0  }
0x25e: {  	v0 =	vld [tilespmem:s2+$0xB90];
	_ =	sdelay $0x4  }
0x25f: {  	s2 =	sadd.s32 s19, s18;
	[tilespmem:s23+$0x70] =	vst v0  }
0x260: {  	v0 =	vld [tilespmem:s2+$0xC00];
	_ =	sdelay $0x4  }
0x261: {  	[tilespmem:s23+$0x80] =	vst v0  }
0x262: {  	v0 =	vld [tilespmem:s2+$0xC10];
	_ =	sdelay $0x4  }
0x263: {  	s2 =	sadd.s32 s19, s17;
	[tilespmem:s23+$0x90] =	vst v0  }
0x264: {  	v0 =	vld [tilespmem:s2+$0xC80];
	_ =	sdelay $0x4  }
0x265: {  	[tilespmem:s23+$0xA0] =	vst v0  }
0x266: {  	v0 =	vld [tilespmem:s2+$0xC90];
	_ =	sdelay $0x4  }
0x267: {  	s2 =	sadd.s32 s19, s16;
	[tilespmem:s23+$0xB0] =	vst v0  }
0x268: {  	v0 =	vld [tilespmem:s2+$0xD00];
	_ =	sdelay $0x4  }
0x269: {  	[tilespmem:s23+$0xC0] =	vst v0  }
0x26a: {  	v0 =	vld [tilespmem:s2+$0xD10];
	_ =	sdelay $0x4  }
0x26b: {  	s2 =	sadd.s32 s19, s20;
	[tilespmem:s23+$0xD0] =	vst v0  }
0x26c: {  	v0 =	vld [tilespmem:s2+$0xD80];
	_ =	sdelay $0x4  }
0x26d: {  	[tilespmem:s23+$0xE0] =	vst v0  }
.Ltmp1:
0x26e: {  	v0 =	vld [tilespmem:s2+$0xD90];
	(pc) =	sbr.rel @p0 .LBB2_4-.Ltmp1, $4  }
0x26f: {  	_ = 	snop  }
0x270: {  	s25 =	sadd.s32 $0x40, s25  }
0x271: {  	s28 =	sadd.s32 $0x10, s28;
	s6 =	sand.u32 $0x200, s25  }
0x272: {  	s6 =	sshrl.u32 s6, $0x2;
	s2 =	sand.u32 $0x70, s28  }
0x273: {  	s2 =	sor.u32 s2, s6;
	[tilespmem:s23+$0xF0] =	vst v0  }
0x274: {  	v0 =	vld [tilespmem:s2+$0x100];
	_ =	sdelay $0x4  }
0x275: {  	v0 =	vshrl.u32 v0, $0x4  }
0x276: {  	(v2sf) =	vpush v0, $0x0;
	_ =	sdelay $0xb  }
0x277: {  	(v2sf) =	vpush v0, $0x1;
	_ =	sdelay $0x2  }
0x278: {  	s29 =	spop (v2sf)  }
0x279: {  	s16 =	sshra.s32 s26, $0x2;
	s2 =	sand.u32 $0x60, s29  }
0x27a: {  	s2 =	sadd.s32 s16, s2  }
0x27b: {  	v1 =	vld [tilespmem:s2+$0x600];
	_ =	sdelay $0x3  }
0x27c: {  	s30 =	sadd.s32 $0x200, s23  }
0x27d: {  	[tilespmem:s30+$0xFFFFFF00] =	vst v1  }
0x27e: {  	(v2sf) =	vpush v0, $0x2;
	v1 =	vld [tilespmem:s2+$0x610];
	_ =	sdelay $0x2  }
0x27f: {  	s31 =	spop (v2sf)  }
0x280: {  	s2 =	sand.u32 $0x60, s31  }
0x281: {  	s2 =	sadd.s32 s16, s2;
	[tilespmem:s30+$0xFFFFFF10] =	vst v1  }
0x282: {  	v1 =	vld [tilespmem:s2+$0x680];
	_ =	sdelay $0x4  }
0x283: {  	[tilespmem:s30+$0xFFFFFF20] =	vst v1  }
0x284: {  	(v2sf) =	vpush v0, $0x3;
	v1 =	vld [tilespmem:s2+$0x690];
	_ =	sdelay $0x2  }
0x285: {  	s7 =	spop (v2sf)  }
0x286: {  	s2 =	sand.u32 $0x60, s7  }
0x287: {  	s2 =	sadd.s32 s16, s2;
	[tilespmem:s30+$0xFFFFFF30] =	vst v1  }
0x288: {  	v1 =	vld [tilespmem:s2+$0x700];
	_ =	sdelay $0x4  }
0x289: {  	[tilespmem:s30+$0xFFFFFF40] =	vst v1  }
0x28a: {  	(v2sf) =	vpush v0, $0x4;
	v1 =	vld [tilespmem:s2+$0x710];
	_ =	sdelay $0x2  }
0x28b: {  	s8 =	spop (v2sf)  }
0x28c: {  	s2 =	sand.u32 $0x60, s8  }
0x28d: {  	s2 =	sadd.s32 s16, s2;
	[tilespmem:s30+$0xFFFFFF50] =	vst v1  }
0x28e: {  	v1 =	vld [tilespmem:s2+$0x780];
	_ =	sdelay $0x4  }
0x28f: {  	[tilespmem:s30+$0xFFFFFF60] =	vst v1  }
0x290: {  	(v2sf) =	vpush v0, $0x5;
	v1 =	vld [tilespmem:s2+$0x790];
	_ =	sdelay $0x2  }
0x291: {  	s9 =	spop (v2sf)  }
0x292: {  	s2 =	sand.u32 $0x60, s9  }
0x293: {  	s2 =	sadd.s32 s16, s2;
	[tilespmem:s30+$0xFFFFFF70] =	vst v1  }
0x294: {  	v1 =	vld [tilespmem:s2+$0x800];
	_ =	sdelay $0x4  }
0x295: {  	[tilespmem:s30+$0xFFFFFF80] =	vst v1  }
0x296: {  	(v2sf) =	vpush v0, $0x6;
	v1 =	vld [tilespmem:s2+$0x810];
	_ =	sdelay $0x2  }
0x297: {  	s10 =	spop (v2sf)  }
0x298: {  	s2 =	sand.u32 $0x60, s10  }
0x299: {  	s2 =	sadd.s32 s16, s2;
	[tilespmem:s30+$0xFFFFFF90] =	vst v1  }
0x29a: {  	v1 =	vld [tilespmem:s2+$0x880];
	_ =	sdelay $0x4  }
0x29b: {  	[tilespmem:s30+$0xFFFFFFA0] =	vst v1  }
0x29c: {  	(v2sf) =	vpush v0, $0x7;
	v1 =	vld [tilespmem:s2+$0x890];
	_ =	sdelay $0x2  }
0x29d: {  	s11 =	spop (v2sf)  }
0x29e: {  	s2 =	sand.u32 $0x60, s11  }
0x29f: {  	s2 =	sadd.s32 s16, s2;
	[tilespmem:s30+$0xFFFFFFB0] =	vst v1  }
0x2a0: {  	v1 =	vld [tilespmem:s2+$0x900];
	_ =	sdelay $0x4  }
0x2a1: {  	[tilespmem:s30+$0xFFFFFFC0] =	vst v1  }
0x2a2: {  	(v2sf) =	vpush v0, $0x8;
	v1 =	vld [tilespmem:s2+$0x910];
	_ =	sdelay $0x2  }
0x2a3: {  	s12 =	spop (v2sf)  }
0x2a4: {  	s2 =	sand.u32 $0x60, s12  }
0x2a5: {  	s2 =	sadd.s32 s16, s2;
	[tilespmem:s30+$0xFFFFFFD0] =	vst v1  }
0x2a6: {  	v1 =	vld [tilespmem:s2+$0x980];
	_ =	sdelay $0x4  }
0x2a7: {  	[tilespmem:s30+$0xFFFFFFE0] =	vst v1  }
0x2a8: {  	(v2sf) =	vpush v0, $0x9;
	v1 =	vld [tilespmem:s2+$0x990];
	_ =	sdelay $0x2  }
0x2a9: {  	s17 =	spop (v2sf)  }
0x2aa: {  	s2 =	sand.u32 $0x60, s17  }
0x2ab: {  	s2 =	sadd.s32 s16, s2;
	[tilespmem:s30+$0xFFFFFFF0] =	vst v1  }
0x2ac: {  	v1 =	vld [tilespmem:s2+$0xA00];
	_ =	sdelay $0x4  }
0x2ad: {  	[tilespmem:s30+$0x0] =	vst v1  }
0x2ae: {  	(v2sf) =	vpush v0, $0xA;
	v1 =	vld [tilespmem:s2+$0xA10];
	_ =	sdelay $0x2  }
0x2af: {  	s18 =	spop (v2sf)  }
0x2b0: {  	s2 =	sand.u32 $0x60, s18  }
0x2b1: {  	s2 =	sadd.s32 s16, s2;
	[tilespmem:s30+$0x10] =	vst v1  }
0x2b2: {  	v1 =	vld [tilespmem:s2+$0xA80];
	_ =	sdelay $0x4  }
0x2b3: {  	[tilespmem:s30+$0x20] =	vst v1  }
0x2b4: {  	(v2sf) =	vpush v0, $0xB;
	v1 =	vld [tilespmem:s2+$0xA90];
	_ =	sdelay $0x2  }
0x2b5: {  	s19 =	spop (v2sf)  }
0x2b6: {  	s2 =	sand.u32 $0x60, s19  }
0x2b7: {  	s2 =	sadd.s32 s16, s2;
	[tilespmem:s30+$0x30] =	vst v1  }
0x2b8: {  	v1 =	vld [tilespmem:s2+$0xB00];
	_ =	sdelay $0x4  }
0x2b9: {  	[tilespmem:s30+$0x40] =	vst v1  }
0x2ba: {  	(v2sf) =	vpush v0, $0xC;
	v1 =	vld [tilespmem:s2+$0xB10];
	_ =	sdelay $0x2  }
0x2bb: {  	s20 =	spop (v2sf)  }
0x2bc: {  	s2 =	sand.u32 $0x60, s20  }
0x2bd: {  	s2 =	sadd.s32 s16, s2;
	[tilespmem:s30+$0x50] =	vst v1  }
0x2be: {  	v1 =	vld [tilespmem:s2+$0xB80];
	_ =	sdelay $0x4  }
0x2bf: {  	[tilespmem:s30+$0x60] =	vst v1  }
0x2c0: {  	(v2sf) =	vpush v0, $0xD;
	v1 =	vld [tilespmem:s2+$0xB90];
	_ =	sdelay $0x2  }
0x2c1: {  	s21 =	spop (v2sf)  }
0x2c2: {  	s2 =	sand.u32 $0x60, s21  }
0x2c3: {  	s2 =	sadd.s32 s16, s2;
	[tilespmem:s30+$0x70] =	vst v1  }
0x2c4: {  	v1 =	vld [tilespmem:s2+$0xC00];
	_ =	sdelay $0x4  }
0x2c5: {  	[tilespmem:s30+$0x80] =	vst v1  }
0x2c6: {  	(v2sf) =	vpush v0, $0xE;
	v1 =	vld [tilespmem:s2+$0xC10];
	_ =	sdelay $0x2  }
0x2c7: {  	s23 =	spop (v2sf)  }
0x2c8: {  	s2 =	sand.u32 $0x60, s23  }
0x2c9: {  	s2 =	sadd.s32 s16, s2;
	[tilespmem:s30+$0x90] =	vst v1  }
0x2ca: {  	v1 =	vld [tilespmem:s2+$0xC80];
	_ =	sdelay $0x4  }
0x2cb: {  	[tilespmem:s30+$0xA0] =	vst v1  }
0x2cc: {  	(v2sf) =	vpush v0, $0xF;
	v63 =	vld [tilespmem:s2+$0xC90];
	_ =	sdelay $0x2  }
0x2cd: {  	s24 =	spop (v2sf)  }
0x2ce: {  	s2 =	sand.u32 $0x60, s24  }
0x2cf: {  	s2 =	sadd.s32 s16, s2;
	[tilespmem:s30+$0xB0] =	vst v63  }
0x2d0: {  	v0 =	vld [tilespmem:s2+$0xD00];
	_ =	sdelay $0x4  }
0x2d1: {  	[tilespmem:s30+$0xC0] =	vst v0  }
0x2d2: {  	v0 =	vld [tilespmem:s2+$0xD10];
	_ =	sdelay $0x2  }
0x2d3: {  	s25 =	spop (v2sf)  }
0x2d4: {  	s2 =	sand.u32 $0x60, s25  }
0x2d5: {  	s2 =	sadd.s32 s16, s2;
	[tilespmem:s30+$0xD0] =	vst v0  }
0x2d6: {  	v0 =	vld [tilespmem:s2+$0xD80];
	_ =	sdelay $0x4  }
0x2d7: {  	[tilespmem:s30+$0xE0] =	vst v0  }
0x2d8: {  	v0 =	vld [tilespmem:s2+$0xD90];
	_ =	sdelay $0x4  }
0x2d9: {  	s26 =	rddreg [dreg:$0x9];
	s28 =	simm.s32 $0xC800;
	[tilespmem:s30+$0xF0] =	vst v0  }
0x2da: {  	[hbm4b:s26+s3] =	stream.linear.scatter [tilespmem:s28], [sflag:$0x2], $0x2000, $0x38;
	[tilespmem:$0xE800] =	vst v63  }
0x2db: {  	_ =	swait.ge [sflag:s13], $0x2000  }
0x2dc: {  	[sflag:s13] =	ssyncset.done $0x0  }
0x2dd: {  	[sflag:s13] =	ssyncadd.s32 $0xFFFFE000  }
0x2de: {  	_ =	swait.ge [sflag:s0], $0x1000  }
0x2df: {  	[sflag:s0] =	ssyncset.done $0x0  }
0x2e0: {  	[sflag:s0] =	ssyncadd.s32 $0xFFFFF000  }
0x2e1: {  	_ =	swait.ge [sflag:s0], $0x80  }
0x2e2: {  	[sflag:s0] =	ssyncset.done $0x0  }
0x2e3: {  	[sflag:s0] =	ssyncadd.s32 $0xFFFFFF80  }
0x2e4: {  	_ =	swait.ge [sflag:s0], $0x1000  }
0x2e5: {  	[sflag:s0] =	ssyncset.done $0x0  }
0x2e6: {  	[sflag:s0] =	ssyncadd.s32 $0xFFFFF000  }
0x2e7: {  	_ =	swait.ge [sflag:s0], $0x80  }
0x2e8: {  	[sflag:s0] =	ssyncset.done $0x0  }
0x2e9: {  	[sflag:s0] =	ssyncadd.s32 $0xFFFFFF80  }
0x2ea: {  	_ =	swait.ge [sflag:s0], $0x1000  }
0x2eb: {  	[sflag:s0] =	ssyncset.done $0x0  }
0x2ec: {  	[sflag:s0] =	ssyncadd.s32 $0xFFFFF000  }
0x2ed: {  	_ =	swait.ge [sflag:s0], $0x80  }
0x2ee: {  	[sflag:s0] =	ssyncset.done $0x0  }
0x2ef: {  	[sflag:s0] =	ssyncadd.s32 $0xFFFFFF80  }
0x2f0: {  	_ =	swait.ge [sflag:s0], $0x1000  }
0x2f1: {  	[sflag:s0] =	ssyncset.done $0x0  }
0x2f2: {  	[sflag:s0] =	ssyncadd.s32 $0xFFFFF000  }
0x2f3: {  	_ =	swait.ge [sflag:s0], $0x80  }
0x2f4: {  	[sflag:s0] =	ssyncset.done $0x0  }
0x2f5: {  	s6 =	simm.s32 $0x8600;
	s29 =	rddreg [dreg:$0xa];
	[sflag:s0] =	ssyncadd.s32 $0xFFFFFF80  }
0x2f6: {  	[hbm4b:s29+s3] =	stream.linear.scatter [tilespmem:s6], [sflag:$0x2], $0x4000, $0x38;
	[tilespmem:$0xE800] =	vst v63  }
0x2f7: {  	_ =	swait.ge [sflag:s13], $0x4000  }
0x2f8: {  	[sflag:s13] =	ssyncset.done $0x0  }
0x2f9: {  	s7 =	simm.s32 $0xC600;
	s30 =	rddreg [dreg:$0xb];
	[sflag:s13] =	ssyncadd.s32 $0xFFFFC000  }
0x2fa: {  	[hbm4b:s30+s3] =	stream.linear.scatter [tilespmem:s7], [sflag:$0x2], $0x200, $0x38;
	[tilespmem:$0xE800] =	vst v63  }
0x2fb: {  	_ =	swait.ge [sflag:s13], $0x200  }
0x2fc: {  	s22 =	sadd.s32 $0x1, s22;
	s31 =	rddreg [dreg:$0xc]  }
0x2fd: {  	p0 =	sne.s32 s22, s31  }
.Ltmp2:
0x2fe: {  	_ = 	snop;
	(pc) =	sbr.rel @p0 .LBB2_1-.Ltmp2, $3  }
0x2ff: {  	_ =	sdelay $0x1  }
0x300: {  	[sflag:s13] =	ssyncset.done $0x0  }
0x301: {  	s12 =	simm.s32 $0x600;
	[sflag:s13] =	ssyncadd.s32 $0xFFFFFE00  }
0x302: {  	_ =	sfence.sel $0x180000  }
0x303: {  	[bflag:$0x0] =	sbarrier.arrive $0xFFFF  }
0x304: {  	_ =	strace $0x90000047  }
0x305: {  	s0 =	stileid.u32;
	[bflag:$0x2] =	sbarrier.arrive $0xFFFF  }
0x306: {  	p0 =	sne.s32 s0, $0x0;
	s0 =	rddreg [dreg:$0x5]  }
0x307: {  	s0 =	sadd.s32 @!p0 $0x100000, s0  }
0x308: {  	[sflag:s0] =	ssyncadd.tile.s32 @!p0 $0x1;
	_ =	shalt  }
.Lfunc_end2:
_tile_overlayer_lowered:
.L_overlay_start_2:
0x309: {  	(tag) =	ssettag $0x2  }
0x30a: {  	s0 =	rddreg [dreg:$0x0];
	s2 =	stileid.u32  }
0x30b: {  	s1 =	rddreg [dreg:$0x1];
	p0 =	sne.s32 s2, $0x0  }
0x30c: {  	s3 =	rddreg [dreg:$0x2];
	[bflag:$0x3] =	sbarrier.arrive $0xFFFF;
	s2 =	simm.s32 @!p0 $0x1C02  }
0x30d: {  	[timem:s3], [sflag:s2] =	dma.local @!p0 [hbm:s0], s1  }
0x30e: {  	s0 =	simm.s32 @!p0 $0x2  }
0x30f: {  	_ =	swait.ge @!p0 [sflag:s0], s1  }
0x310: {  	s1 =	ssub.s32 @!p0 $0x0, s1;
	[sflag:s0] =	ssyncset.done @!p0 $0x0  }
0x311: {  	[sflag:s0] =	ssyncadd.s32 @!p0 s1  }
0x312: {  	[bflag:$0x3] =	sbarrier.arrive $0xFFFF  }
0x313: {  	_ =	shalt  }

</sc_bundles>
